<compile_context>
chip_gen: v7x
topology: tpu7x:2x2x1
jax: 0.10.2.dev20260603
libtpu: 0.0.44.dev20260713+nightly
codegen_flags: <defaults>
</compile_context>

<pallas_src>
import functools

import numpy as np
import jax
import jax.numpy as jnp
from jax import lax
from jax.experimental import pallas as pl
from jax.experimental.pallas import tpu as pltpu
from jax.experimental.pallas import tpu_sc as plsc

_RCA = 3.5
_SZ = np.array([0.19634954, 0.58904862, 0.9817477, 1.3744468,
                1.7671459, 2.1598449, 2.552544, 2.9452431], dtype=np.float64)
_SA = np.array([0.9, 1.55, 2.2, 2.85], dtype=np.float64)
_HC = (0.5 * np.cos(_SZ)).astype(np.float32)
_HS = (0.5 * np.sin(_SZ)).astype(np.float32)
_SAF = _SA.astype(np.float32)
_COSP = (0.9999999738948335, -0.49999985130227886, 0.04166646235582207,
         -0.0013887731795384876, 2.4769053365277362e-05,
         -2.7075450696039624e-07, 1.7243752160329109e-09)

_B, _N, _NQ, _NP = 4, 48, 32, 10
_NW = 32
_APW = _B * _N // _NW
_WPB = _N // _APW
_ACC = _APW * _NP * _NQ
_MAXPAIR = 1152
_PJT = np.zeros(_MAXPAIR, np.int32)
_PKT = np.zeros(_MAXPAIR, np.int32)
_t = 0
for _kk in range(1, _N - 1):
    for _jj in range(_kk):
        _PJT[_t] = _jj
        _PKT[_t] = _kk
        _t += 1
_QCV = np.zeros(128, np.float32)
_QCV[0:16] = np.tile(_HC, 2)
_QCV[16:32] = np.tile(_HS, 2)


def _poly_cos(t):
    r = jnp.float32(_COSP[6])
    for c in _COSP[5::-1]:
        r = r * t + jnp.float32(c)
    return r


def _scal(ref, i):
    return ref[pl.ds(i, 16)][0]


def _aev_body(d_hbm, s_hbm, pj_hbm, pk_hbm, qc_hbm, out_hbm,
              d_v, s_v, na_v, pj_v, pk_v, tj_v, tk_v,
              qc_v, acc_v, acc1_v, sem):
    wid = lax.axis_index("s") * 2 + lax.axis_index("c")
    b = wid // _WPB
    i0 = (wid % _WPB) * _APW
    h1 = pltpu.async_copy(d_hbm.at[pl.ds(b * (_N * _N), _N * _N)],
                          d_v.at[pl.ds(0, _N * _N)], sem)
    h2 = pltpu.async_copy(s_hbm, s_v.at[pl.ds(0, _B * _N)], sem)
    h3 = pltpu.async_copy(pj_hbm, pj_v, sem)
    h4 = pltpu.async_copy(pk_hbm, pk_v, sem)
    h5 = pltpu.async_copy(qc_hbm, qc_v, sem)
    sbase = b * _N

    zeros16 = jnp.zeros((16,), jnp.float32)
    izeros16 = jnp.zeros((16,), jnp.int32)

    @plsc.parallel_loop(0, _ACC // 16, 1, unroll=8)
    def _zero(t):
        acc_v[pl.ds(t * 16, 16)] = zeros16
        acc1_v[pl.ds(t * 16, 16)] = zeros16
    for c in range(4):
        na_v[pl.ds(c * 16, 16)] = izeros16
    h1.wait()
    h2.wait()
    h3.wait()
    h4.wait()
    h5.wait()

    pi_rca = jnp.float32(np.pi / _RCA)

    def _prep(ii, tt):
        iloc = i0 + ii
        svi = _scal(s_v, sbase + iloc)
        drow = iloc * _N
        slot = ii * 64

        n = jnp.int32(0)
        for c in range(3):
            dv = d_v[pl.ds(drow + c * 16, 16)]
            sv = s_v[pl.ds(sbase + c * 16, 16)]
            jv = lax.iota(jnp.int32, 16) + (c * 16)
            vi = jnp.full((16,), svi, jnp.int32)
            m = (dv < _RCA) & (jv != iloc) & (sv > 0) & (vi > 0)
            mi = m.astype(jnp.int32)
            pos = plsc.cumsum(mi) + (n - 1) + slot
            plsc.store_scatter(na_v, [pos], jv, mask=m)
            n = n + jnp.sum(mi)
        na_v[pl.ds(slot + n, 16)] = izeros16

        tc_i = lax.shift_right_logical(n * (n - 1), 1)

        def _cp(c, cc):
            tj_v[pl.ds(tt + c * 16, 16)] = pj_v[pl.ds(c * 16, 16)] + slot
            tk_v[pl.ds(tt + c * 16, 16)] = pk_v[pl.ds(c * 16, 16)] + slot
            return cc

        lax.fori_loop(0, lax.shift_right_logical(tc_i + 15, 4), _cp, 0)
        return tt + tc_i

    tt = lax.fori_loop(0, _APW, _prep, jnp.int32(0))
    tj_v[pl.ds(tt, 16)] = izeros16
    tk_v[pl.ds(tt, 16)] = izeros16

    @plsc.parallel_loop(0, lax.shift_right_logical(tt + 15, 4), 1)
    def _chunk(c2):
        base = c2 * 16
        live = lax.iota(jnp.int32, 16) + base < tt
        pj = tj_v[pl.ds(base, 16)]
        pk = tk_v[pl.ds(base, 16)]
        ja = plsc.load_gather(na_v, [pj])
        ka = plsc.load_gather(na_v, [pk])
        drow_v = (lax.shift_right_logical(pj, 6) + i0) * _N
        r_ij = plsc.load_gather(d_v, [drow_v + ja])
        r_ik = plsc.load_gather(d_v, [drow_v + ka])
        r_jk = plsc.load_gather(d_v, [ja * _N + ka])
        sj = plsc.load_gather(s_v, [ja + sbase])
        sk = plsc.load_gather(s_v, [ka + sbase])
        uj = r_ij * pi_rca
        uk = r_ik * pi_rca
        fcj = jnp.float32(0.5) * _poly_cos(uj * uj) + jnp.float32(0.5)
        fck = jnp.float32(0.5) * _poly_cos(uk * uk) + jnp.float32(0.5)
        num = r_ij * r_ij + r_ik * r_ik - r_jk * r_jk
        den = jnp.maximum((r_ij + r_ij) * r_ik, jnp.float32(1e-10))
        cv = jnp.float32(0.95) * (num / den)
        t1 = jnp.maximum(jnp.float32(1.0) - cv * cv, jnp.float32(1e-20))
        ti = plsc.bitcast(t1, jnp.int32)
        yi = jnp.int32(0x5F3759DF) - lax.shift_right_logical(ti, 1)
        y = plsc.bitcast(yi, jnp.float32)
        for _ in range(3):
            y = y * (jnp.float32(1.5) - jnp.float32(0.5) * t1 * y * y)
        sinv = t1 * y
        ravg = jnp.float32(0.5) * (r_ij + r_ik)
        w = (fcj + fcj) * fck
        amin = jnp.minimum(sj, sk) - 1
        amax = jnp.maximum(sj, sk) - 1
        p = (amin * 4 - lax.shift_right_arithmetic(amin * (amin - 1), 1)
             + (amax - amin))
        pofs = p * _NQ + lax.shift_right_logical(pj, 6) * (_NP * _NQ)
        cv = jnp.where(live, cv, jnp.float32(0.0))
        ravg = jnp.where(live, ravg, jnp.float32(1.0))
        w = jnp.where(live, w, jnp.float32(0.0))
        pofs = jnp.where(live, pofs, 0)
        wf2 = []
        for a in range(4):
            e = ravg - jnp.float32(_SAF[a])
            wf2.append(w * jnp.exp(jnp.float32(-8.0) * (e * e)))
        half = lax.iota(jnp.int32, 16) < 8
        hcq = qc_v[pl.ds(0, 16)]
        hsq = qc_v[pl.ds(16, 16)]
        banks = (acc_v, acc1_v)
        for t in range(16):
            po = pofs[t]
            cb = jnp.full((16,), cv[t], jnp.float32)
            sb = jnp.full((16,), sinv[t], jnp.float32)
            w0 = jnp.full((16,), wf2[0][t], jnp.float32)
            w1 = jnp.full((16,), wf2[1][t], jnp.float32)
            w2 = jnp.full((16,), wf2[2][t], jnp.float32)
            w3 = jnp.full((16,), wf2[3][t], jnp.float32)
            x = jnp.float32(0.5) + cb * hcq + sb * hsq
            f1 = x * x
            f1 = f1 * f1
            f1 = f1 * f1
            f1 = f1 * f1
            f1 = f1 * f1
            lo = jnp.where(half, w0, w1)
            hi = jnp.where(half, w2, w3)
            bk = banks[t % 2]
            plsc.addupdate(bk.at[pl.ds(po, 16)], f1 * lo)
            plsc.addupdate(bk.at[pl.ds(po + 16, 16)], f1 * hi)
    @plsc.parallel_loop(0, _ACC // 16, 1, unroll=8)
    def _merge(t):
        o = t * 16
        acc_v[pl.ds(o, 16)] = acc_v[pl.ds(o, 16)] + acc1_v[pl.ds(o, 16)]

    pltpu.sync_copy(acc_v, out_hbm.at[pl.ds(wid * _ACC, _ACC)])


_aev_sc = functools.partial(
    pl.kernel,
    out_type=jax.ShapeDtypeStruct((_B * _N * _NP * _NQ,), jnp.float32),
    mesh=plsc.VectorSubcoreMesh(core_axis_name="c", subcore_axis_name="s"),
    scratch_types=[
        pltpu.VMEM((_N * _N + 16,), jnp.float32),
        pltpu.VMEM((_B * _N + 16,), jnp.int32),
        pltpu.VMEM((_APW * 64 + 16,), jnp.int32),
        pltpu.VMEM((_MAXPAIR,), jnp.int32),
        pltpu.VMEM((_MAXPAIR,), jnp.int32),
        pltpu.VMEM((_APW * 1081 + 32,), jnp.int32),
        pltpu.VMEM((_APW * 1081 + 32,), jnp.int32),
        pltpu.VMEM((128,), jnp.float32),
        pltpu.VMEM((_ACC,), jnp.float32),
        pltpu.VMEM((_ACC,), jnp.float32),
        pltpu.SemaphoreType.DMA,
    ],
    compiler_params=pltpu.CompilerParams(needs_layout_passes=False),
)(_aev_body)


def kernel(distance_matrices, num_species_batch):
    out = _aev_sc(distance_matrices.reshape(_B * _N * _N),
                  num_species_batch.reshape(_B * _N),
                  jnp.asarray(_PJT), jnp.asarray(_PKT), jnp.asarray(_QCV))
    return out.reshape(_B, _N, _NP * _NQ)

# --- scband reference (transcript-rebuilt; emitter-appended) ---
"""Pipeline reference for scband-anakin-44092134260991 (READ-ONLY COPY).

The authoritative reference and input builder live on the scoring server;
editing this copy changes nothing except your own understanding.
"""

import jax, jax.numpy as jnp
import numpy as np

RCA = 3.5
_Zeta = np.array([32.0], dtype=np.float32)
_ShfZ = np.array([0.19634954, 0.58904862, 0.9817477, 1.3744468, 1.7671459, 2.1598449, 2.552544, 2.9452431], dtype=np.float32)
_EtaA = np.array([8.0], dtype=np.float32)
_ShfA = np.array([0.9, 1.55, 2.2, 2.85], dtype=np.float32)
NUM_ELEMENTS = 4
NUM_PAIRS = 10  # upper-triangular pairs of 4 elements


def _quad_cart(a, b, c, d):
    # faithful to AngularAEVComputer.quadrupleCartProd ordering:
    # (a-major x b-minor), then c-major outer, then d-major outermost
    ab = np.stack(np.meshgrid(a, b, indexing='ij'), axis=-1).reshape(-1, 2)
    abc = np.concatenate([np.tile(ab, (len(c), 1)), np.repeat(c, ab.shape[0])[:, None]], axis=1)
    abcd = np.concatenate([np.tile(abc, (len(d), 1)), np.repeat(d, abc.shape[0])[:, None]], axis=1)
    return abcd.astype(np.float32)

_QUADS = _quad_cart(_Zeta, _ShfZ, _EtaA, _ShfA)
Zq = jnp.asarray(_QUADS[:, 0])
SZq = jnp.asarray(_QUADS[:, 1])
EAq = jnp.asarray(_QUADS[:, 2])
SAq = jnp.asarray(_QUADS[:, 3])
NQ = _QUADS.shape[0]  # 32 angular quadruplets


def _f_C(r):
    # original ANAKIN cutoff function
    return 0.5 * jnp.cos(np.pi * r / RCA) + 0.5


def setup_inputs(seed: int = 0) -> dict:
    key = jax.random.key(seed)
    k1, k2 = jax.random.split(key)
    B, N = 4, 48
    # build geometrically-valid distance matrices from random coordinates so the
    # Carnot angle formula operates on real triangles
    coords = jax.random.uniform(k1, (B, N, 3), minval=0.0, maxval=8.0, dtype=jnp.float32)
    diff = coords[:, :, None, :] - coords[:, None, :, :]
    distance_matrices = jnp.sqrt(jnp.sum(diff * diff, axis=-1) + 1e-12)
    # species ids in 1..4, 0 = padding (ragged molecules)
    num_species_batch = jax.random.randint(k2, (B, N), 0, NUM_ELEMENTS + 1, dtype=jnp.int32)
    return {"distance_matrices": distance_matrices, "num_species_batch": num_species_batch}


def reference(distance_matrices, num_species_batch):
    d = distance_matrices
    s = num_species_batch
    B, N = s.shape
    valid = s > 0
    eye = jnp.eye(N, dtype=bool)[None]
    # neighbour mask inside angular cutoff, excluding self and padded atoms
    nbr = (d < RCA) & (~eye) & valid[:, :, None] & valid[:, None, :]
    jlk = jnp.triu(jnp.ones((N, N), dtype=bool), 1)[None, None]
    # triplet mask: central atom i with neighbour pair (j, k), j < k
    mask_trip = nbr[:, :, :, None] & nbr[:, :, None, :] & jlk  # [B,N,N,N]
    R_ij = d[:, :, :, None]
    R_ik = d[:, :, None, :]
    R_jk = d[:, None, :, :]
    # Carnot theorem for the angle at the central atom
    denom = jnp.clip(2.0 * R_ij * R_ik, 1e-10, None)
    cos_alpha = (R_ij ** 2 + R_ik ** 2 - R_jk ** 2) / denom
    cos_alpha = jnp.where(mask_trip, cos_alpha, 0.0)
    alpha = jnp.arccos(0.95 * cos_alpha)  # [B,N,N,N]
    Ravg = (R_ij + R_ik) / 2.0
    fc = _f_C(R_ij) * _f_C(R_ik)  # [B,N,N,N]
    # ANAKIN angular term over all 32 quadruplet parameter combos
    factor_1 = ((1.0 + jnp.cos(alpha[..., None] - SZq)) / 2.0) ** Zq
    factor_2 = jnp.exp(-EAq * (Ravg[..., None] - SAq) ** 2)
    GA = 2.0 * factor_1 * factor_2 * fc[..., None]
    GA = GA * mask_trip[..., None].astype(GA.dtype)  # [B,N,N,N,NQ]
    # species-pair bin for the (j,k) neighbour pair, matching pairs_vocabulary order
    sj = s[:, :, None]
    sk = s[:, None, :]
    a = jnp.minimum(sj, sk) - 1
    b = jnp.maximum(sj, sk) - 1
    pair_idx = a * NUM_ELEMENTS - a * (a - 1) // 2 + (b - a)  # [B,N,N]
    pair_valid = valid[:, :, None] & valid[:, None, :]
    onehot = jax.nn.one_hot(pair_idx, NUM_PAIRS, dtype=GA.dtype) * pair_valid[..., None].astype(GA.dtype)
    # scatter-add GA terms into species-pair bins (ragged scatter done densely)
    aev = jnp.einsum('bijkq,bjkp->bipq', GA, onehot)  # [B,N,NUM_PAIRS,NQ]
    return aev.reshape(B, N, NUM_PAIRS * NQ)

if __name__ == "__main__":
    import jax
    _d = setup_inputs()
    print(jax.jit(kernel)(*tuple(_d.values())))

</pallas_src>

<mosaic_0001>
#map = affine_map<(d0, d1) -> (0)>
module attributes {stable_mosaic.version = 14 : i64} {
  func.func @_aev_body(%arg0: i32, %arg1: i32, %arg2: memref<9216xf32, #tpu.memory_space<hbm>>, %arg3: memref<192xi32, #tpu.memory_space<hbm>>, %arg4: memref<1152xi32, #tpu.memory_space<hbm>>, %arg5: memref<1152xi32, #tpu.memory_space<hbm>>, %arg6: memref<128xf32, #tpu.memory_space<hbm>>, %arg7: memref<61440xf32, #tpu.memory_space<hbm>>, %arg8: memref<2320xf32, #tpu.memory_space<vmem>>, %arg9: memref<208xi32, #tpu.memory_space<vmem>>, %arg10: memref<400xi32, #tpu.memory_space<vmem>>, %arg11: memref<1152xi32, #tpu.memory_space<vmem>>, %arg12: memref<1152xi32, #tpu.memory_space<vmem>>, %arg13: memref<6518xi32, #tpu.memory_space<vmem>>, %arg14: memref<6518xi32, #tpu.memory_space<vmem>>, %arg15: memref<128xf32, #tpu.memory_space<vmem>>, %arg16: memref<1920xf32, #tpu.memory_space<vmem>>, %arg17: memref<1920xf32, #tpu.memory_space<vmem>>, %arg18: memref<!tpu.dma_semaphore, #tpu.memory_space<semaphore_mem>>) attributes {dimension_semantics = [#tpu.dimension_semantics<core_parallel>, #tpu.dimension_semantics<subcore_parallel>], iteration_bounds = array<i64: 2, 16>, scalar_prefetch = 0 : i64, scratch_operands = 11 : i64, tpu.core_type = #tpu.core_type<sc_vector_subcore>, window_params = [{transform_indices = #map}, {transform_indices = #map}, {transform_indices = #map}, {transform_indices = #map}, {transform_indices = #map}, {transform_indices = #map}]} {
    %mul3A = arith.constant 2 : i32
    %mul3A_0 = arith.muli %arg1, %mul3A : i32
    %add3A = arith.addi %mul3A_0, %arg0 : i32
    %jit3A = arith.constant 8 : i32
    %div3A = arith.divsi %add3A, %jit3A : i32
    %sign3A = arith.constant 0 : i32
    %sign3A_1 = arith.cmpi sgt, %add3A, %sign3A : i32
    %sign3A_2 = arith.extui %sign3A_1 : i1 to i32
    %sign3A_3 = arith.constant 0 : i32
    %sign3A_4 = arith.cmpi slt, %add3A, %sign3A_3 : i32
    %sign3A_5 = arith.extui %sign3A_4 : i1 to i32
    %sign3A_6 = arith.subi %sign3A_2, %sign3A_5 : i32
    %sign3A_7 = arith.constant 0 : i32
    %sign3A_8 = arith.cmpi sgt, %jit3A, %sign3A_7 : i32
    %sign3A_9 = arith.extui %sign3A_8 : i1 to i32
    %sign3A_10 = arith.constant 0 : i32
    %sign3A_11 = arith.cmpi slt, %jit3A, %sign3A_10 : i32
    %sign3A_12 = arith.extui %sign3A_11 : i1 to i32
    %sign3A_13 = arith.subi %sign3A_9, %sign3A_12 : i32
    %ne3A = arith.cmpi ne, %sign3A_6, %sign3A_13 : i32
    %rem3A = arith.remsi %add3A, %jit3A : i32
    %ne3A_14 = arith.constant 0 : i32
    %ne3A_15 = arith.cmpi ne, %rem3A, %ne3A_14 : i32
    %and3A = arith.andi %ne3A, %ne3A_15 : i1
    %sub3A = arith.constant 1 : i32
    %sub3A_16 = arith.subi %div3A, %sub3A : i32
    %select_n3A = arith.select %and3A, %sub3A_16, %div3A : i32
    %jit3A_17 = arith.constant 8 : i32
    %eq3A = arith.constant 0 : i32
    %eq3A_18 = arith.cmpi eq, %jit3A_17, %eq3A : i32
    %jit3A_19 = arith.constant 1 : i32
    %select_n3A_20 = arith.select %eq3A_18, %jit3A_19, %jit3A_17 : i32
    %rem3A_21 = arith.remsi %add3A, %select_n3A_20 : i32
    %ne3A_22 = arith.constant 0 : i32
    %ne3A_23 = arith.cmpi ne, %rem3A_21, %ne3A_22 : i32
    %lt3A = arith.constant 0 : i32
    %lt3A_24 = arith.cmpi slt, %rem3A_21, %lt3A : i32
    %lt3A_25 = arith.constant 0 : i32
    %lt3A_26 = arith.cmpi slt, %select_n3A_20, %lt3A_25 : i32
    %ne3A_27 = arith.xori %lt3A_24, %lt3A_26 : i1
    %and3A_28 = arith.andi %ne3A_27, %ne3A_23 : i1
    %add3A_29 = arith.addi %rem3A_21, %select_n3A_20 : i32
    %select_n3A_30 = arith.select %and3A_28, %add3A_29, %rem3A_21 : i32
    %mul3A_31 = arith.constant 6 : i32
    %mul3A_32 = arith.muli %select_n3A_30, %mul3A_31 : i32
    %mul3A_33 = arith.constant 2304 : i32
    %mul3A_34 = arith.muli %select_n3A, %mul3A_33 : i32
    %dma_start3A = arith.constant 0 : i32
    %dma_start3A_35 = tpu.memref_slice %arg8[%dma_start3A] : memref<2320xf32, #tpu.memory_space<vmem>> -> memref<2304xf32, #tpu.memory_space<vmem>>
    %dma_start3A_36 = tpu.memref_slice %arg2[%mul3A_34] : memref<9216xf32, #tpu.memory_space<hbm>> -> memref<2304xf32, #tpu.memory_space<hbm>>
    %dma_start3A_37 = arith.constant 0 : i32
    %dma_start3A_38 = tpu.memref_slice %arg8[%dma_start3A_37] : memref<2320xf32, #tpu.memory_space<vmem>> -> memref<2304xf32, #tpu.memory_space<vmem>>
    %dma_start3A_39 = tpu.memref_slice %arg2[%mul3A_34] : memref<9216xf32, #tpu.memory_space<hbm>> -> memref<2304xf32, #tpu.memory_space<hbm>>
    tpu.enqueue_dma source(%dma_start3A_39 : memref<2304xf32, #tpu.memory_space<hbm>>) target(%dma_start3A_38 : memref<2304xf32, #tpu.memory_space<vmem>>) target_semaphore(%arg18 : memref<!tpu.dma_semaphore, #tpu.memory_space<semaphore_mem>>)
    %dma_start3A_40 = arith.constant 0 : i32
    %dma_start3A_41 = tpu.memref_slice %arg9[%dma_start3A_40] : memref<208xi32, #tpu.memory_space<vmem>> -> memref<192xi32, #tpu.memory_space<vmem>>
    %dma_start3A_42 = arith.constant 0 : i32
    %dma_start3A_43 = tpu.memref_slice %arg9[%dma_start3A_42] : memref<208xi32, #tpu.memory_space<vmem>> -> memref<192xi32, #tpu.memory_space<vmem>>
    tpu.enqueue_dma source(%arg3 : memref<192xi32, #tpu.memory_space<hbm>>) target(%dma_start3A_43 : memref<192xi32, #tpu.memory_space<vmem>>) target_semaphore(%arg18 : memref<!tpu.dma_semaphore, #tpu.memory_space<semaphore_mem>>)
    tpu.enqueue_dma source(%arg4 : memref<1152xi32, #tpu.memory_space<hbm>>) target(%arg11 : memref<1152xi32, #tpu.memory_space<vmem>>) target_semaphore(%arg18 : memref<!tpu.dma_semaphore, #tpu.memory_space<semaphore_mem>>)
    tpu.enqueue_dma source(%arg5 : memref<1152xi32, #tpu.memory_space<hbm>>) target(%arg12 : memref<1152xi32, #tpu.memory_space<vmem>>) target_semaphore(%arg18 : memref<!tpu.dma_semaphore, #tpu.memory_space<semaphore_mem>>)
    tpu.enqueue_dma source(%arg6 : memref<128xf32, #tpu.memory_space<hbm>>) target(%arg15 : memref<128xf32, #tpu.memory_space<vmem>>) target_semaphore(%arg18 : memref<!tpu.dma_semaphore, #tpu.memory_space<semaphore_mem>>)
    %mul3A_44 = arith.constant 48 : i32
    %mul3A_45 = arith.muli %select_n3A, %mul3A_44 : i32
    %broadcast_in_dim3A = arith.constant 0.000000e+00 : f32
    %broadcast_in_dim3A_46 = vector.broadcast %broadcast_in_dim3A : f32 to vector<16xf32>
    %broadcast_in_dim3A_47 = arith.constant 0 : i32
    %broadcast_in_dim3A_48 = vector.broadcast %broadcast_in_dim3A_47 : i32 to vector<16xi32>
    %parallel_loop3A = arith.constant 0 : i32
    %parallel_loop3A_49 = arith.constant 120 : i32
    %parallel_loop3A_50 = arith.constant 1 : i32
    scf.for %parallel_loop3A_88 = %parallel_loop3A to %parallel_loop3A_49 step %parallel_loop3A_50  : i32 {
      %parallel_loop3A_89 = arith.constant 16 : i32
      %parallel_loop3A_90 = arith.muli %parallel_loop3A_88, %parallel_loop3A_89 : i32
      %parallel_loop3A_91 = arith.index_cast %parallel_loop3A_90 : i32 to index
      %parallel_loop3A_92 = tpu.vector_load %arg16[%parallel_loop3A_91] {strides = array<i32>} : memref<1920xf32, #tpu.memory_space<vmem>>, vector<16xf32>,
      tpu.vector_store %arg16[%parallel_loop3A_91], %broadcast_in_dim3A_46 {strides = array<i32>} : memref<1920xf32, #tpu.memory_space<vmem>>, vector<16xf32>,
      %parallel_loop3A_93 = arith.constant 16 : i32
      %parallel_loop3A_94 = arith.muli %parallel_loop3A_88, %parallel_loop3A_93 : i32
      %parallel_loop3A_95 = arith.index_cast %parallel_loop3A_94 : i32 to index
      %parallel_loop3A_96 = tpu.vector_load %arg17[%parallel_loop3A_95] {strides = array<i32>} : memref<1920xf32, #tpu.memory_space<vmem>>, vector<16xf32>,
      tpu.vector_store %arg17[%parallel_loop3A_95], %broadcast_in_dim3A_46 {strides = array<i32>} : memref<1920xf32, #tpu.memory_space<vmem>>, vector<16xf32>,
    } {sc.loop_unroll_factor = 8 : i64, sc.parallel_access}
    %swap3A = arith.constant 0 : index
    %swap3A_51 = tpu.vector_load %arg10[%swap3A] {strides = array<i32>} : memref<400xi32, #tpu.memory_space<vmem>>, vector<16xi32>,
    tpu.vector_store %arg10[%swap3A], %broadcast_in_dim3A_48 {strides = array<i32>} : memref<400xi32, #tpu.memory_space<vmem>>, vector<16xi32>,
    %swap3A_52 = arith.constant 16 : index
    %swap3A_53 = tpu.vector_load %arg10[%swap3A_52] {strides = array<i32>} : memref<400xi32, #tpu.memory_space<vmem>>, vector<16xi32>,
    tpu.vector_store %arg10[%swap3A_52], %broadcast_in_dim3A_48 {strides = array<i32>} : memref<400xi32, #tpu.memory_space<vmem>>, vector<16xi32>,
    %swap3A_54 = arith.constant 32 : index
    %swap3A_55 = tpu.vector_load %arg10[%swap3A_54] {strides = array<i32>} : memref<400xi32, #tpu.memory_space<vmem>>, vector<16xi32>,
    tpu.vector_store %arg10[%swap3A_54], %broadcast_in_dim3A_48 {strides = array<i32>} : memref<400xi32, #tpu.memory_space<vmem>>, vector<16xi32>,
    %swap3A_56 = arith.constant 48 : index
    %swap3A_57 = tpu.vector_load %arg10[%swap3A_56] {strides = array<i32>} : memref<400xi32, #tpu.memory_space<vmem>>, vector<16xi32>,
    tpu.vector_store %arg10[%swap3A_56], %broadcast_in_dim3A_48 {strides = array<i32>} : memref<400xi32, #tpu.memory_space<vmem>>, vector<16xi32>,
    %dma_wait3A = arith.constant 0 : i32
    %dma_wait3A_58 = tpu.memref_slice %arg8[%dma_wait3A] : memref<2320xf32, #tpu.memory_space<vmem>> -> memref<2304xf32, #tpu.memory_space<vmem>>
    %dma_wait3A_59 = tpu.memref_slice %arg2[%mul3A_34] : memref<9216xf32, #tpu.memory_space<hbm>> -> memref<2304xf32, #tpu.memory_space<hbm>>
    %dma_wait3A_60 = arith.constant 0 : i32
    %dma_wait3A_61 = tpu.memref_slice %arg8[%dma_wait3A_60] : memref<2320xf32, #tpu.memory_space<vmem>> -> memref<2304xf32, #tpu.memory_space<vmem>>
    %dma_wait3A_62 = tpu.memref_slice %arg2[%mul3A_34] : memref<9216xf32, #tpu.memory_space<hbm>> -> memref<2304xf32, #tpu.memory_space<hbm>>
    tpu.wait_dma2 semaphore(%arg18 : memref<!tpu.dma_semaphore, #tpu.memory_space<semaphore_mem>>) src(%dma_wait3A_62 : memref<2304xf32, #tpu.memory_space<hbm>>) dst(%dma_wait3A_61 : memref<2304xf32, #tpu.memory_space<vmem>>)
    %dma_wait3A_63 = arith.constant 0 : i32
    %dma_wait3A_64 = tpu.memref_slice %arg9[%dma_wait3A_63] : memref<208xi32, #tpu.memory_space<vmem>> -> memref<192xi32, #tpu.memory_space<vmem>>
    %dma_wait3A_65 = arith.constant 0 : i32
    %dma_wait3A_66 = tpu.memref_slice %arg9[%dma_wait3A_65] : memref<208xi32, #tpu.memory_space<vmem>> -> memref<192xi32, #tpu.memory_space<vmem>>
    tpu.wait_dma2 semaphore(%arg18 : memref<!tpu.dma_semaphore, #tpu.memory_space<semaphore_mem>>) src(%arg3 : memref<192xi32, #tpu.memory_space<hbm>>) dst(%dma_wait3A_66 : memref<192xi32, #tpu.memory_space<vmem>>)
    tpu.wait_dma2 semaphore(%arg18 : memref<!tpu.dma_semaphore, #tpu.memory_space<semaphore_mem>>) src(%arg4 : memref<1152xi32, #tpu.memory_space<hbm>>) dst(%arg11 : memref<1152xi32, #tpu.memory_space<vmem>>)
    tpu.wait_dma2 semaphore(%arg18 : memref<!tpu.dma_semaphore, #tpu.memory_space<semaphore_mem>>) src(%arg5 : memref<1152xi32, #tpu.memory_space<hbm>>) dst(%arg12 : memref<1152xi32, #tpu.memory_space<vmem>>)
    tpu.wait_dma2 semaphore(%arg18 : memref<!tpu.dma_semaphore, #tpu.memory_space<semaphore_mem>>) src(%arg6 : memref<128xf32, #tpu.memory_space<hbm>>) dst(%arg15 : memref<128xf32, #tpu.memory_space<vmem>>)
    %scan3A = arith.constant 0 : i32
    %scan3A_67 = arith.constant 0 : i32
    %scan3A_68 = arith.constant 6 : i32
    %scan3A_69 = arith.addi %scan3A_67, %scan3A_68 : i32
    %scan3A_70 = arith.constant 1 : i32
    %scan3A_71 = scf.for %scan3A_88 = %scan3A_67 to %scan3A_69 step %scan3A_70 iter_args(%scan3A_89 = %scan3A) -> (i32)  : i32 {
      %add3A_90 = arith.addi %mul3A_32, %scan3A_88 : i32
      %add3A_91 = arith.addi %mul3A_45, %add3A_90 : i32
      %get3A = arith.index_cast %add3A_91 : i32 to index
      %get3A_92 = tpu.vector_load %arg9[%get3A] {strides = array<i32>} : memref<208xi32, #tpu.memory_space<vmem>>, vector<16xi32>,
      %slice3A = vector.extract_strided_slice %get3A_92 {offsets = [0], sizes = [1], strides = [1]} : vector<16xi32> to vector<1xi32>
      %squeeze3A = vector.extract %slice3A[0] : i32 from vector<1xi32>
      %mul3A_93 = arith.constant 48 : i32
      %mul3A_94 = arith.muli %add3A_90, %mul3A_93 : i32
      %mul3A_95 = arith.constant 64 : i32
      %mul3A_96 = arith.muli %scan3A_88, %mul3A_95 : i32
      %add3A_97 = arith.constant 0 : i32
      %add3A_98 = arith.addi %mul3A_94, %add3A_97 : i32
      %get3A_99 = arith.index_cast %add3A_98 : i32 to index
      %get3A_100 = tpu.vector_load %arg8[%get3A_99] {strides = array<i32>} : memref<2320xf32, #tpu.memory_space<vmem>>, vector<16xf32>,
      %add3A_101 = arith.constant 0 : i32
      %add3A_102 = arith.addi %mul3A_45, %add3A_101 : i32
      %get3A_103 = arith.index_cast %add3A_102 : i32 to index
      %get3A_104 = tpu.vector_load %arg9[%get3A_103] {strides = array<i32>} : memref<208xi32, #tpu.memory_space<vmem>>, vector<16xi32>,
      %iota3A = tpu.iota {dimensions = array<i32: 0>} : vector<16xi32>
      %add3A_105 = arith.constant 0 : i32
      %add3A_106 = vector.broadcast %add3A_105 : i32 to vector<16xi32>
      %add3A_107 = arith.addi %iota3A, %add3A_106 : vector<16xi32>
      %broadcast_in_dim3A_108 = vector.broadcast %squeeze3A : i32 to vector<16xi32>
      %lt3A_109 = arith.constant 3.500000e+00 : f32
      %lt3A_110 = vector.broadcast %lt3A_109 : f32 to vector<16xf32>
      %lt3A_111 = arith.cmpf olt, %get3A_100, %lt3A_110 : vector<16xf32>
      %ne3A_112 = vector.broadcast %add3A_90 : i32 to vector<16xi32>
      %ne3A_113 = arith.cmpi ne, %add3A_107, %ne3A_112 : vector<16xi32>
      %and3A_114 = arith.andi %lt3A_111, %ne3A_113 : vector<16xi1>
      %gt3A = arith.constant 0 : i32
      %gt3A_115 = vector.broadcast %gt3A : i32 to vector<16xi32>
      %gt3A_116 = arith.cmpi sgt, %get3A_104, %gt3A_115 : vector<16xi32>
      %and3A_117 = arith.andi %and3A_114, %gt3A_116 : vector<16xi1>
      %gt3A_118 = arith.constant 0 : i32
      %gt3A_119 = vector.broadcast %gt3A_118 : i32 to vector<16xi32>
      %gt3A_120 = arith.cmpi sgt, %broadcast_in_dim3A_108, %gt3A_119 : vector<16xi32>
      %and3A_121 = arith.andi %and3A_117, %gt3A_120 : vector<16xi1>
      %convert_element_type3A = arith.extui %and3A_121 : vector<16xi1> to vector<16xi32>
      %broadcast_in_dim3A_122 = arith.constant true
      %broadcast_in_dim3A_123 = vector.broadcast %broadcast_in_dim3A_122 : i1 to vector<16xi1>
      %masked_cumsum3A = tpu.scan <sum>, %convert_element_type3A masked %broadcast_in_dim3A_123 : vector<16xi32>, vector<16xi1> -> vector<16xi32>
      %sub3A_124 = arith.constant 0 : i32
      %sub3A_125 = arith.constant 1 : i32
      %sub3A_126 = arith.subi %sub3A_124, %sub3A_125 : i32
      %add3A_127 = vector.broadcast %sub3A_126 : i32 to vector<16xi32>
      %add3A_128 = arith.addi %masked_cumsum3A, %add3A_127 : vector<16xi32>
      %add3A_129 = vector.broadcast %mul3A_96 : i32 to vector<16xi32>
      %add3A_130 = arith.addi %add3A_128, %add3A_129 : vector<16xi32>
      tpu.vector_store_idx %arg10[%add3A_130], %add3A_107 masked %and3A_121 : memref<400xi32, #tpu.memory_space<vmem>>[vector<16xi32>], vector<16xi32>, vector<16xi1>
      %reduce_sum3A = arith.constant true
      %reduce_sum3A_131 = vector.broadcast %reduce_sum3A : i1 to vector<16xi1>
      %reduce_sum3A_132 = tpu.scan <sum>, %convert_element_type3A masked %reduce_sum3A_131 : vector<16xi32>, vector<16xi1> -> vector<16xi32>
      %reduce_sum3A_133 = vector.extract %reduce_sum3A_132[15] : i32 from vector<16xi32>
      %add3A_134 = arith.constant 0 : i32
      %add3A_135 = arith.addi %add3A_134, %reduce_sum3A_133 : i32
      %add3A_136 = arith.constant 16 : i32
      %add3A_137 = arith.addi %mul3A_94, %add3A_136 : i32
      %get3A_138 = arith.index_cast %add3A_137 : i32 to index
      %get3A_139 = tpu.vector_load %arg8[%get3A_138] {strides = array<i32>} : memref<2320xf32, #tpu.memory_space<vmem>>, vector<16xf32>,
      %add3A_140 = arith.constant 16 : i32
      %add3A_141 = arith.addi %mul3A_45, %add3A_140 : i32
      %get3A_142 = arith.index_cast %add3A_141 : i32 to index
      %get3A_143 = tpu.vector_load %arg9[%get3A_142] {strides = array<i32>} : memref<208xi32, #tpu.memory_space<vmem>>, vector<16xi32>,
      %iota3A_144 = tpu.iota {dimensions = array<i32: 0>} : vector<16xi32>
      %add3A_145 = arith.constant 16 : i32
      %add3A_146 = vector.broadcast %add3A_145 : i32 to vector<16xi32>
      %add3A_147 = arith.addi %iota3A_144, %add3A_146 : vector<16xi32>
      %broadcast_in_dim3A_148 = vector.broadcast %squeeze3A : i32 to vector<16xi32>
      %lt3A_149 = arith.constant 3.500000e+00 : f32
      %lt3A_150 = vector.broadcast %lt3A_149 : f32 to vector<16xf32>
      %lt3A_151 = arith.cmpf olt, %get3A_139, %lt3A_150 : vector<16xf32>
      %ne3A_152 = vector.broadcast %add3A_90 : i32 to vector<16xi32>
      %ne3A_153 = arith.cmpi ne, %add3A_147, %ne3A_152 : vector<16xi32>
      %and3A_154 = arith.andi %lt3A_151, %ne3A_153 : vector<16xi1>
      %gt3A_155 = arith.constant 0 : i32
      %gt3A_156 = vector.broadcast %gt3A_155 : i32 to vector<16xi32>
      %gt3A_157 = arith.cmpi sgt, %get3A_143, %gt3A_156 : vector<16xi32>
      %and3A_158 = arith.andi %and3A_154, %gt3A_157 : vector<16xi1>
      %gt3A_159 = arith.constant 0 : i32
      %gt3A_160 = vector.broadcast %gt3A_159 : i32 to vector<16xi32>
      %gt3A_161 = arith.cmpi sgt, %broadcast_in_dim3A_148, %gt3A_160 : vector<16xi32>
      %and3A_162 = arith.andi %and3A_158, %gt3A_161 : vector<16xi1>
      %convert_element_type3A_163 = arith.extui %and3A_162 : vector<16xi1> to vector<16xi32>
      %broadcast_in_dim3A_164 = arith.constant true
      %broadcast_in_dim3A_165 = vector.broadcast %broadcast_in_dim3A_164 : i1 to vector<16xi1>
      %masked_cumsum3A_166 = tpu.scan <sum>, %convert_element_type3A_163 masked %broadcast_in_dim3A_165 : vector<16xi32>, vector<16xi1> -> vector<16xi32>
      %sub3A_167 = arith.constant 1 : i32
      %sub3A_168 = arith.subi %add3A_135, %sub3A_167 : i32
      %add3A_169 = vector.broadcast %sub3A_168 : i32 to vector<16xi32>
      %add3A_170 = arith.addi %masked_cumsum3A_166, %add3A_169 : vector<16xi32>
      %add3A_171 = vector.broadcast %mul3A_96 : i32 to vector<16xi32>
      %add3A_172 = arith.addi %add3A_170, %add3A_171 : vector<16xi32>
      tpu.vector_store_idx %arg10[%add3A_172], %add3A_147 masked %and3A_162 : memref<400xi32, #tpu.memory_space<vmem>>[vector<16xi32>], vector<16xi32>, vector<16xi1>
      %reduce_sum3A_173 = arith.constant true
      %reduce_sum3A_174 = vector.broadcast %reduce_sum3A_173 : i1 to vector<16xi1>
      %reduce_sum3A_175 = tpu.scan <sum>, %convert_element_type3A_163 masked %reduce_sum3A_174 : vector<16xi32>, vector<16xi1> -> vector<16xi32>
      %reduce_sum3A_176 = vector.extract %reduce_sum3A_175[15] : i32 from vector<16xi32>
      %add3A_177 = arith.addi %add3A_135, %reduce_sum3A_176 : i32
      %add3A_178 = arith.constant 32 : i32
      %add3A_179 = arith.addi %mul3A_94, %add3A_178 : i32
      %get3A_180 = arith.index_cast %add3A_179 : i32 to index
      %get3A_181 = tpu.vector_load %arg8[%get3A_180] {strides = array<i32>} : memref<2320xf32, #tpu.memory_space<vmem>>, vector<16xf32>,
      %add3A_182 = arith.constant 32 : i32
      %add3A_183 = arith.addi %mul3A_45, %add3A_182 : i32
      %get3A_184 = arith.index_cast %add3A_183 : i32 to index
      %get3A_185 = tpu.vector_load %arg9[%get3A_184] {strides = array<i32>} : memref<208xi32, #tpu.memory_space<vmem>>, vector<16xi32>,
      %iota3A_186 = tpu.iota {dimensions = array<i32: 0>} : vector<16xi32>
      %add3A_187 = arith.constant 32 : i32
      %add3A_188 = vector.broadcast %add3A_187 : i32 to vector<16xi32>
      %add3A_189 = arith.addi %iota3A_186, %add3A_188 : vector<16xi32>
      %broadcast_in_dim3A_190 = vector.broadcast %squeeze3A : i32 to vector<16xi32>
      %lt3A_191 = arith.constant 3.500000e+00 : f32
      %lt3A_192 = vector.broadcast %lt3A_191 : f32 to vector<16xf32>
      %lt3A_193 = arith.cmpf olt, %get3A_181, %lt3A_192 : vector<16xf32>
      %ne3A_194 = vector.broadcast %add3A_90 : i32 to vector<16xi32>
      %ne3A_195 = arith.cmpi ne, %add3A_189, %ne3A_194 : vector<16xi32>
      %and3A_196 = arith.andi %lt3A_193, %ne3A_195 : vector<16xi1>
      %gt3A_197 = arith.constant 0 : i32
      %gt3A_198 = vector.broadcast %gt3A_197 : i32 to vector<16xi32>
      %gt3A_199 = arith.cmpi sgt, %get3A_185, %gt3A_198 : vector<16xi32>
      %and3A_200 = arith.andi %and3A_196, %gt3A_199 : vector<16xi1>
      %gt3A_201 = arith.constant 0 : i32
      %gt3A_202 = vector.broadcast %gt3A_201 : i32 to vector<16xi32>
      %gt3A_203 = arith.cmpi sgt, %broadcast_in_dim3A_190, %gt3A_202 : vector<16xi32>
      %and3A_204 = arith.andi %and3A_200, %gt3A_203 : vector<16xi1>
      %convert_element_type3A_205 = arith.extui %and3A_204 : vector<16xi1> to vector<16xi32>
      %broadcast_in_dim3A_206 = arith.constant true
      %broadcast_in_dim3A_207 = vector.broadcast %broadcast_in_dim3A_206 : i1 to vector<16xi1>
      %masked_cumsum3A_208 = tpu.scan <sum>, %convert_element_type3A_205 masked %broadcast_in_dim3A_207 : vector<16xi32>, vector<16xi1> -> vector<16xi32>
      %sub3A_209 = arith.constant 1 : i32
      %sub3A_210 = arith.subi %add3A_177, %sub3A_209 : i32
      %add3A_211 = vector.broadcast %sub3A_210 : i32 to vector<16xi32>
      %add3A_212 = arith.addi %masked_cumsum3A_208, %add3A_211 : vector<16xi32>
      %add3A_213 = vector.broadcast %mul3A_96 : i32 to vector<16xi32>
      %add3A_214 = arith.addi %add3A_212, %add3A_213 : vector<16xi32>
      tpu.vector_store_idx %arg10[%add3A_214], %add3A_189 masked %and3A_204 : memref<400xi32, #tpu.memory_space<vmem>>[vector<16xi32>], vector<16xi32>, vector<16xi1>
      %reduce_sum3A_215 = arith.constant true
      %reduce_sum3A_216 = vector.broadcast %reduce_sum3A_215 : i1 to vector<16xi1>
      %reduce_sum3A_217 = tpu.scan <sum>, %convert_element_type3A_205 masked %reduce_sum3A_216 : vector<16xi32>, vector<16xi1> -> vector<16xi32>
      %reduce_sum3A_218 = vector.extract %reduce_sum3A_217[15] : i32 from vector<16xi32>
      %add3A_219 = arith.addi %add3A_177, %reduce_sum3A_218 : i32
      %add3A_220 = arith.addi %mul3A_96, %add3A_219 : i32
      %swap3A_221 = arith.index_cast %add3A_220 : i32 to index
      %swap3A_222 = tpu.vector_load %arg10[%swap3A_221] {strides = array<i32>} : memref<400xi32, #tpu.memory_space<vmem>>, vector<16xi32>,
      tpu.vector_store %arg10[%swap3A_221], %broadcast_in_dim3A_48 {strides = array<i32>} : memref<400xi32, #tpu.memory_space<vmem>>, vector<16xi32>,
      %sub3A_223 = arith.constant 1 : i32
      %sub3A_224 = arith.subi %add3A_219, %sub3A_223 : i32
      %mul3A_225 = arith.muli %add3A_219, %sub3A_224 : i32
      %shift_right_logical3A_226 = arith.constant 1 : i32
      %shift_right_logical3A_227 = arith.shrui %mul3A_225, %shift_right_logical3A_226 : i32
      %add3A_228 = arith.constant 15 : i32
      %add3A_229 = arith.addi %shift_right_logical3A_227, %add3A_228 : i32
      %shift_right_logical3A_230 = arith.constant 4 : i32
      %shift_right_logical3A_231 = arith.shrui %add3A_229, %shift_right_logical3A_230 : i32
      %while3A = arith.constant 0 : i32
      %while3A_232 = arith.constant 0 : i32
      %while3A_233 = arith.subi %shift_right_logical3A_231, %while3A_232 : i32
      %while3A_234 = arith.addi %while3A_232, %while3A_233 : i32
      %while3A_235 = arith.constant 1 : i32
      %while3A_236 = arith.divsi %while3A_233, %while3A_235 : i32
      %while3A_237 = arith.muli %while3A_236, %while3A_235 : i32
      %while3A_238 = arith.addi %while3A_232, %while3A_237 : i32
      %while3A_239 = arith.constant 1 : i32
      scf.for %while3A_242 = %while3A_232 to %while3A_238 step %while3A_239  : i32 {
        %mul3A_243 = arith.constant 16 : i32
        %mul3A_244 = arith.muli %while3A_242, %mul3A_243 : i32
        %get3A_245 = arith.index_cast %mul3A_244 : i32 to index
        %get3A_246 = tpu.vector_load %arg11[%get3A_245] {strides = array<i32>} : memref<1152xi32, #tpu.memory_space<vmem>>, vector<16xi32>,
        %add3A_247 = vector.broadcast %mul3A_96 : i32 to vector<16xi32>
        %add3A_248 = arith.addi %get3A_246, %add3A_247 : vector<16xi32>
        %mul3A_249 = arith.constant 16 : i32
        %mul3A_250 = arith.muli %while3A_242, %mul3A_249 : i32
        %add3A_251 = arith.addi %scan3A_89, %mul3A_250 : i32
        %swap3A_252 = arith.index_cast %add3A_251 : i32 to index
        %swap3A_253 = tpu.vector_load %arg13[%swap3A_252] {strides = array<i32>} : memref<6518xi32, #tpu.memory_space<vmem>>, vector<16xi32>,
        tpu.vector_store %arg13[%swap3A_252], %add3A_248 {strides = array<i32>} : memref<6518xi32, #tpu.memory_space<vmem>>, vector<16xi32>,
        %mul3A_254 = arith.constant 16 : i32
        %mul3A_255 = arith.muli %while3A_242, %mul3A_254 : i32
        %get3A_256 = arith.index_cast %mul3A_255 : i32 to index
        %get3A_257 = tpu.vector_load %arg12[%get3A_256] {strides = array<i32>} : memref<1152xi32, #tpu.memory_space<vmem>>, vector<16xi32>,
        %add3A_258 = vector.broadcast %mul3A_96 : i32 to vector<16xi32>
        %add3A_259 = arith.addi %get3A_257, %add3A_258 : vector<16xi32>
        %mul3A_260 = arith.constant 16 : i32
        %mul3A_261 = arith.muli %while3A_242, %mul3A_260 : i32
        %add3A_262 = arith.addi %scan3A_89, %mul3A_261 : i32
        %swap3A_263 = arith.index_cast %add3A_262 : i32 to index
        %swap3A_264 = tpu.vector_load %arg14[%swap3A_263] {strides = array<i32>} : memref<6518xi32, #tpu.memory_space<vmem>>, vector<16xi32>,
        tpu.vector_store %arg14[%swap3A_263], %add3A_259 {strides = array<i32>} : memref<6518xi32, #tpu.memory_space<vmem>>, vector<16xi32>,
      }
      %while3A_240 = arith.constant 1 : i32
      scf.for %while3A_242 = %while3A_238 to %while3A_234 step %while3A_240  : i32 {
        %mul3A_243 = arith.constant 16 : i32
        %mul3A_244 = arith.muli %while3A_242, %mul3A_243 : i32
        %get3A_245 = arith.index_cast %mul3A_244 : i32 to index
        %get3A_246 = tpu.vector_load %arg11[%get3A_245] {strides = array<i32>} : memref<1152xi32, #tpu.memory_space<vmem>>, vector<16xi32>,
        %add3A_247 = vector.broadcast %mul3A_96 : i32 to vector<16xi32>
        %add3A_248 = arith.addi %get3A_246, %add3A_247 : vector<16xi32>
        %mul3A_249 = arith.constant 16 : i32
        %mul3A_250 = arith.muli %while3A_242, %mul3A_249 : i32
        %add3A_251 = arith.addi %scan3A_89, %mul3A_250 : i32
        %swap3A_252 = arith.index_cast %add3A_251 : i32 to index
        %swap3A_253 = tpu.vector_load %arg13[%swap3A_252] {strides = array<i32>} : memref<6518xi32, #tpu.memory_space<vmem>>, vector<16xi32>,
        tpu.vector_store %arg13[%swap3A_252], %add3A_248 {strides = array<i32>} : memref<6518xi32, #tpu.memory_space<vmem>>, vector<16xi32>,
        %mul3A_254 = arith.constant 16 : i32
        %mul3A_255 = arith.muli %while3A_242, %mul3A_254 : i32
        %get3A_256 = arith.index_cast %mul3A_255 : i32 to index
        %get3A_257 = tpu.vector_load %arg12[%get3A_256] {strides = array<i32>} : memref<1152xi32, #tpu.memory_space<vmem>>, vector<16xi32>,
        %add3A_258 = vector.broadcast %mul3A_96 : i32 to vector<16xi32>
        %add3A_259 = arith.addi %get3A_257, %add3A_258 : vector<16xi32>
        %mul3A_260 = arith.constant 16 : i32
        %mul3A_261 = arith.muli %while3A_242, %mul3A_260 : i32
        %add3A_262 = arith.addi %scan3A_89, %mul3A_261 : i32
        %swap3A_263 = arith.index_cast %add3A_262 : i32 to index
        %swap3A_264 = tpu.vector_load %arg14[%swap3A_263] {strides = array<i32>} : memref<6518xi32, #tpu.memory_space<vmem>>, vector<16xi32>,
        tpu.vector_store %arg14[%swap3A_263], %add3A_259 {strides = array<i32>} : memref<6518xi32, #tpu.memory_space<vmem>>, vector<16xi32>,
      }
      %add3A_241 = arith.addi %scan3A_89, %shift_right_logical3A_227 : i32
      scf.yield %add3A_241 : i32
    }
    %scan3A_72 = arith.constant 6 : i32
    %swap3A_73 = arith.index_cast %scan3A_71 : i32 to index
    %swap3A_74 = tpu.vector_load %arg13[%swap3A_73] {strides = array<i32>} : memref<6518xi32, #tpu.memory_space<vmem>>, vector<16xi32>,
    tpu.vector_store %arg13[%swap3A_73], %broadcast_in_dim3A_48 {strides = array<i32>} : memref<6518xi32, #tpu.memory_space<vmem>>, vector<16xi32>,
    %swap3A_75 = arith.index_cast %scan3A_71 : i32 to index
    %swap3A_76 = tpu.vector_load %arg14[%swap3A_75] {strides = array<i32>} : memref<6518xi32, #tpu.memory_space<vmem>>, vector<16xi32>,
    tpu.vector_store %arg14[%swap3A_75], %broadcast_in_dim3A_48 {strides = array<i32>} : memref<6518xi32, #tpu.memory_space<vmem>>, vector<16xi32>,
    %add3A_77 = arith.constant 15 : i32
    %add3A_78 = arith.addi %scan3A_71, %add3A_77 : i32
    %shift_right_logical3A = arith.constant 4 : i32
    %shift_right_logical3A_79 = arith.shrui %add3A_78, %shift_right_logical3A : i32
    %parallel_loop3A_80 = arith.constant 0 : i32
    %parallel_loop3A_81 = arith.constant 1 : i32
    %parallel_loop3A_82 = arith.constant 0.897597908 : f32
    scf.for %parallel_loop3A_88 = %parallel_loop3A_80 to %shift_right_logical3A_79 step %parallel_loop3A_81  : i32 {
      %parallel_loop3A_89 = arith.constant 16 : i32
      %parallel_loop3A_90 = arith.muli %parallel_loop3A_88, %parallel_loop3A_89 : i32
      %parallel_loop3A_91 = tpu.iota {dimensions = array<i32: 0>} : vector<16xi32>
      %parallel_loop3A_92 = vector.broadcast %parallel_loop3A_90 : i32 to vector<16xi32>
      %parallel_loop3A_93 = arith.addi %parallel_loop3A_91, %parallel_loop3A_92 : vector<16xi32>
      %parallel_loop3A_94 = vector.broadcast %scan3A_71 : i32 to vector<16xi32>
      %parallel_loop3A_95 = arith.cmpi slt, %parallel_loop3A_93, %parallel_loop3A_94 : vector<16xi32>
      %parallel_loop3A_96 = arith.index_cast %parallel_loop3A_90 : i32 to index
      %parallel_loop3A_97 = tpu.vector_load %arg13[%parallel_loop3A_96] {strides = array<i32>} : memref<6518xi32, #tpu.memory_space<vmem>>, vector<16xi32>,
      %parallel_loop3A_98 = arith.index_cast %parallel_loop3A_90 : i32 to index
      %parallel_loop3A_99 = tpu.vector_load %arg14[%parallel_loop3A_98] {strides = array<i32>} : memref<6518xi32, #tpu.memory_space<vmem>>, vector<16xi32>,
      %parallel_loop3A_100 = tpu.vector_load_idx %arg10[%parallel_loop3A_97] : memref<400xi32, #tpu.memory_space<vmem>>[vector<16xi32>], vector<16xi32>,
      %parallel_loop3A_101 = tpu.vector_load_idx %arg10[%parallel_loop3A_99] : memref<400xi32, #tpu.memory_space<vmem>>[vector<16xi32>], vector<16xi32>,
      %parallel_loop3A_102 = arith.constant 6 : i32
      %parallel_loop3A_103 = vector.broadcast %parallel_loop3A_102 : i32 to vector<16xi32>
      %parallel_loop3A_104 = arith.shrui %parallel_loop3A_97, %parallel_loop3A_103 : vector<16xi32>
      %parallel_loop3A_105 = vector.broadcast %mul3A_32 : i32 to vector<16xi32>
      %parallel_loop3A_106 = arith.addi %parallel_loop3A_104, %parallel_loop3A_105 : vector<16xi32>
      %parallel_loop3A_107 = arith.constant 48 : i32
      %parallel_loop3A_108 = vector.broadcast %parallel_loop3A_107 : i32 to vector<16xi32>
      %parallel_loop3A_109 = arith.muli %parallel_loop3A_106, %parallel_loop3A_108 : vector<16xi32>
      %parallel_loop3A_110 = arith.addi %parallel_loop3A_109, %parallel_loop3A_100 : vector<16xi32>
      %parallel_loop3A_111 = tpu.vector_load_idx %arg8[%parallel_loop3A_110] : memref<2320xf32, #tpu.memory_space<vmem>>[vector<16xi32>], vector<16xf32>,
      %parallel_loop3A_112 = arith.addi %parallel_loop3A_109, %parallel_loop3A_101 : vector<16xi32>
      %parallel_loop3A_113 = tpu.vector_load_idx %arg8[%parallel_loop3A_112] : memref<2320xf32, #tpu.memory_space<vmem>>[vector<16xi32>], vector<16xf32>,
      %parallel_loop3A_114 = arith.constant 48 : i32
      %parallel_loop3A_115 = vector.broadcast %parallel_loop3A_114 : i32 to vector<16xi32>
      %parallel_loop3A_116 = arith.muli %parallel_loop3A_100, %parallel_loop3A_115 : vector<16xi32>
      %parallel_loop3A_117 = arith.addi %parallel_loop3A_116, %parallel_loop3A_101 : vector<16xi32>
      %parallel_loop3A_118 = tpu.vector_load_idx %arg8[%parallel_loop3A_117] : memref<2320xf32, #tpu.memory_space<vmem>>[vector<16xi32>], vector<16xf32>,
      %parallel_loop3A_119 = vector.broadcast %mul3A_45 : i32 to vector<16xi32>
      %parallel_loop3A_120 = arith.addi %parallel_loop3A_100, %parallel_loop3A_119 : vector<16xi32>
      %parallel_loop3A_121 = tpu.vector_load_idx %arg9[%parallel_loop3A_120] : memref<208xi32, #tpu.memory_space<vmem>>[vector<16xi32>], vector<16xi32>,
      %parallel_loop3A_122 = vector.broadcast %mul3A_45 : i32 to vector<16xi32>
      %parallel_loop3A_123 = arith.addi %parallel_loop3A_101, %parallel_loop3A_122 : vector<16xi32>
      %parallel_loop3A_124 = tpu.vector_load_idx %arg9[%parallel_loop3A_123] : memref<208xi32, #tpu.memory_space<vmem>>[vector<16xi32>], vector<16xi32>,
      %parallel_loop3A_125 = vector.broadcast %parallel_loop3A_82 : f32 to vector<16xf32>
      %parallel_loop3A_126 = arith.mulf %parallel_loop3A_111, %parallel_loop3A_125 : vector<16xf32>
      %parallel_loop3A_127 = vector.broadcast %parallel_loop3A_82 : f32 to vector<16xf32>
      %parallel_loop3A_128 = arith.mulf %parallel_loop3A_113, %parallel_loop3A_127 : vector<16xf32>
      %parallel_loop3A_129 = arith.mulf %parallel_loop3A_126, %parallel_loop3A_126 : vector<16xf32>
      %parallel_loop3A_130 = arith.constant 1.7243752E-9 : f32
      %parallel_loop3A_131 = vector.broadcast %parallel_loop3A_130 : f32 to vector<16xf32>
      %parallel_loop3A_132 = arith.mulf %parallel_loop3A_131, %parallel_loop3A_129 : vector<16xf32>
      %parallel_loop3A_133 = arith.constant -2.70754498E-7 : f32
      %parallel_loop3A_134 = vector.broadcast %parallel_loop3A_133 : f32 to vector<16xf32>
      %parallel_loop3A_135 = arith.addf %parallel_loop3A_132, %parallel_loop3A_134 : vector<16xf32>
      %parallel_loop3A_136 = arith.mulf %parallel_loop3A_135, %parallel_loop3A_129 : vector<16xf32>
      %parallel_loop3A_137 = arith.constant 2.47690532E-5 : f32
      %parallel_loop3A_138 = vector.broadcast %parallel_loop3A_137 : f32 to vector<16xf32>
      %parallel_loop3A_139 = arith.addf %parallel_loop3A_136, %parallel_loop3A_138 : vector<16xf32>
      %parallel_loop3A_140 = arith.mulf %parallel_loop3A_139, %parallel_loop3A_129 : vector<16xf32>
      %parallel_loop3A_141 = arith.constant -0.00138877321 : f32
      %parallel_loop3A_142 = vector.broadcast %parallel_loop3A_141 : f32 to vector<16xf32>
      %parallel_loop3A_143 = arith.addf %parallel_loop3A_140, %parallel_loop3A_142 : vector<16xf32>
      %parallel_loop3A_144 = arith.mulf %parallel_loop3A_143, %parallel_loop3A_129 : vector<16xf32>
      %parallel_loop3A_145 = arith.constant 0.041666463 : f32
      %parallel_loop3A_146 = vector.broadcast %parallel_loop3A_145 : f32 to vector<16xf32>
      %parallel_loop3A_147 = arith.addf %parallel_loop3A_144, %parallel_loop3A_146 : vector<16xf32>
      %parallel_loop3A_148 = arith.mulf %parallel_loop3A_147, %parallel_loop3A_129 : vector<16xf32>
      %parallel_loop3A_149 = arith.constant -0.499999851 : f32
      %parallel_loop3A_150 = vector.broadcast %parallel_loop3A_149 : f32 to vector<16xf32>
      %parallel_loop3A_151 = arith.addf %parallel_loop3A_148, %parallel_loop3A_150 : vector<16xf32>
      %parallel_loop3A_152 = arith.mulf %parallel_loop3A_151, %parallel_loop3A_129 : vector<16xf32>
      %parallel_loop3A_153 = arith.constant 1.000000e+00 : f32
      %parallel_loop3A_154 = vector.broadcast %parallel_loop3A_153 : f32 to vector<16xf32>
      %parallel_loop3A_155 = arith.addf %parallel_loop3A_152, %parallel_loop3A_154 : vector<16xf32>
      %parallel_loop3A_156 = arith.constant 5.000000e-01 : f32
      %parallel_loop3A_157 = vector.broadcast %parallel_loop3A_156 : f32 to vector<16xf32>
      %parallel_loop3A_158 = arith.mulf %parallel_loop3A_157, %parallel_loop3A_155 : vector<16xf32>
      %parallel_loop3A_159 = arith.constant 5.000000e-01 : f32
      %parallel_loop3A_160 = vector.broadcast %parallel_loop3A_159 : f32 to vector<16xf32>
      %parallel_loop3A_161 = arith.addf %parallel_loop3A_158, %parallel_loop3A_160 : vector<16xf32>
      %parallel_loop3A_162 = arith.mulf %parallel_loop3A_128, %parallel_loop3A_128 : vector<16xf32>
      %parallel_loop3A_163 = arith.constant 1.7243752E-9 : f32
      %parallel_loop3A_164 = vector.broadcast %parallel_loop3A_163 : f32 to vector<16xf32>
      %parallel_loop3A_165 = arith.mulf %parallel_loop3A_164, %parallel_loop3A_162 : vector<16xf32>
      %parallel_loop3A_166 = arith.constant -2.70754498E-7 : f32
      %parallel_loop3A_167 = vector.broadcast %parallel_loop3A_166 : f32 to vector<16xf32>
      %parallel_loop3A_168 = arith.addf %parallel_loop3A_165, %parallel_loop3A_167 : vector<16xf32>
      %parallel_loop3A_169 = arith.mulf %parallel_loop3A_168, %parallel_loop3A_162 : vector<16xf32>
      %parallel_loop3A_170 = arith.constant 2.47690532E-5 : f32
      %parallel_loop3A_171 = vector.broadcast %parallel_loop3A_170 : f32 to vector<16xf32>
      %parallel_loop3A_172 = arith.addf %parallel_loop3A_169, %parallel_loop3A_171 : vector<16xf32>
      %parallel_loop3A_173 = arith.mulf %parallel_loop3A_172, %parallel_loop3A_162 : vector<16xf32>
      %parallel_loop3A_174 = arith.constant -0.00138877321 : f32
      %parallel_loop3A_175 = vector.broadcast %parallel_loop3A_174 : f32 to vector<16xf32>
      %parallel_loop3A_176 = arith.addf %parallel_loop3A_173, %parallel_loop3A_175 : vector<16xf32>
      %parallel_loop3A_177 = arith.mulf %parallel_loop3A_176, %parallel_loop3A_162 : vector<16xf32>
      %parallel_loop3A_178 = arith.constant 0.041666463 : f32
      %parallel_loop3A_179 = vector.broadcast %parallel_loop3A_178 : f32 to vector<16xf32>
      %parallel_loop3A_180 = arith.addf %parallel_loop3A_177, %parallel_loop3A_179 : vector<16xf32>
      %parallel_loop3A_181 = arith.mulf %parallel_loop3A_180, %parallel_loop3A_162 : vector<16xf32>
      %parallel_loop3A_182 = arith.constant -0.499999851 : f32
      %parallel_loop3A_183 = vector.broadcast %parallel_loop3A_182 : f32 to vector<16xf32>
      %parallel_loop3A_184 = arith.addf %parallel_loop3A_181, %parallel_loop3A_183 : vector<16xf32>
      %parallel_loop3A_185 = arith.mulf %parallel_loop3A_184, %parallel_loop3A_162 : vector<16xf32>
      %parallel_loop3A_186 = arith.constant 1.000000e+00 : f32
      %parallel_loop3A_187 = vector.broadcast %parallel_loop3A_186 : f32 to vector<16xf32>
      %parallel_loop3A_188 = arith.addf %parallel_loop3A_185, %parallel_loop3A_187 : vector<16xf32>
      %parallel_loop3A_189 = arith.constant 5.000000e-01 : f32
      %parallel_loop3A_190 = vector.broadcast %parallel_loop3A_189 : f32 to vector<16xf32>
      %parallel_loop3A_191 = arith.mulf %parallel_loop3A_190, %parallel_loop3A_188 : vector<16xf32>
      %parallel_loop3A_192 = arith.constant 5.000000e-01 : f32
      %parallel_loop3A_193 = vector.broadcast %parallel_loop3A_192 : f32 to vector<16xf32>
      %parallel_loop3A_194 = arith.addf %parallel_loop3A_191, %parallel_loop3A_193 : vector<16xf32>
      %parallel_loop3A_195 = arith.mulf %parallel_loop3A_111, %parallel_loop3A_111 : vector<16xf32>
      %parallel_loop3A_196 = arith.mulf %parallel_loop3A_113, %parallel_loop3A_113 : vector<16xf32>
      %parallel_loop3A_197 = arith.addf %parallel_loop3A_195, %parallel_loop3A_196 : vector<16xf32>
      %parallel_loop3A_198 = arith.mulf %parallel_loop3A_118, %parallel_loop3A_118 : vector<16xf32>
      %parallel_loop3A_199 = arith.subf %parallel_loop3A_197, %parallel_loop3A_198 : vector<16xf32>
      %parallel_loop3A_200 = arith.addf %parallel_loop3A_111, %parallel_loop3A_111 : vector<16xf32>
      %parallel_loop3A_201 = arith.mulf %parallel_loop3A_200, %parallel_loop3A_113 : vector<16xf32>
      %parallel_loop3A_202 = arith.constant 1.000000e-10 : f32
      %parallel_loop3A_203 = vector.broadcast %parallel_loop3A_202 : f32 to vector<16xf32>
      %parallel_loop3A_204 = arith.maximumf %parallel_loop3A_201, %parallel_loop3A_203 : vector<16xf32>
      %parallel_loop3A_205 = arith.divf %parallel_loop3A_199, %parallel_loop3A_204 : vector<16xf32>
      %parallel_loop3A_206 = arith.constant 0.949999988 : f32
      %parallel_loop3A_207 = vector.broadcast %parallel_loop3A_206 : f32 to vector<16xf32>
      %parallel_loop3A_208 = arith.mulf %parallel_loop3A_207, %parallel_loop3A_205 : vector<16xf32>
      %parallel_loop3A_209 = arith.mulf %parallel_loop3A_208, %parallel_loop3A_208 : vector<16xf32>
      %parallel_loop3A_210 = arith.constant 1.000000e+00 : f32
      %parallel_loop3A_211 = vector.broadcast %parallel_loop3A_210 : f32 to vector<16xf32>
      %parallel_loop3A_212 = arith.subf %parallel_loop3A_211, %parallel_loop3A_209 : vector<16xf32>
      %parallel_loop3A_213 = arith.constant 9.99999968E-21 : f32
      %parallel_loop3A_214 = vector.broadcast %parallel_loop3A_213 : f32 to vector<16xf32>
      %parallel_loop3A_215 = arith.maximumf %parallel_loop3A_212, %parallel_loop3A_214 : vector<16xf32>
      %parallel_loop3A_216 = vector.bitcast %parallel_loop3A_215 : vector<16xf32> to vector<16xi32>
      %parallel_loop3A_217 = arith.constant 1 : i32
      %parallel_loop3A_218 = vector.broadcast %parallel_loop3A_217 : i32 to vector<16xi32>
      %parallel_loop3A_219 = arith.shrui %parallel_loop3A_216, %parallel_loop3A_218 : vector<16xi32>
      %parallel_loop3A_220 = arith.constant 1597463007 : i32
      %parallel_loop3A_221 = vector.broadcast %parallel_loop3A_220 : i32 to vector<16xi32>
      %parallel_loop3A_222 = arith.subi %parallel_loop3A_221, %parallel_loop3A_219 : vector<16xi32>
      %parallel_loop3A_223 = vector.bitcast %parallel_loop3A_222 : vector<16xi32> to vector<16xf32>
      %parallel_loop3A_224 = arith.constant 5.000000e-01 : f32
      %parallel_loop3A_225 = vector.broadcast %parallel_loop3A_224 : f32 to vector<16xf32>
      %parallel_loop3A_226 = arith.mulf %parallel_loop3A_225, %parallel_loop3A_215 : vector<16xf32>
      %parallel_loop3A_227 = arith.mulf %parallel_loop3A_226, %parallel_loop3A_223 : vector<16xf32>
      %parallel_loop3A_228 = arith.mulf %parallel_loop3A_227, %parallel_loop3A_223 : vector<16xf32>
      %parallel_loop3A_229 = arith.constant 1.500000e+00 : f32
      %parallel_loop3A_230 = vector.broadcast %parallel_loop3A_229 : f32 to vector<16xf32>
      %parallel_loop3A_231 = arith.subf %parallel_loop3A_230, %parallel_loop3A_228 : vector<16xf32>
      %parallel_loop3A_232 = arith.mulf %parallel_loop3A_223, %parallel_loop3A_231 : vector<16xf32>
      %parallel_loop3A_233 = arith.constant 5.000000e-01 : f32
      %parallel_loop3A_234 = vector.broadcast %parallel_loop3A_233 : f32 to vector<16xf32>
      %parallel_loop3A_235 = arith.mulf %parallel_loop3A_234, %parallel_loop3A_215 : vector<16xf32>
      %parallel_loop3A_236 = arith.mulf %parallel_loop3A_235, %parallel_loop3A_232 : vector<16xf32>
      %parallel_loop3A_237 = arith.mulf %parallel_loop3A_236, %parallel_loop3A_232 : vector<16xf32>
      %parallel_loop3A_238 = arith.constant 1.500000e+00 : f32
      %parallel_loop3A_239 = vector.broadcast %parallel_loop3A_238 : f32 to vector<16xf32>
      %parallel_loop3A_240 = arith.subf %parallel_loop3A_239, %parallel_loop3A_237 : vector<16xf32>
      %parallel_loop3A_241 = arith.mulf %parallel_loop3A_232, %parallel_loop3A_240 : vector<16xf32>
      %parallel_loop3A_242 = arith.constant 5.000000e-01 : f32
      %parallel_loop3A_243 = vector.broadcast %parallel_loop3A_242 : f32 to vector<16xf32>
      %parallel_loop3A_244 = arith.mulf %parallel_loop3A_243, %parallel_loop3A_215 : vector<16xf32>
      %parallel_loop3A_245 = arith.mulf %parallel_loop3A_244, %parallel_loop3A_241 : vector<16xf32>
      %parallel_loop3A_246 = arith.mulf %parallel_loop3A_245, %parallel_loop3A_241 : vector<16xf32>
      %parallel_loop3A_247 = arith.constant 1.500000e+00 : f32
      %parallel_loop3A_248 = vector.broadcast %parallel_loop3A_247 : f32 to vector<16xf32>
      %parallel_loop3A_249 = arith.subf %parallel_loop3A_248, %parallel_loop3A_246 : vector<16xf32>
      %parallel_loop3A_250 = arith.mulf %parallel_loop3A_241, %parallel_loop3A_249 : vector<16xf32>
      %parallel_loop3A_251 = arith.mulf %parallel_loop3A_215, %parallel_loop3A_250 : vector<16xf32>
      %parallel_loop3A_252 = arith.addf %parallel_loop3A_111, %parallel_loop3A_113 : vector<16xf32>
      %parallel_loop3A_253 = arith.constant 5.000000e-01 : f32
      %parallel_loop3A_254 = vector.broadcast %parallel_loop3A_253 : f32 to vector<16xf32>
      %parallel_loop3A_255 = arith.mulf %parallel_loop3A_254, %parallel_loop3A_252 : vector<16xf32>
      %parallel_loop3A_256 = arith.addf %parallel_loop3A_161, %parallel_loop3A_161 : vector<16xf32>
      %parallel_loop3A_257 = arith.mulf %parallel_loop3A_256, %parallel_loop3A_194 : vector<16xf32>
      %parallel_loop3A_258 = arith.minsi %parallel_loop3A_121, %parallel_loop3A_124 : vector<16xi32>
      %parallel_loop3A_259 = arith.constant 1 : i32
      %parallel_loop3A_260 = vector.broadcast %parallel_loop3A_259 : i32 to vector<16xi32>
      %parallel_loop3A_261 = arith.subi %parallel_loop3A_258, %parallel_loop3A_260 : vector<16xi32>
      %parallel_loop3A_262 = arith.maxsi %parallel_loop3A_121, %parallel_loop3A_124 : vector<16xi32>
      %parallel_loop3A_263 = arith.constant 1 : i32
      %parallel_loop3A_264 = vector.broadcast %parallel_loop3A_263 : i32 to vector<16xi32>
      %parallel_loop3A_265 = arith.subi %parallel_loop3A_262, %parallel_loop3A_264 : vector<16xi32>
      %parallel_loop3A_266 = arith.constant 4 : i32
      %parallel_loop3A_267 = vector.broadcast %parallel_loop3A_266 : i32 to vector<16xi32>
      %parallel_loop3A_268 = arith.muli %parallel_loop3A_261, %parallel_loop3A_267 : vector<16xi32>
      %parallel_loop3A_269 = arith.constant 1 : i32
      %parallel_loop3A_270 = vector.broadcast %parallel_loop3A_269 : i32 to vector<16xi32>
      %parallel_loop3A_271 = arith.subi %parallel_loop3A_261, %parallel_loop3A_270 : vector<16xi32>
      %parallel_loop3A_272 = arith.muli %parallel_loop3A_261, %parallel_loop3A_271 : vector<16xi32>
      %parallel_loop3A_273 = arith.constant 1 : i32
      %parallel_loop3A_274 = vector.broadcast %parallel_loop3A_273 : i32 to vector<16xi32>
      %parallel_loop3A_275 = arith.shrsi %parallel_loop3A_272, %parallel_loop3A_274 : vector<16xi32>
      %parallel_loop3A_276 = arith.subi %parallel_loop3A_268, %parallel_loop3A_275 : vector<16xi32>
      %parallel_loop3A_277 = arith.subi %parallel_loop3A_265, %parallel_loop3A_261 : vector<16xi32>
      %parallel_loop3A_278 = arith.addi %parallel_loop3A_276, %parallel_loop3A_277 : vector<16xi32>
      %parallel_loop3A_279 = arith.constant 32 : i32
      %parallel_loop3A_280 = vector.broadcast %parallel_loop3A_279 : i32 to vector<16xi32>
      %parallel_loop3A_281 = arith.muli %parallel_loop3A_278, %parallel_loop3A_280 : vector<16xi32>
      %parallel_loop3A_282 = arith.constant 6 : i32
      %parallel_loop3A_283 = vector.broadcast %parallel_loop3A_282 : i32 to vector<16xi32>
      %parallel_loop3A_284 = arith.shrui %parallel_loop3A_97, %parallel_loop3A_283 : vector<16xi32>
      %parallel_loop3A_285 = arith.constant 320 : i32
      %parallel_loop3A_286 = vector.broadcast %parallel_loop3A_285 : i32 to vector<16xi32>
      %parallel_loop3A_287 = arith.muli %parallel_loop3A_284, %parallel_loop3A_286 : vector<16xi32>
      %parallel_loop3A_288 = arith.addi %parallel_loop3A_281, %parallel_loop3A_287 : vector<16xi32>
      %parallel_loop3A_289 = arith.constant 0.000000e+00 : f32
      %parallel_loop3A_290 = vector.broadcast %parallel_loop3A_289 : f32 to vector<16xf32>
      %parallel_loop3A_291 = arith.select %parallel_loop3A_95, %parallel_loop3A_208, %parallel_loop3A_290 : vector<16xi1>, vector<16xf32>
      %parallel_loop3A_292 = arith.constant 1.000000e+00 : f32
      %parallel_loop3A_293 = vector.broadcast %parallel_loop3A_292 : f32 to vector<16xf32>
      %parallel_loop3A_294 = arith.select %parallel_loop3A_95, %parallel_loop3A_255, %parallel_loop3A_293 : vector<16xi1>, vector<16xf32>
      %parallel_loop3A_295 = arith.constant 0.000000e+00 : f32
      %parallel_loop3A_296 = vector.broadcast %parallel_loop3A_295 : f32 to vector<16xf32>
      %parallel_loop3A_297 = arith.select %parallel_loop3A_95, %parallel_loop3A_257, %parallel_loop3A_296 : vector<16xi1>, vector<16xf32>
      %parallel_loop3A_298 = arith.constant 0 : i32
      %parallel_loop3A_299 = vector.broadcast %parallel_loop3A_298 : i32 to vector<16xi32>
      %parallel_loop3A_300 = arith.select %parallel_loop3A_95, %parallel_loop3A_288, %parallel_loop3A_299 : vector<16xi1>, vector<16xi32>
      %parallel_loop3A_301 = arith.constant 0.899999976 : f32
      %parallel_loop3A_302 = vector.broadcast %parallel_loop3A_301 : f32 to vector<16xf32>
      %parallel_loop3A_303 = arith.subf %parallel_loop3A_294, %parallel_loop3A_302 : vector<16xf32>
      %parallel_loop3A_304 = arith.mulf %parallel_loop3A_303, %parallel_loop3A_303 : vector<16xf32>
      %parallel_loop3A_305 = arith.constant -8.000000e+00 : f32
      %parallel_loop3A_306 = vector.broadcast %parallel_loop3A_305 : f32 to vector<16xf32>
      %parallel_loop3A_307 = arith.mulf %parallel_loop3A_306, %parallel_loop3A_304 : vector<16xf32>
      %parallel_loop3A_308 = math.exp %parallel_loop3A_307 : vector<16xf32>
      %parallel_loop3A_309 = arith.mulf %parallel_loop3A_297, %parallel_loop3A_308 : vector<16xf32>
      %parallel_loop3A_310 = arith.constant 1.550000e+00 : f32
      %parallel_loop3A_311 = vector.broadcast %parallel_loop3A_310 : f32 to vector<16xf32>
      %parallel_loop3A_312 = arith.subf %parallel_loop3A_294, %parallel_loop3A_311 : vector<16xf32>
      %parallel_loop3A_313 = arith.mulf %parallel_loop3A_312, %parallel_loop3A_312 : vector<16xf32>
      %parallel_loop3A_314 = arith.constant -8.000000e+00 : f32
      %parallel_loop3A_315 = vector.broadcast %parallel_loop3A_314 : f32 to vector<16xf32>
      %parallel_loop3A_316 = arith.mulf %parallel_loop3A_315, %parallel_loop3A_313 : vector<16xf32>
      %parallel_loop3A_317 = math.exp %parallel_loop3A_316 : vector<16xf32>
      %parallel_loop3A_318 = arith.mulf %parallel_loop3A_297, %parallel_loop3A_317 : vector<16xf32>
      %parallel_loop3A_319 = arith.constant 2.200000e+00 : f32
      %parallel_loop3A_320 = vector.broadcast %parallel_loop3A_319 : f32 to vector<16xf32>
      %parallel_loop3A_321 = arith.subf %parallel_loop3A_294, %parallel_loop3A_320 : vector<16xf32>
      %parallel_loop3A_322 = arith.mulf %parallel_loop3A_321, %parallel_loop3A_321 : vector<16xf32>
      %parallel_loop3A_323 = arith.constant -8.000000e+00 : f32
      %parallel_loop3A_324 = vector.broadcast %parallel_loop3A_323 : f32 to vector<16xf32>
      %parallel_loop3A_325 = arith.mulf %parallel_loop3A_324, %parallel_loop3A_322 : vector<16xf32>
      %parallel_loop3A_326 = math.exp %parallel_loop3A_325 : vector<16xf32>
      %parallel_loop3A_327 = arith.mulf %parallel_loop3A_297, %parallel_loop3A_326 : vector<16xf32>
      %parallel_loop3A_328 = arith.constant 2.850000e+00 : f32
      %parallel_loop3A_329 = vector.broadcast %parallel_loop3A_328 : f32 to vector<16xf32>
      %parallel_loop3A_330 = arith.subf %parallel_loop3A_294, %parallel_loop3A_329 : vector<16xf32>
      %parallel_loop3A_331 = arith.mulf %parallel_loop3A_330, %parallel_loop3A_330 : vector<16xf32>
      %parallel_loop3A_332 = arith.constant -8.000000e+00 : f32
      %parallel_loop3A_333 = vector.broadcast %parallel_loop3A_332 : f32 to vector<16xf32>
      %parallel_loop3A_334 = arith.mulf %parallel_loop3A_333, %parallel_loop3A_331 : vector<16xf32>
      %parallel_loop3A_335 = math.exp %parallel_loop3A_334 : vector<16xf32>
      %parallel_loop3A_336 = arith.mulf %parallel_loop3A_297, %parallel_loop3A_335 : vector<16xf32>
      %parallel_loop3A_337 = tpu.iota {dimensions = array<i32: 0>} : vector<16xi32>
      %parallel_loop3A_338 = arith.constant 8 : i32
      %parallel_loop3A_339 = vector.broadcast %parallel_loop3A_338 : i32 to vector<16xi32>
      %parallel_loop3A_340 = arith.cmpi slt, %parallel_loop3A_337, %parallel_loop3A_339 : vector<16xi32>
      %parallel_loop3A_341 = arith.constant 0 : index
      %parallel_loop3A_342 = tpu.vector_load %arg15[%parallel_loop3A_341] {strides = array<i32>} : memref<128xf32, #tpu.memory_space<vmem>>, vector<16xf32>,
      %parallel_loop3A_343 = arith.constant 16 : index
      %parallel_loop3A_344 = tpu.vector_load %arg15[%parallel_loop3A_343] {strides = array<i32>} : memref<128xf32, #tpu.memory_space<vmem>>, vector<16xf32>,
      %parallel_loop3A_345 = vector.extract_strided_slice %parallel_loop3A_300 {offsets = [0], sizes = [1], strides = [1]} : vector<16xi32> to vector<1xi32>
      %parallel_loop3A_346 = vector.extract %parallel_loop3A_345[0] : i32 from vector<1xi32>
      %parallel_loop3A_347 = vector.extract_strided_slice %parallel_loop3A_291 {offsets = [0], sizes = [1], strides = [1]} : vector<16xf32> to vector<1xf32>
      %parallel_loop3A_348 = vector.extract %parallel_loop3A_347[0] : f32 from vector<1xf32>
      %parallel_loop3A_349 = vector.broadcast %parallel_loop3A_348 : f32 to vector<16xf32>
      %parallel_loop3A_350 = vector.extract_strided_slice %parallel_loop3A_251 {offsets = [0], sizes = [1], strides = [1]} : vector<16xf32> to vector<1xf32>
      %parallel_loop3A_351 = vector.extract %parallel_loop3A_350[0] : f32 from vector<1xf32>
      %parallel_loop3A_352 = vector.broadcast %parallel_loop3A_351 : f32 to vector<16xf32>
      %parallel_loop3A_353 = vector.extract_strided_slice %parallel_loop3A_309 {offsets = [0], sizes = [1], strides = [1]} : vector<16xf32> to vector<1xf32>
      %parallel_loop3A_354 = vector.extract %parallel_loop3A_353[0] : f32 from vector<1xf32>
      %parallel_loop3A_355 = vector.broadcast %parallel_loop3A_354 : f32 to vector<16xf32>
      %parallel_loop3A_356 = vector.extract_strided_slice %parallel_loop3A_318 {offsets = [0], sizes = [1], strides = [1]} : vector<16xf32> to vector<1xf32>
      %parallel_loop3A_357 = vector.extract %parallel_loop3A_356[0] : f32 from vector<1xf32>
      %parallel_loop3A_358 = vector.broadcast %parallel_loop3A_357 : f32 to vector<16xf32>
      %parallel_loop3A_359 = vector.extract_strided_slice %parallel_loop3A_327 {offsets = [0], sizes = [1], strides = [1]} : vector<16xf32> to vector<1xf32>
      %parallel_loop3A_360 = vector.extract %parallel_loop3A_359[0] : f32 from vector<1xf32>
      %parallel_loop3A_361 = vector.broadcast %parallel_loop3A_360 : f32 to vector<16xf32>
      %parallel_loop3A_362 = vector.extract_strided_slice %parallel_loop3A_336 {offsets = [0], sizes = [1], strides = [1]} : vector<16xf32> to vector<1xf32>
      %parallel_loop3A_363 = vector.extract %parallel_loop3A_362[0] : f32 from vector<1xf32>
      %parallel_loop3A_364 = vector.broadcast %parallel_loop3A_363 : f32 to vector<16xf32>
      %parallel_loop3A_365 = arith.mulf %parallel_loop3A_349, %parallel_loop3A_342 : vector<16xf32>
      %parallel_loop3A_366 = arith.constant 5.000000e-01 : f32
      %parallel_loop3A_367 = vector.broadcast %parallel_loop3A_366 : f32 to vector<16xf32>
      %parallel_loop3A_368 = arith.addf %parallel_loop3A_367, %parallel_loop3A_365 : vector<16xf32>
      %parallel_loop3A_369 = arith.mulf %parallel_loop3A_352, %parallel_loop3A_344 : vector<16xf32>
      %parallel_loop3A_370 = arith.addf %parallel_loop3A_368, %parallel_loop3A_369 : vector<16xf32>
      %parallel_loop3A_371 = arith.mulf %parallel_loop3A_370, %parallel_loop3A_370 : vector<16xf32>
      %parallel_loop3A_372 = arith.mulf %parallel_loop3A_371, %parallel_loop3A_371 : vector<16xf32>
      %parallel_loop3A_373 = arith.mulf %parallel_loop3A_372, %parallel_loop3A_372 : vector<16xf32>
      %parallel_loop3A_374 = arith.mulf %parallel_loop3A_373, %parallel_loop3A_373 : vector<16xf32>
      %parallel_loop3A_375 = arith.mulf %parallel_loop3A_374, %parallel_loop3A_374 : vector<16xf32>
      %parallel_loop3A_376 = arith.select %parallel_loop3A_340, %parallel_loop3A_355, %parallel_loop3A_358 : vector<16xi1>, vector<16xf32>
      %parallel_loop3A_377 = arith.select %parallel_loop3A_340, %parallel_loop3A_361, %parallel_loop3A_364 : vector<16xi1>, vector<16xf32>
      %parallel_loop3A_378 = arith.mulf %parallel_loop3A_375, %parallel_loop3A_376 : vector<16xf32>
      %parallel_loop3A_379 = arith.index_cast %parallel_loop3A_346 : i32 to index
      %parallel_loop3A_380 = tpu.vector_load %arg16[%parallel_loop3A_379] {strides = array<i32>} : memref<1920xf32, #tpu.memory_space<vmem>>, vector<16xf32>,
      tpu.vector_store %arg16[%parallel_loop3A_379], %parallel_loop3A_378 {add = true, strides = array<i32>} : memref<1920xf32, #tpu.memory_space<vmem>>, vector<16xf32>,
      %parallel_loop3A_381 = arith.constant 16 : i32
      %parallel_loop3A_382 = arith.addi %parallel_loop3A_346, %parallel_loop3A_381 : i32
      %parallel_loop3A_383 = arith.mulf %parallel_loop3A_375, %parallel_loop3A_377 : vector<16xf32>
      %parallel_loop3A_384 = arith.index_cast %parallel_loop3A_382 : i32 to index
      %parallel_loop3A_385 = tpu.vector_load %arg16[%parallel_loop3A_384] {strides = array<i32>} : memref<1920xf32, #tpu.memory_space<vmem>>, vector<16xf32>,
      tpu.vector_store %arg16[%parallel_loop3A_384], %parallel_loop3A_383 {add = true, strides = array<i32>} : memref<1920xf32, #tpu.memory_space<vmem>>, vector<16xf32>,
      %parallel_loop3A_386 = vector.extract_strided_slice %parallel_loop3A_300 {offsets = [1], sizes = [1], strides = [1]} : vector<16xi32> to vector<1xi32>
      %parallel_loop3A_387 = vector.extract %parallel_loop3A_386[0] : i32 from vector<1xi32>
      %parallel_loop3A_388 = vector.extract_strided_slice %parallel_loop3A_291 {offsets = [1], sizes = [1], strides = [1]} : vector<16xf32> to vector<1xf32>
      %parallel_loop3A_389 = vector.extract %parallel_loop3A_388[0] : f32 from vector<1xf32>
      %parallel_loop3A_390 = vector.broadcast %parallel_loop3A_389 : f32 to vector<16xf32>
      %parallel_loop3A_391 = vector.extract_strided_slice %parallel_loop3A_251 {offsets = [1], sizes = [1], strides = [1]} : vector<16xf32> to vector<1xf32>
      %parallel_loop3A_392 = vector.extract %parallel_loop3A_391[0] : f32 from vector<1xf32>
      %parallel_loop3A_393 = vector.broadcast %parallel_loop3A_392 : f32 to vector<16xf32>
      %parallel_loop3A_394 = vector.extract_strided_slice %parallel_loop3A_309 {offsets = [1], sizes = [1], strides = [1]} : vector<16xf32> to vector<1xf32>
      %parallel_loop3A_395 = vector.extract %parallel_loop3A_394[0] : f32 from vector<1xf32>
      %parallel_loop3A_396 = vector.broadcast %parallel_loop3A_395 : f32 to vector<16xf32>
      %parallel_loop3A_397 = vector.extract_strided_slice %parallel_loop3A_318 {offsets = [1], sizes = [1], strides = [1]} : vector<16xf32> to vector<1xf32>
      %parallel_loop3A_398 = vector.extract %parallel_loop3A_397[0] : f32 from vector<1xf32>
      %parallel_loop3A_399 = vector.broadcast %parallel_loop3A_398 : f32 to vector<16xf32>
      %parallel_loop3A_400 = vector.extract_strided_slice %parallel_loop3A_327 {offsets = [1], sizes = [1], strides = [1]} : vector<16xf32> to vector<1xf32>
      %parallel_loop3A_401 = vector.extract %parallel_loop3A_400[0] : f32 from vector<1xf32>
      %parallel_loop3A_402 = vector.broadcast %parallel_loop3A_401 : f32 to vector<16xf32>
      %parallel_loop3A_403 = vector.extract_strided_slice %parallel_loop3A_336 {offsets = [1], sizes = [1], strides = [1]} : vector<16xf32> to vector<1xf32>
      %parallel_loop3A_404 = vector.extract %parallel_loop3A_403[0] : f32 from vector<1xf32>
      %parallel_loop3A_405 = vector.broadcast %parallel_loop3A_404 : f32 to vector<16xf32>
      %parallel_loop3A_406 = arith.mulf %parallel_loop3A_390, %parallel_loop3A_342 : vector<16xf32>
      %parallel_loop3A_407 = arith.constant 5.000000e-01 : f32
      %parallel_loop3A_408 = vector.broadcast %parallel_loop3A_407 : f32 to vector<16xf32>
      %parallel_loop3A_409 = arith.addf %parallel_loop3A_408, %parallel_loop3A_406 : vector<16xf32>
      %parallel_loop3A_410 = arith.mulf %parallel_loop3A_393, %parallel_loop3A_344 : vector<16xf32>
      %parallel_loop3A_411 = arith.addf %parallel_loop3A_409, %parallel_loop3A_410 : vector<16xf32>
      %parallel_loop3A_412 = arith.mulf %parallel_loop3A_411, %parallel_loop3A_411 : vector<16xf32>
      %parallel_loop3A_413 = arith.mulf %parallel_loop3A_412, %parallel_loop3A_412 : vector<16xf32>
      %parallel_loop3A_414 = arith.mulf %parallel_loop3A_413, %parallel_loop3A_413 : vector<16xf32>
      %parallel_loop3A_415 = arith.mulf %parallel_loop3A_414, %parallel_loop3A_414 : vector<16xf32>
      %parallel_loop3A_416 = arith.mulf %parallel_loop3A_415, %parallel_loop3A_415 : vector<16xf32>
      %parallel_loop3A_417 = arith.select %parallel_loop3A_340, %parallel_loop3A_396, %parallel_loop3A_399 : vector<16xi1>, vector<16xf32>
      %parallel_loop3A_418 = arith.select %parallel_loop3A_340, %parallel_loop3A_402, %parallel_loop3A_405 : vector<16xi1>, vector<16xf32>
      %parallel_loop3A_419 = arith.mulf %parallel_loop3A_416, %parallel_loop3A_417 : vector<16xf32>
      %parallel_loop3A_420 = arith.index_cast %parallel_loop3A_387 : i32 to index
      %parallel_loop3A_421 = tpu.vector_load %arg17[%parallel_loop3A_420] {strides = array<i32>} : memref<1920xf32, #tpu.memory_space<vmem>>, vector<16xf32>,
      tpu.vector_store %arg17[%parallel_loop3A_420], %parallel_loop3A_419 {add = true, strides = array<i32>} : memref<1920xf32, #tpu.memory_space<vmem>>, vector<16xf32>,
      %parallel_loop3A_422 = arith.constant 16 : i32
      %parallel_loop3A_423 = arith.addi %parallel_loop3A_387, %parallel_loop3A_422 : i32
      %parallel_loop3A_424 = arith.mulf %parallel_loop3A_416, %parallel_loop3A_418 : vector<16xf32>
      %parallel_loop3A_425 = arith.index_cast %parallel_loop3A_423 : i32 to index
      %parallel_loop3A_426 = tpu.vector_load %arg17[%parallel_loop3A_425] {strides = array<i32>} : memref<1920xf32, #tpu.memory_space<vmem>>, vector<16xf32>,
      tpu.vector_store %arg17[%parallel_loop3A_425], %parallel_loop3A_424 {add = true, strides = array<i32>} : memref<1920xf32, #tpu.memory_space<vmem>>, vector<16xf32>,
      %parallel_loop3A_427 = vector.extract_strided_slice %parallel_loop3A_300 {offsets = [2], sizes = [1], strides = [1]} : vector<16xi32> to vector<1xi32>
      %parallel_loop3A_428 = vector.extract %parallel_loop3A_427[0] : i32 from vector<1xi32>
      %parallel_loop3A_429 = vector.extract_strided_slice %parallel_loop3A_291 {offsets = [2], sizes = [1], strides = [1]} : vector<16xf32> to vector<1xf32>
      %parallel_loop3A_430 = vector.extract %parallel_loop3A_429[0] : f32 from vector<1xf32>
      %parallel_loop3A_431 = vector.broadcast %parallel_loop3A_430 : f32 to vector<16xf32>
      %parallel_loop3A_432 = vector.extract_strided_slice %parallel_loop3A_251 {offsets = [2], sizes = [1], strides = [1]} : vector<16xf32> to vector<1xf32>
      %parallel_loop3A_433 = vector.extract %parallel_loop3A_432[0] : f32 from vector<1xf32>
      %parallel_loop3A_434 = vector.broadcast %parallel_loop3A_433 : f32 to vector<16xf32>
      %parallel_loop3A_435 = vector.extract_strided_slice %parallel_loop3A_309 {offsets = [2], sizes = [1], strides = [1]} : vector<16xf32> to vector<1xf32>
      %parallel_loop3A_436 = vector.extract %parallel_loop3A_435[0] : f32 from vector<1xf32>
      %parallel_loop3A_437 = vector.broadcast %parallel_loop3A_436 : f32 to vector<16xf32>
      %parallel_loop3A_438 = vector.extract_strided_slice %parallel_loop3A_318 {offsets = [2], sizes = [1], strides = [1]} : vector<16xf32> to vector<1xf32>
      %parallel_loop3A_439 = vector.extract %parallel_loop3A_438[0] : f32 from vector<1xf32>
      %parallel_loop3A_440 = vector.broadcast %parallel_loop3A_439 : f32 to vector<16xf32>
      %parallel_loop3A_441 = vector.extract_strided_slice %parallel_loop3A_327 {offsets = [2], sizes = [1], strides = [1]} : vector<16xf32> to vector<1xf32>
      %parallel_loop3A_442 = vector.extract %parallel_loop3A_441[0] : f32 from vector<1xf32>
      %parallel_loop3A_443 = vector.broadcast %parallel_loop3A_442 : f32 to vector<16xf32>
      %parallel_loop3A_444 = vector.extract_strided_slice %parallel_loop3A_336 {offsets = [2], sizes = [1], strides = [1]} : vector<16xf32> to vector<1xf32>
      %parallel_loop3A_445 = vector.extract %parallel_loop3A_444[0] : f32 from vector<1xf32>
      %parallel_loop3A_446 = vector.broadcast %parallel_loop3A_445 : f32 to vector<16xf32>
      %parallel_loop3A_447 = arith.mulf %parallel_loop3A_431, %parallel_loop3A_342 : vector<16xf32>
      %parallel_loop3A_448 = arith.constant 5.000000e-01 : f32
      %parallel_loop3A_449 = vector.broadcast %parallel_loop3A_448 : f32 to vector<16xf32>
      %parallel_loop3A_450 = arith.addf %parallel_loop3A_449, %parallel_loop3A_447 : vector<16xf32>
      %parallel_loop3A_451 = arith.mulf %parallel_loop3A_434, %parallel_loop3A_344 : vector<16xf32>
      %parallel_loop3A_452 = arith.addf %parallel_loop3A_450, %parallel_loop3A_451 : vector<16xf32>
      %parallel_loop3A_453 = arith.mulf %parallel_loop3A_452, %parallel_loop3A_452 : vector<16xf32>
      %parallel_loop3A_454 = arith.mulf %parallel_loop3A_453, %parallel_loop3A_453 : vector<16xf32>
      %parallel_loop3A_455 = arith.mulf %parallel_loop3A_454, %parallel_loop3A_454 : vector<16xf32>
      %parallel_loop3A_456 = arith.mulf %parallel_loop3A_455, %parallel_loop3A_455 : vector<16xf32>
      %parallel_loop3A_457 = arith.mulf %parallel_loop3A_456, %parallel_loop3A_456 : vector<16xf32>
      %parallel_loop3A_458 = arith.select %parallel_loop3A_340, %parallel_loop3A_437, %parallel_loop3A_440 : vector<16xi1>, vector<16xf32>
      %parallel_loop3A_459 = arith.select %parallel_loop3A_340, %parallel_loop3A_443, %parallel_loop3A_446 : vector<16xi1>, vector<16xf32>
      %parallel_loop3A_460 = arith.mulf %parallel_loop3A_457, %parallel_loop3A_458 : vector<16xf32>
      %parallel_loop3A_461 = arith.index_cast %parallel_loop3A_428 : i32 to index
      %parallel_loop3A_462 = tpu.vector_load %arg16[%parallel_loop3A_461] {strides = array<i32>} : memref<1920xf32, #tpu.memory_space<vmem>>, vector<16xf32>,
      tpu.vector_store %arg16[%parallel_loop3A_461], %parallel_loop3A_460 {add = true, strides = array<i32>} : memref<1920xf32, #tpu.memory_space<vmem>>, vector<16xf32>,
      %parallel_loop3A_463 = arith.constant 16 : i32
      %parallel_loop3A_464 = arith.addi %parallel_loop3A_428, %parallel_loop3A_463 : i32
      %parallel_loop3A_465 = arith.mulf %parallel_loop3A_457, %parallel_loop3A_459 : vector<16xf32>
      %parallel_loop3A_466 = arith.index_cast %parallel_loop3A_464 : i32 to index
      %parallel_loop3A_467 = tpu.vector_load %arg16[%parallel_loop3A_466] {strides = array<i32>} : memref<1920xf32, #tpu.memory_space<vmem>>, vector<16xf32>,
      tpu.vector_store %arg16[%parallel_loop3A_466], %parallel_loop3A_465 {add = true, strides = array<i32>} : memref<1920xf32, #tpu.memory_space<vmem>>, vector<16xf32>,
      %parallel_loop3A_468 = vector.extract_strided_slice %parallel_loop3A_300 {offsets = [3], sizes = [1], strides = [1]} : vector<16xi32> to vector<1xi32>
      %parallel_loop3A_469 = vector.extract %parallel_loop3A_468[0] : i32 from vector<1xi32>
      %parallel_loop3A_470 = vector.extract_strided_slice %parallel_loop3A_291 {offsets = [3], sizes = [1], strides = [1]} : vector<16xf32> to vector<1xf32>
      %parallel_loop3A_471 = vector.extract %parallel_loop3A_470[0] : f32 from vector<1xf32>
      %parallel_loop3A_472 = vector.broadcast %parallel_loop3A_471 : f32 to vector<16xf32>
      %parallel_loop3A_473 = vector.extract_strided_slice %parallel_loop3A_251 {offsets = [3], sizes = [1], strides = [1]} : vector<16xf32> to vector<1xf32>
      %parallel_loop3A_474 = vector.extract %parallel_loop3A_473[0] : f32 from vector<1xf32>
      %parallel_loop3A_475 = vector.broadcast %parallel_loop3A_474 : f32 to vector<16xf32>
      %parallel_loop3A_476 = vector.extract_strided_slice %parallel_loop3A_309 {offsets = [3], sizes = [1], strides = [1]} : vector<16xf32> to vector<1xf32>
      %parallel_loop3A_477 = vector.extract %parallel_loop3A_476[0] : f32 from vector<1xf32>
      %parallel_loop3A_478 = vector.broadcast %parallel_loop3A_477 : f32 to vector<16xf32>
      %parallel_loop3A_479 = vector.extract_strided_slice %parallel_loop3A_318 {offsets = [3], sizes = [1], strides = [1]} : vector<16xf32> to vector<1xf32>
      %parallel_loop3A_480 = vector.extract %parallel_loop3A_479[0] : f32 from vector<1xf32>
      %parallel_loop3A_481 = vector.broadcast %parallel_loop3A_480 : f32 to vector<16xf32>
      %parallel_loop3A_482 = vector.extract_strided_slice %parallel_loop3A_327 {offsets = [3], sizes = [1], strides = [1]} : vector<16xf32> to vector<1xf32>
      %parallel_loop3A_483 = vector.extract %parallel_loop3A_482[0] : f32 from vector<1xf32>
      %parallel_loop3A_484 = vector.broadcast %parallel_loop3A_483 : f32 to vector<16xf32>
      %parallel_loop3A_485 = vector.extract_strided_slice %parallel_loop3A_336 {offsets = [3], sizes = [1], strides = [1]} : vector<16xf32> to vector<1xf32>
      %parallel_loop3A_486 = vector.extract %parallel_loop3A_485[0] : f32 from vector<1xf32>
      %parallel_loop3A_487 = vector.broadcast %parallel_loop3A_486 : f32 to vector<16xf32>
      %parallel_loop3A_488 = arith.mulf %parallel_loop3A_472, %parallel_loop3A_342 : vector<16xf32>
      %parallel_loop3A_489 = arith.constant 5.000000e-01 : f32
      %parallel_loop3A_490 = vector.broadcast %parallel_loop3A_489 : f32 to vector<16xf32>
      %parallel_loop3A_491 = arith.addf %parallel_loop3A_490, %parallel_loop3A_488 : vector<16xf32>
      %parallel_loop3A_492 = arith.mulf %parallel_loop3A_475, %parallel_loop3A_344 : vector<16xf32>
      %parallel_loop3A_493 = arith.addf %parallel_loop3A_491, %parallel_loop3A_492 : vector<16xf32>
      %parallel_loop3A_494 = arith.mulf %parallel_loop3A_493, %parallel_loop3A_493 : vector<16xf32>
      %parallel_loop3A_495 = arith.mulf %parallel_loop3A_494, %parallel_loop3A_494 : vector<16xf32>
      %parallel_loop3A_496 = arith.mulf %parallel_loop3A_495, %parallel_loop3A_495 : vector<16xf32>
      %parallel_loop3A_497 = arith.mulf %parallel_loop3A_496, %parallel_loop3A_496 : vector<16xf32>
      %parallel_loop3A_498 = arith.mulf %parallel_loop3A_497, %parallel_loop3A_497 : vector<16xf32>
      %parallel_loop3A_499 = arith.select %parallel_loop3A_340, %parallel_loop3A_478, %parallel_loop3A_481 : vector<16xi1>, vector<16xf32>
      %parallel_loop3A_500 = arith.select %parallel_loop3A_340, %parallel_loop3A_484, %parallel_loop3A_487 : vector<16xi1>, vector<16xf32>
      %parallel_loop3A_501 = arith.mulf %parallel_loop3A_498, %parallel_loop3A_499 : vector<16xf32>
      %parallel_loop3A_502 = arith.index_cast %parallel_loop3A_469 : i32 to index
      %parallel_loop3A_503 = tpu.vector_load %arg17[%parallel_loop3A_502] {strides = array<i32>} : memref<1920xf32, #tpu.memory_space<vmem>>, vector<16xf32>,
      tpu.vector_store %arg17[%parallel_loop3A_502], %parallel_loop3A_501 {add = true, strides = array<i32>} : memref<1920xf32, #tpu.memory_space<vmem>>, vector<16xf32>,
      %parallel_loop3A_504 = arith.constant 16 : i32
      %parallel_loop3A_505 = arith.addi %parallel_loop3A_469, %parallel_loop3A_504 : i32
      %parallel_loop3A_506 = arith.mulf %parallel_loop3A_498, %parallel_loop3A_500 : vector<16xf32>
      %parallel_loop3A_507 = arith.index_cast %parallel_loop3A_505 : i32 to index
      %parallel_loop3A_508 = tpu.vector_load %arg17[%parallel_loop3A_507] {strides = array<i32>} : memref<1920xf32, #tpu.memory_space<vmem>>, vector<16xf32>,
      tpu.vector_store %arg17[%parallel_loop3A_507], %parallel_loop3A_506 {add = true, strides = array<i32>} : memref<1920xf32, #tpu.memory_space<vmem>>, vector<16xf32>,
      %parallel_loop3A_509 = vector.extract_strided_slice %parallel_loop3A_300 {offsets = [4], sizes = [1], strides = [1]} : vector<16xi32> to vector<1xi32>
      %parallel_loop3A_510 = vector.extract %parallel_loop3A_509[0] : i32 from vector<1xi32>
      %parallel_loop3A_511 = vector.extract_strided_slice %parallel_loop3A_291 {offsets = [4], sizes = [1], strides = [1]} : vector<16xf32> to vector<1xf32>
      %parallel_loop3A_512 = vector.extract %parallel_loop3A_511[0] : f32 from vector<1xf32>
      %parallel_loop3A_513 = vector.broadcast %parallel_loop3A_512 : f32 to vector<16xf32>
      %parallel_loop3A_514 = vector.extract_strided_slice %parallel_loop3A_251 {offsets = [4], sizes = [1], strides = [1]} : vector<16xf32> to vector<1xf32>
      %parallel_loop3A_515 = vector.extract %parallel_loop3A_514[0] : f32 from vector<1xf32>
      %parallel_loop3A_516 = vector.broadcast %parallel_loop3A_515 : f32 to vector<16xf32>
      %parallel_loop3A_517 = vector.extract_strided_slice %parallel_loop3A_309 {offsets = [4], sizes = [1], strides = [1]} : vector<16xf32> to vector<1xf32>
      %parallel_loop3A_518 = vector.extract %parallel_loop3A_517[0] : f32 from vector<1xf32>
      %parallel_loop3A_519 = vector.broadcast %parallel_loop3A_518 : f32 to vector<16xf32>
      %parallel_loop3A_520 = vector.extract_strided_slice %parallel_loop3A_318 {offsets = [4], sizes = [1], strides = [1]} : vector<16xf32> to vector<1xf32>
      %parallel_loop3A_521 = vector.extract %parallel_loop3A_520[0] : f32 from vector<1xf32>
      %parallel_loop3A_522 = vector.broadcast %parallel_loop3A_521 : f32 to vector<16xf32>
      %parallel_loop3A_523 = vector.extract_strided_slice %parallel_loop3A_327 {offsets = [4], sizes = [1], strides = [1]} : vector<16xf32> to vector<1xf32>
      %parallel_loop3A_524 = vector.extract %parallel_loop3A_523[0] : f32 from vector<1xf32>
      %parallel_loop3A_525 = vector.broadcast %parallel_loop3A_524 : f32 to vector<16xf32>
      %parallel_loop3A_526 = vector.extract_strided_slice %parallel_loop3A_336 {offsets = [4], sizes = [1], strides = [1]} : vector<16xf32> to vector<1xf32>
      %parallel_loop3A_527 = vector.extract %parallel_loop3A_526[0] : f32 from vector<1xf32>
      %parallel_loop3A_528 = vector.broadcast %parallel_loop3A_527 : f32 to vector<16xf32>
      %parallel_loop3A_529 = arith.mulf %parallel_loop3A_513, %parallel_loop3A_342 : vector<16xf32>
      %parallel_loop3A_530 = arith.constant 5.000000e-01 : f32
      %parallel_loop3A_531 = vector.broadcast %parallel_loop3A_530 : f32 to vector<16xf32>
      %parallel_loop3A_532 = arith.addf %parallel_loop3A_531, %parallel_loop3A_529 : vector<16xf32>
      %parallel_loop3A_533 = arith.mulf %parallel_loop3A_516, %parallel_loop3A_344 : vector<16xf32>
      %parallel_loop3A_534 = arith.addf %parallel_loop3A_532, %parallel_loop3A_533 : vector<16xf32>
      %parallel_loop3A_535 = arith.mulf %parallel_loop3A_534, %parallel_loop3A_534 : vector<16xf32>
      %parallel_loop3A_536 = arith.mulf %parallel_loop3A_535, %parallel_loop3A_535 : vector<16xf32>
      %parallel_loop3A_537 = arith.mulf %parallel_loop3A_536, %parallel_loop3A_536 : vector<16xf32>
      %parallel_loop3A_538 = arith.mulf %parallel_loop3A_537, %parallel_loop3A_537 : vector<16xf32>
      %parallel_loop3A_539 = arith.mulf %parallel_loop3A_538, %parallel_loop3A_538 : vector<16xf32>
      %parallel_loop3A_540 = arith.select %parallel_loop3A_340, %parallel_loop3A_519, %parallel_loop3A_522 : vector<16xi1>, vector<16xf32>
      %parallel_loop3A_541 = arith.select %parallel_loop3A_340, %parallel_loop3A_525, %parallel_loop3A_528 : vector<16xi1>, vector<16xf32>
      %parallel_loop3A_542 = arith.mulf %parallel_loop3A_539, %parallel_loop3A_540 : vector<16xf32>
      %parallel_loop3A_543 = arith.index_cast %parallel_loop3A_510 : i32 to index
      %parallel_loop3A_544 = tpu.vector_load %arg16[%parallel_loop3A_543] {strides = array<i32>} : memref<1920xf32, #tpu.memory_space<vmem>>, vector<16xf32>,
      tpu.vector_store %arg16[%parallel_loop3A_543], %parallel_loop3A_542 {add = true, strides = array<i32>} : memref<1920xf32, #tpu.memory_space<vmem>>, vector<16xf32>,
      %parallel_loop3A_545 = arith.constant 16 : i32
      %parallel_loop3A_546 = arith.addi %parallel_loop3A_510, %parallel_loop3A_545 : i32
      %parallel_loop3A_547 = arith.mulf %parallel_loop3A_539, %parallel_loop3A_541 : vector<16xf32>
      %parallel_loop3A_548 = arith.index_cast %parallel_loop3A_546 : i32 to index
      %parallel_loop3A_549 = tpu.vector_load %arg16[%parallel_loop3A_548] {strides = array<i32>} : memref<1920xf32, #tpu.memory_space<vmem>>, vector<16xf32>,
      tpu.vector_store %arg16[%parallel_loop3A_548], %parallel_loop3A_547 {add = true, strides = array<i32>} : memref<1920xf32, #tpu.memory_space<vmem>>, vector<16xf32>,
      %parallel_loop3A_550 = vector.extract_strided_slice %parallel_loop3A_300 {offsets = [5], sizes = [1], strides = [1]} : vector<16xi32> to vector<1xi32>
      %parallel_loop3A_551 = vector.extract %parallel_loop3A_550[0] : i32 from vector<1xi32>
      %parallel_loop3A_552 = vector.extract_strided_slice %parallel_loop3A_291 {offsets = [5], sizes = [1], strides = [1]} : vector<16xf32> to vector<1xf32>
      %parallel_loop3A_553 = vector.extract %parallel_loop3A_552[0] : f32 from vector<1xf32>
      %parallel_loop3A_554 = vector.broadcast %parallel_loop3A_553 : f32 to vector<16xf32>
      %parallel_loop3A_555 = vector.extract_strided_slice %parallel_loop3A_251 {offsets = [5], sizes = [1], strides = [1]} : vector<16xf32> to vector<1xf32>
      %parallel_loop3A_556 = vector.extract %parallel_loop3A_555[0] : f32 from vector<1xf32>
      %parallel_loop3A_557 = vector.broadcast %parallel_loop3A_556 : f32 to vector<16xf32>
      %parallel_loop3A_558 = vector.extract_strided_slice %parallel_loop3A_309 {offsets = [5], sizes = [1], strides = [1]} : vector<16xf32> to vector<1xf32>
      %parallel_loop3A_559 = vector.extract %parallel_loop3A_558[0] : f32 from vector<1xf32>
      %parallel_loop3A_560 = vector.broadcast %parallel_loop3A_559 : f32 to vector<16xf32>
      %parallel_loop3A_561 = vector.extract_strided_slice %parallel_loop3A_318 {offsets = [5], sizes = [1], strides = [1]} : vector<16xf32> to vector<1xf32>
      %parallel_loop3A_562 = vector.extract %parallel_loop3A_561[0] : f32 from vector<1xf32>
      %parallel_loop3A_563 = vector.broadcast %parallel_loop3A_562 : f32 to vector<16xf32>
      %parallel_loop3A_564 = vector.extract_strided_slice %parallel_loop3A_327 {offsets = [5], sizes = [1], strides = [1]} : vector<16xf32> to vector<1xf32>
      %parallel_loop3A_565 = vector.extract %parallel_loop3A_564[0] : f32 from vector<1xf32>
      %parallel_loop3A_566 = vector.broadcast %parallel_loop3A_565 : f32 to vector<16xf32>
      %parallel_loop3A_567 = vector.extract_strided_slice %parallel_loop3A_336 {offsets = [5], sizes = [1], strides = [1]} : vector<16xf32> to vector<1xf32>
      %parallel_loop3A_568 = vector.extract %parallel_loop3A_567[0] : f32 from vector<1xf32>
      %parallel_loop3A_569 = vector.broadcast %parallel_loop3A_568 : f32 to vector<16xf32>
      %parallel_loop3A_570 = arith.mulf %parallel_loop3A_554, %parallel_loop3A_342 : vector<16xf32>
      %parallel_loop3A_571 = arith.constant 5.000000e-01 : f32
      %parallel_loop3A_572 = vector.broadcast %parallel_loop3A_571 : f32 to vector<16xf32>
      %parallel_loop3A_573 = arith.addf %parallel_loop3A_572, %parallel_loop3A_570 : vector<16xf32>
      %parallel_loop3A_574 = arith.mulf %parallel_loop3A_557, %parallel_loop3A_344 : vector<16xf32>
      %parallel_loop3A_575 = arith.addf %parallel_loop3A_573, %parallel_loop3A_574 : vector<16xf32>
      %parallel_loop3A_576 = arith.mulf %parallel_loop3A_575, %parallel_loop3A_575 : vector<16xf32>
      %parallel_loop3A_577 = arith.mulf %parallel_loop3A_576, %parallel_loop3A_576 : vector<16xf32>
      %parallel_loop3A_578 = arith.mulf %parallel_loop3A_577, %parallel_loop3A_577 : vector<16xf32>
      %parallel_loop3A_579 = arith.mulf %parallel_loop3A_578, %parallel_loop3A_578 : vector<16xf32>
      %parallel_loop3A_580 = arith.mulf %parallel_loop3A_579, %parallel_loop3A_579 : vector<16xf32>
      %parallel_loop3A_581 = arith.select %parallel_loop3A_340, %parallel_loop3A_560, %parallel_loop3A_563 : vector<16xi1>, vector<16xf32>
      %parallel_loop3A_582 = arith.select %parallel_loop3A_340, %parallel_loop3A_566, %parallel_loop3A_569 : vector<16xi1>, vector<16xf32>
      %parallel_loop3A_583 = arith.mulf %parallel_loop3A_580, %parallel_loop3A_581 : vector<16xf32>
      %parallel_loop3A_584 = arith.index_cast %parallel_loop3A_551 : i32 to index
      %parallel_loop3A_585 = tpu.vector_load %arg17[%parallel_loop3A_584] {strides = array<i32>} : memref<1920xf32, #tpu.memory_space<vmem>>, vector<16xf32>,
      tpu.vector_store %arg17[%parallel_loop3A_584], %parallel_loop3A_583 {add = true, strides = array<i32>} : memref<1920xf32, #tpu.memory_space<vmem>>, vector<16xf32>,
      %parallel_loop3A_586 = arith.constant 16 : i32
      %parallel_loop3A_587 = arith.addi %parallel_loop3A_551, %parallel_loop3A_586 : i32
      %parallel_loop3A_588 = arith.mulf %parallel_loop3A_580, %parallel_loop3A_582 : vector<16xf32>
      %parallel_loop3A_589 = arith.index_cast %parallel_loop3A_587 : i32 to index
      %parallel_loop3A_590 = tpu.vector_load %arg17[%parallel_loop3A_589] {strides = array<i32>} : memref<1920xf32, #tpu.memory_space<vmem>>, vector<16xf32>,
      tpu.vector_store %arg17[%parallel_loop3A_589], %parallel_loop3A_588 {add = true, strides = array<i32>} : memref<1920xf32, #tpu.memory_space<vmem>>, vector<16xf32>,
      %parallel_loop3A_591 = vector.extract_strided_slice %parallel_loop3A_300 {offsets = [6], sizes = [1], strides = [1]} : vector<16xi32> to vector<1xi32>
      %parallel_loop3A_592 = vector.extract %parallel_loop3A_591[0] : i32 from vector<1xi32>
      %parallel_loop3A_593 = vector.extract_strided_slice %parallel_loop3A_291 {offsets = [6], sizes = [1], strides = [1]} : vector<16xf32> to vector<1xf32>
      %parallel_loop3A_594 = vector.extract %parallel_loop3A_593[0] : f32 from vector<1xf32>
      %parallel_loop3A_595 = vector.broadcast %parallel_loop3A_594 : f32 to vector<16xf32>
      %parallel_loop3A_596 = vector.extract_strided_slice %parallel_loop3A_251 {offsets = [6], sizes = [1], strides = [1]} : vector<16xf32> to vector<1xf32>
      %parallel_loop3A_597 = vector.extract %parallel_loop3A_596[0] : f32 from vector<1xf32>
      %parallel_loop3A_598 = vector.broadcast %parallel_loop3A_597 : f32 to vector<16xf32>
      %parallel_loop3A_599 = vector.extract_strided_slice %parallel_loop3A_309 {offsets = [6], sizes = [1], strides = [1]} : vector<16xf32> to vector<1xf32>
      %parallel_loop3A_600 = vector.extract %parallel_loop3A_599[0] : f32 from vector<1xf32>
      %parallel_loop3A_601 = vector.broadcast %parallel_loop3A_600 : f32 to vector<16xf32>
      %parallel_loop3A_602 = vector.extract_strided_slice %parallel_loop3A_318 {offsets = [6], sizes = [1], strides = [1]} : vector<16xf32> to vector<1xf32>
      %parallel_loop3A_603 = vector.extract %parallel_loop3A_602[0] : f32 from vector<1xf32>
      %parallel_loop3A_604 = vector.broadcast %parallel_loop3A_603 : f32 to vector<16xf32>
      %parallel_loop3A_605 = vector.extract_strided_slice %parallel_loop3A_327 {offsets = [6], sizes = [1], strides = [1]} : vector<16xf32> to vector<1xf32>
      %parallel_loop3A_606 = vector.extract %parallel_loop3A_605[0] : f32 from vector<1xf32>
      %parallel_loop3A_607 = vector.broadcast %parallel_loop3A_606 : f32 to vector<16xf32>
      %parallel_loop3A_608 = vector.extract_strided_slice %parallel_loop3A_336 {offsets = [6], sizes = [1], strides = [1]} : vector<16xf32> to vector<1xf32>
      %parallel_loop3A_609 = vector.extract %parallel_loop3A_608[0] : f32 from vector<1xf32>
      %parallel_loop3A_610 = vector.broadcast %parallel_loop3A_609 : f32 to vector<16xf32>
      %parallel_loop3A_611 = arith.mulf %parallel_loop3A_595, %parallel_loop3A_342 : vector<16xf32>
      %parallel_loop3A_612 = arith.constant 5.000000e-01 : f32
      %parallel_loop3A_613 = vector.broadcast %parallel_loop3A_612 : f32 to vector<16xf32>
      %parallel_loop3A_614 = arith.addf %parallel_loop3A_613, %parallel_loop3A_611 : vector<16xf32>
      %parallel_loop3A_615 = arith.mulf %parallel_loop3A_598, %parallel_loop3A_344 : vector<16xf32>
      %parallel_loop3A_616 = arith.addf %parallel_loop3A_614, %parallel_loop3A_615 : vector<16xf32>
      %parallel_loop3A_617 = arith.mulf %parallel_loop3A_616, %parallel_loop3A_616 : vector<16xf32>
      %parallel_loop3A_618 = arith.mulf %parallel_loop3A_617, %parallel_loop3A_617 : vector<16xf32>
      %parallel_loop3A_619 = arith.mulf %parallel_loop3A_618, %parallel_loop3A_618 : vector<16xf32>
      %parallel_loop3A_620 = arith.mulf %parallel_loop3A_619, %parallel_loop3A_619 : vector<16xf32>
      %parallel_loop3A_621 = arith.mulf %parallel_loop3A_620, %parallel_loop3A_620 : vector<16xf32>
      %parallel_loop3A_622 = arith.select %parallel_loop3A_340, %parallel_loop3A_601, %parallel_loop3A_604 : vector<16xi1>, vector<16xf32>
      %parallel_loop3A_623 = arith.select %parallel_loop3A_340, %parallel_loop3A_607, %parallel_loop3A_610 : vector<16xi1>, vector<16xf32>
      %parallel_loop3A_624 = arith.mulf %parallel_loop3A_621, %parallel_loop3A_622 : vector<16xf32>
      %parallel_loop3A_625 = arith.index_cast %parallel_loop3A_592 : i32 to index
      %parallel_loop3A_626 = tpu.vector_load %arg16[%parallel_loop3A_625] {strides = array<i32>} : memref<1920xf32, #tpu.memory_space<vmem>>, vector<16xf32>,
      tpu.vector_store %arg16[%parallel_loop3A_625], %parallel_loop3A_624 {add = true, strides = array<i32>} : memref<1920xf32, #tpu.memory_space<vmem>>, vector<16xf32>,
      %parallel_loop3A_627 = arith.constant 16 : i32
      %parallel_loop3A_628 = arith.addi %parallel_loop3A_592, %parallel_loop3A_627 : i32
      %parallel_loop3A_629 = arith.mulf %parallel_loop3A_621, %parallel_loop3A_623 : vector<16xf32>
      %parallel_loop3A_630 = arith.index_cast %parallel_loop3A_628 : i32 to index
      %parallel_loop3A_631 = tpu.vector_load %arg16[%parallel_loop3A_630] {strides = array<i32>} : memref<1920xf32, #tpu.memory_space<vmem>>, vector<16xf32>,
      tpu.vector_store %arg16[%parallel_loop3A_630], %parallel_loop3A_629 {add = true, strides = array<i32>} : memref<1920xf32, #tpu.memory_space<vmem>>, vector<16xf32>,
      %parallel_loop3A_632 = vector.extract_strided_slice %parallel_loop3A_300 {offsets = [7], sizes = [1], strides = [1]} : vector<16xi32> to vector<1xi32>
      %parallel_loop3A_633 = vector.extract %parallel_loop3A_632[0] : i32 from vector<1xi32>
      %parallel_loop3A_634 = vector.extract_strided_slice %parallel_loop3A_291 {offsets = [7], sizes = [1], strides = [1]} : vector<16xf32> to vector<1xf32>
      %parallel_loop3A_635 = vector.extract %parallel_loop3A_634[0] : f32 from vector<1xf32>
      %parallel_loop3A_636 = vector.broadcast %parallel_loop3A_635 : f32 to vector<16xf32>
      %parallel_loop3A_637 = vector.extract_strided_slice %parallel_loop3A_251 {offsets = [7], sizes = [1], strides = [1]} : vector<16xf32> to vector<1xf32>
      %parallel_loop3A_638 = vector.extract %parallel_loop3A_637[0] : f32 from vector<1xf32>
      %parallel_loop3A_639 = vector.broadcast %parallel_loop3A_638 : f32 to vector<16xf32>
      %parallel_loop3A_640 = vector.extract_strided_slice %parallel_loop3A_309 {offsets = [7], sizes = [1], strides = [1]} : vector<16xf32> to vector<1xf32>
      %parallel_loop3A_641 = vector.extract %parallel_loop3A_640[0] : f32 from vector<1xf32>
      %parallel_loop3A_642 = vector.broadcast %parallel_loop3A_641 : f32 to vector<16xf32>
      %parallel_loop3A_643 = vector.extract_strided_slice %parallel_loop3A_318 {offsets = [7], sizes = [1], strides = [1]} : vector<16xf32> to vector<1xf32>
      %parallel_loop3A_644 = vector.extract %parallel_loop3A_643[0] : f32 from vector<1xf32>
      %parallel_loop3A_645 = vector.broadcast %parallel_loop3A_644 : f32 to vector<16xf32>
      %parallel_loop3A_646 = vector.extract_strided_slice %parallel_loop3A_327 {offsets = [7], sizes = [1], strides = [1]} : vector<16xf32> to vector<1xf32>
      %parallel_loop3A_647 = vector.extract %parallel_loop3A_646[0] : f32 from vector<1xf32>
      %parallel_loop3A_648 = vector.broadcast %parallel_loop3A_647 : f32 to vector<16xf32>
      %parallel_loop3A_649 = vector.extract_strided_slice %parallel_loop3A_336 {offsets = [7], sizes = [1], strides = [1]} : vector<16xf32> to vector<1xf32>
      %parallel_loop3A_650 = vector.extract %parallel_loop3A_649[0] : f32 from vector<1xf32>
      %parallel_loop3A_651 = vector.broadcast %parallel_loop3A_650 : f32 to vector<16xf32>
      %parallel_loop3A_652 = arith.mulf %parallel_loop3A_636, %parallel_loop3A_342 : vector<16xf32>
      %parallel_loop3A_653 = arith.constant 5.000000e-01 : f32
      %parallel_loop3A_654 = vector.broadcast %parallel_loop3A_653 : f32 to vector<16xf32>
      %parallel_loop3A_655 = arith.addf %parallel_loop3A_654, %parallel_loop3A_652 : vector<16xf32>
      %parallel_loop3A_656 = arith.mulf %parallel_loop3A_639, %parallel_loop3A_344 : vector<16xf32>
      %parallel_loop3A_657 = arith.addf %parallel_loop3A_655, %parallel_loop3A_656 : vector<16xf32>
      %parallel_loop3A_658 = arith.mulf %parallel_loop3A_657, %parallel_loop3A_657 : vector<16xf32>
      %parallel_loop3A_659 = arith.mulf %parallel_loop3A_658, %parallel_loop3A_658 : vector<16xf32>
      %parallel_loop3A_660 = arith.mulf %parallel_loop3A_659, %parallel_loop3A_659 : vector<16xf32>
      %parallel_loop3A_661 = arith.mulf %parallel_loop3A_660, %parallel_loop3A_660 : vector<16xf32>
      %parallel_loop3A_662 = arith.mulf %parallel_loop3A_661, %parallel_loop3A_661 : vector<16xf32>
      %parallel_loop3A_663 = arith.select %parallel_loop3A_340, %parallel_loop3A_642, %parallel_loop3A_645 : vector<16xi1>, vector<16xf32>
      %parallel_loop3A_664 = arith.select %parallel_loop3A_340, %parallel_loop3A_648, %parallel_loop3A_651 : vector<16xi1>, vector<16xf32>
      %parallel_loop3A_665 = arith.mulf %parallel_loop3A_662, %parallel_loop3A_663 : vector<16xf32>
      %parallel_loop3A_666 = arith.index_cast %parallel_loop3A_633 : i32 to index
      %parallel_loop3A_667 = tpu.vector_load %arg17[%parallel_loop3A_666] {strides = array<i32>} : memref<1920xf32, #tpu.memory_space<vmem>>, vector<16xf32>,
      tpu.vector_store %arg17[%parallel_loop3A_666], %parallel_loop3A_665 {add = true, strides = array<i32>} : memref<1920xf32, #tpu.memory_space<vmem>>, vector<16xf32>,
      %parallel_loop3A_668 = arith.constant 16 : i32
      %parallel_loop3A_669 = arith.addi %parallel_loop3A_633, %parallel_loop3A_668 : i32
      %parallel_loop3A_670 = arith.mulf %parallel_loop3A_662, %parallel_loop3A_664 : vector<16xf32>
      %parallel_loop3A_671 = arith.index_cast %parallel_loop3A_669 : i32 to index
      %parallel_loop3A_672 = tpu.vector_load %arg17[%parallel_loop3A_671] {strides = array<i32>} : memref<1920xf32, #tpu.memory_space<vmem>>, vector<16xf32>,
      tpu.vector_store %arg17[%parallel_loop3A_671], %parallel_loop3A_670 {add = true, strides = array<i32>} : memref<1920xf32, #tpu.memory_space<vmem>>, vector<16xf32>,
      %parallel_loop3A_673 = vector.extract_strided_slice %parallel_loop3A_300 {offsets = [8], sizes = [1], strides = [1]} : vector<16xi32> to vector<1xi32>
      %parallel_loop3A_674 = vector.extract %parallel_loop3A_673[0] : i32 from vector<1xi32>
      %parallel_loop3A_675 = vector.extract_strided_slice %parallel_loop3A_291 {offsets = [8], sizes = [1], strides = [1]} : vector<16xf32> to vector<1xf32>
      %parallel_loop3A_676 = vector.extract %parallel_loop3A_675[0] : f32 from vector<1xf32>
      %parallel_loop3A_677 = vector.broadcast %parallel_loop3A_676 : f32 to vector<16xf32>
      %parallel_loop3A_678 = vector.extract_strided_slice %parallel_loop3A_251 {offsets = [8], sizes = [1], strides = [1]} : vector<16xf32> to vector<1xf32>
      %parallel_loop3A_679 = vector.extract %parallel_loop3A_678[0] : f32 from vector<1xf32>
      %parallel_loop3A_680 = vector.broadcast %parallel_loop3A_679 : f32 to vector<16xf32>
      %parallel_loop3A_681 = vector.extract_strided_slice %parallel_loop3A_309 {offsets = [8], sizes = [1], strides = [1]} : vector<16xf32> to vector<1xf32>
      %parallel_loop3A_682 = vector.extract %parallel_loop3A_681[0] : f32 from vector<1xf32>
      %parallel_loop3A_683 = vector.broadcast %parallel_loop3A_682 : f32 to vector<16xf32>
      %parallel_loop3A_684 = vector.extract_strided_slice %parallel_loop3A_318 {offsets = [8], sizes = [1], strides = [1]} : vector<16xf32> to vector<1xf32>
      %parallel_loop3A_685 = vector.extract %parallel_loop3A_684[0] : f32 from vector<1xf32>
      %parallel_loop3A_686 = vector.broadcast %parallel_loop3A_685 : f32 to vector<16xf32>
      %parallel_loop3A_687 = vector.extract_strided_slice %parallel_loop3A_327 {offsets = [8], sizes = [1], strides = [1]} : vector<16xf32> to vector<1xf32>
      %parallel_loop3A_688 = vector.extract %parallel_loop3A_687[0] : f32 from vector<1xf32>
      %parallel_loop3A_689 = vector.broadcast %parallel_loop3A_688 : f32 to vector<16xf32>
      %parallel_loop3A_690 = vector.extract_strided_slice %parallel_loop3A_336 {offsets = [8], sizes = [1], strides = [1]} : vector<16xf32> to vector<1xf32>
      %parallel_loop3A_691 = vector.extract %parallel_loop3A_690[0] : f32 from vector<1xf32>
      %parallel_loop3A_692 = vector.broadcast %parallel_loop3A_691 : f32 to vector<16xf32>
      %parallel_loop3A_693 = arith.mulf %parallel_loop3A_677, %parallel_loop3A_342 : vector<16xf32>
      %parallel_loop3A_694 = arith.constant 5.000000e-01 : f32
      %parallel_loop3A_695 = vector.broadcast %parallel_loop3A_694 : f32 to vector<16xf32>
      %parallel_loop3A_696 = arith.addf %parallel_loop3A_695, %parallel_loop3A_693 : vector<16xf32>
      %parallel_loop3A_697 = arith.mulf %parallel_loop3A_680, %parallel_loop3A_344 : vector<16xf32>
      %parallel_loop3A_698 = arith.addf %parallel_loop3A_696, %parallel_loop3A_697 : vector<16xf32>
      %parallel_loop3A_699 = arith.mulf %parallel_loop3A_698, %parallel_loop3A_698 : vector<16xf32>
      %parallel_loop3A_700 = arith.mulf %parallel_loop3A_699, %parallel_loop3A_699 : vector<16xf32>
      %parallel_loop3A_701 = arith.mulf %parallel_loop3A_700, %parallel_loop3A_700 : vector<16xf32>
      %parallel_loop3A_702 = arith.mulf %parallel_loop3A_701, %parallel_loop3A_701 : vector<16xf32>
      %parallel_loop3A_703 = arith.mulf %parallel_loop3A_702, %parallel_loop3A_702 : vector<16xf32>
      %parallel_loop3A_704 = arith.select %parallel_loop3A_340, %parallel_loop3A_683, %parallel_loop3A_686 : vector<16xi1>, vector<16xf32>
      %parallel_loop3A_705 = arith.select %parallel_loop3A_340, %parallel_loop3A_689, %parallel_loop3A_692 : vector<16xi1>, vector<16xf32>
      %parallel_loop3A_706 = arith.mulf %parallel_loop3A_703, %parallel_loop3A_704 : vector<16xf32>
      %parallel_loop3A_707 = arith.index_cast %parallel_loop3A_674 : i32 to index
      %parallel_loop3A_708 = tpu.vector_load %arg16[%parallel_loop3A_707] {strides = array<i32>} : memref<1920xf32, #tpu.memory_space<vmem>>, vector<16xf32>,
      tpu.vector_store %arg16[%parallel_loop3A_707], %parallel_loop3A_706 {add = true, strides = array<i32>} : memref<1920xf32, #tpu.memory_space<vmem>>, vector<16xf32>,
      %parallel_loop3A_709 = arith.constant 16 : i32
      %parallel_loop3A_710 = arith.addi %parallel_loop3A_674, %parallel_loop3A_709 : i32
      %parallel_loop3A_711 = arith.mulf %parallel_loop3A_703, %parallel_loop3A_705 : vector<16xf32>
      %parallel_loop3A_712 = arith.index_cast %parallel_loop3A_710 : i32 to index
      %parallel_loop3A_713 = tpu.vector_load %arg16[%parallel_loop3A_712] {strides = array<i32>} : memref<1920xf32, #tpu.memory_space<vmem>>, vector<16xf32>,
      tpu.vector_store %arg16[%parallel_loop3A_712], %parallel_loop3A_711 {add = true, strides = array<i32>} : memref<1920xf32, #tpu.memory_space<vmem>>, vector<16xf32>,
      %parallel_loop3A_714 = vector.extract_strided_slice %parallel_loop3A_300 {offsets = [9], sizes = [1], strides = [1]} : vector<16xi32> to vector<1xi32>
      %parallel_loop3A_715 = vector.extract %parallel_loop3A_714[0] : i32 from vector<1xi32>
      %parallel_loop3A_716 = vector.extract_strided_slice %parallel_loop3A_291 {offsets = [9], sizes = [1], strides = [1]} : vector<16xf32> to vector<1xf32>
      %parallel_loop3A_717 = vector.extract %parallel_loop3A_716[0] : f32 from vector<1xf32>
      %parallel_loop3A_718 = vector.broadcast %parallel_loop3A_717 : f32 to vector<16xf32>
      %parallel_loop3A_719 = vector.extract_strided_slice %parallel_loop3A_251 {offsets = [9], sizes = [1], strides = [1]} : vector<16xf32> to vector<1xf32>
      %parallel_loop3A_720 = vector.extract %parallel_loop3A_719[0] : f32 from vector<1xf32>
      %parallel_loop3A_721 = vector.broadcast %parallel_loop3A_720 : f32 to vector<16xf32>
      %parallel_loop3A_722 = vector.extract_strided_slice %parallel_loop3A_309 {offsets = [9], sizes = [1], strides = [1]} : vector<16xf32> to vector<1xf32>
      %parallel_loop3A_723 = vector.extract %parallel_loop3A_722[0] : f32 from vector<1xf32>
      %parallel_loop3A_724 = vector.broadcast %parallel_loop3A_723 : f32 to vector<16xf32>
      %parallel_loop3A_725 = vector.extract_strided_slice %parallel_loop3A_318 {offsets = [9], sizes = [1], strides = [1]} : vector<16xf32> to vector<1xf32>
      %parallel_loop3A_726 = vector.extract %parallel_loop3A_725[0] : f32 from vector<1xf32>
      %parallel_loop3A_727 = vector.broadcast %parallel_loop3A_726 : f32 to vector<16xf32>
      %parallel_loop3A_728 = vector.extract_strided_slice %parallel_loop3A_327 {offsets = [9], sizes = [1], strides = [1]} : vector<16xf32> to vector<1xf32>
      %parallel_loop3A_729 = vector.extract %parallel_loop3A_728[0] : f32 from vector<1xf32>
      %parallel_loop3A_730 = vector.broadcast %parallel_loop3A_729 : f32 to vector<16xf32>
      %parallel_loop3A_731 = vector.extract_strided_slice %parallel_loop3A_336 {offsets = [9], sizes = [1], strides = [1]} : vector<16xf32> to vector<1xf32>
      %parallel_loop3A_732 = vector.extract %parallel_loop3A_731[0] : f32 from vector<1xf32>
      %parallel_loop3A_733 = vector.broadcast %parallel_loop3A_732 : f32 to vector<16xf32>
      %parallel_loop3A_734 = arith.mulf %parallel_loop3A_718, %parallel_loop3A_342 : vector<16xf32>
      %parallel_loop3A_735 = arith.constant 5.000000e-01 : f32
      %parallel_loop3A_736 = vector.broadcast %parallel_loop3A_735 : f32 to vector<16xf32>
      %parallel_loop3A_737 = arith.addf %parallel_loop3A_736, %parallel_loop3A_734 : vector<16xf32>
      %parallel_loop3A_738 = arith.mulf %parallel_loop3A_721, %parallel_loop3A_344 : vector<16xf32>
      %parallel_loop3A_739 = arith.addf %parallel_loop3A_737, %parallel_loop3A_738 : vector<16xf32>
      %parallel_loop3A_740 = arith.mulf %parallel_loop3A_739, %parallel_loop3A_739 : vector<16xf32>
      %parallel_loop3A_741 = arith.mulf %parallel_loop3A_740, %parallel_loop3A_740 : vector<16xf32>
      %parallel_loop3A_742 = arith.mulf %parallel_loop3A_741, %parallel_loop3A_741 : vector<16xf32>
      %parallel_loop3A_743 = arith.mulf %parallel_loop3A_742, %parallel_loop3A_742 : vector<16xf32>
      %parallel_loop3A_744 = arith.mulf %parallel_loop3A_743, %parallel_loop3A_743 : vector<16xf32>
      %parallel_loop3A_745 = arith.select %parallel_loop3A_340, %parallel_loop3A_724, %parallel_loop3A_727 : vector<16xi1>, vector<16xf32>
      %parallel_loop3A_746 = arith.select %parallel_loop3A_340, %parallel_loop3A_730, %parallel_loop3A_733 : vector<16xi1>, vector<16xf32>
      %parallel_loop3A_747 = arith.mulf %parallel_loop3A_744, %parallel_loop3A_745 : vector<16xf32>
      %parallel_loop3A_748 = arith.index_cast %parallel_loop3A_715 : i32 to index
      %parallel_loop3A_749 = tpu.vector_load %arg17[%parallel_loop3A_748] {strides = array<i32>} : memref<1920xf32, #tpu.memory_space<vmem>>, vector<16xf32>,
      tpu.vector_store %arg17[%parallel_loop3A_748], %parallel_loop3A_747 {add = true, strides = array<i32>} : memref<1920xf32, #tpu.memory_space<vmem>>, vector<16xf32>,
      %parallel_loop3A_750 = arith.constant 16 : i32
      %parallel_loop3A_751 = arith.addi %parallel_loop3A_715, %parallel_loop3A_750 : i32
      %parallel_loop3A_752 = arith.mulf %parallel_loop3A_744, %parallel_loop3A_746 : vector<16xf32>
      %parallel_loop3A_753 = arith.index_cast %parallel_loop3A_751 : i32 to index
      %parallel_loop3A_754 = tpu.vector_load %arg17[%parallel_loop3A_753] {strides = array<i32>} : memref<1920xf32, #tpu.memory_space<vmem>>, vector<16xf32>,
      tpu.vector_store %arg17[%parallel_loop3A_753], %parallel_loop3A_752 {add = true, strides = array<i32>} : memref<1920xf32, #tpu.memory_space<vmem>>, vector<16xf32>,
      %parallel_loop3A_755 = vector.extract_strided_slice %parallel_loop3A_300 {offsets = [10], sizes = [1], strides = [1]} : vector<16xi32> to vector<1xi32>
      %parallel_loop3A_756 = vector.extract %parallel_loop3A_755[0] : i32 from vector<1xi32>
      %parallel_loop3A_757 = vector.extract_strided_slice %parallel_loop3A_291 {offsets = [10], sizes = [1], strides = [1]} : vector<16xf32> to vector<1xf32>
      %parallel_loop3A_758 = vector.extract %parallel_loop3A_757[0] : f32 from vector<1xf32>
      %parallel_loop3A_759 = vector.broadcast %parallel_loop3A_758 : f32 to vector<16xf32>
      %parallel_loop3A_760 = vector.extract_strided_slice %parallel_loop3A_251 {offsets = [10], sizes = [1], strides = [1]} : vector<16xf32> to vector<1xf32>
      %parallel_loop3A_761 = vector.extract %parallel_loop3A_760[0] : f32 from vector<1xf32>
      %parallel_loop3A_762 = vector.broadcast %parallel_loop3A_761 : f32 to vector<16xf32>
      %parallel_loop3A_763 = vector.extract_strided_slice %parallel_loop3A_309 {offsets = [10], sizes = [1], strides = [1]} : vector<16xf32> to vector<1xf32>
      %parallel_loop3A_764 = vector.extract %parallel_loop3A_763[0] : f32 from vector<1xf32>
      %parallel_loop3A_765 = vector.broadcast %parallel_loop3A_764 : f32 to vector<16xf32>
      %parallel_loop3A_766 = vector.extract_strided_slice %parallel_loop3A_318 {offsets = [10], sizes = [1], strides = [1]} : vector<16xf32> to vector<1xf32>
      %parallel_loop3A_767 = vector.extract %parallel_loop3A_766[0] : f32 from vector<1xf32>
      %parallel_loop3A_768 = vector.broadcast %parallel_loop3A_767 : f32 to vector<16xf32>
      %parallel_loop3A_769 = vector.extract_strided_slice %parallel_loop3A_327 {offsets = [10], sizes = [1], strides = [1]} : vector<16xf32> to vector<1xf32>
      %parallel_loop3A_770 = vector.extract %parallel_loop3A_769[0] : f32 from vector<1xf32>
      %parallel_loop3A_771 = vector.broadcast %parallel_loop3A_770 : f32 to vector<16xf32>
      %parallel_loop3A_772 = vector.extract_strided_slice %parallel_loop3A_336 {offsets = [10], sizes = [1], strides = [1]} : vector<16xf32> to vector<1xf32>
      %parallel_loop3A_773 = vector.extract %parallel_loop3A_772[0] : f32 from vector<1xf32>
      %parallel_loop3A_774 = vector.broadcast %parallel_loop3A_773 : f32 to vector<16xf32>
      %parallel_loop3A_775 = arith.mulf %parallel_loop3A_759, %parallel_loop3A_342 : vector<16xf32>
      %parallel_loop3A_776 = arith.constant 5.000000e-01 : f32
      %parallel_loop3A_777 = vector.broadcast %parallel_loop3A_776 : f32 to vector<16xf32>
      %parallel_loop3A_778 = arith.addf %parallel_loop3A_777, %parallel_loop3A_775 : vector<16xf32>
      %parallel_loop3A_779 = arith.mulf %parallel_loop3A_762, %parallel_loop3A_344 : vector<16xf32>
      %parallel_loop3A_780 = arith.addf %parallel_loop3A_778, %parallel_loop3A_779 : vector<16xf32>
      %parallel_loop3A_781 = arith.mulf %parallel_loop3A_780, %parallel_loop3A_780 : vector<16xf32>
      %parallel_loop3A_782 = arith.mulf %parallel_loop3A_781, %parallel_loop3A_781 : vector<16xf32>
      %parallel_loop3A_783 = arith.mulf %parallel_loop3A_782, %parallel_loop3A_782 : vector<16xf32>
      %parallel_loop3A_784 = arith.mulf %parallel_loop3A_783, %parallel_loop3A_783 : vector<16xf32>
      %parallel_loop3A_785 = arith.mulf %parallel_loop3A_784, %parallel_loop3A_784 : vector<16xf32>
      %parallel_loop3A_786 = arith.select %parallel_loop3A_340, %parallel_loop3A_765, %parallel_loop3A_768 : vector<16xi1>, vector<16xf32>
      %parallel_loop3A_787 = arith.select %parallel_loop3A_340, %parallel_loop3A_771, %parallel_loop3A_774 : vector<16xi1>, vector<16xf32>
      %parallel_loop3A_788 = arith.mulf %parallel_loop3A_785, %parallel_loop3A_786 : vector<16xf32>
      %parallel_loop3A_789 = arith.index_cast %parallel_loop3A_756 : i32 to index
      %parallel_loop3A_790 = tpu.vector_load %arg16[%parallel_loop3A_789] {strides = array<i32>} : memref<1920xf32, #tpu.memory_space<vmem>>, vector<16xf32>,
      tpu.vector_store %arg16[%parallel_loop3A_789], %parallel_loop3A_788 {add = true, strides = array<i32>} : memref<1920xf32, #tpu.memory_space<vmem>>, vector<16xf32>,
      %parallel_loop3A_791 = arith.constant 16 : i32
      %parallel_loop3A_792 = arith.addi %parallel_loop3A_756, %parallel_loop3A_791 : i32
      %parallel_loop3A_793 = arith.mulf %parallel_loop3A_785, %parallel_loop3A_787 : vector<16xf32>
      %parallel_loop3A_794 = arith.index_cast %parallel_loop3A_792 : i32 to index
      %parallel_loop3A_795 = tpu.vector_load %arg16[%parallel_loop3A_794] {strides = array<i32>} : memref<1920xf32, #tpu.memory_space<vmem>>, vector<16xf32>,
      tpu.vector_store %arg16[%parallel_loop3A_794], %parallel_loop3A_793 {add = true, strides = array<i32>} : memref<1920xf32, #tpu.memory_space<vmem>>, vector<16xf32>,
      %parallel_loop3A_796 = vector.extract_strided_slice %parallel_loop3A_300 {offsets = [11], sizes = [1], strides = [1]} : vector<16xi32> to vector<1xi32>
      %parallel_loop3A_797 = vector.extract %parallel_loop3A_796[0] : i32 from vector<1xi32>
      %parallel_loop3A_798 = vector.extract_strided_slice %parallel_loop3A_291 {offsets = [11], sizes = [1], strides = [1]} : vector<16xf32> to vector<1xf32>
      %parallel_loop3A_799 = vector.extract %parallel_loop3A_798[0] : f32 from vector<1xf32>
      %parallel_loop3A_800 = vector.broadcast %parallel_loop3A_799 : f32 to vector<16xf32>
      %parallel_loop3A_801 = vector.extract_strided_slice %parallel_loop3A_251 {offsets = [11], sizes = [1], strides = [1]} : vector<16xf32> to vector<1xf32>
      %parallel_loop3A_802 = vector.extract %parallel_loop3A_801[0] : f32 from vector<1xf32>
      %parallel_loop3A_803 = vector.broadcast %parallel_loop3A_802 : f32 to vector<16xf32>
      %parallel_loop3A_804 = vector.extract_strided_slice %parallel_loop3A_309 {offsets = [11], sizes = [1], strides = [1]} : vector<16xf32> to vector<1xf32>
      %parallel_loop3A_805 = vector.extract %parallel_loop3A_804[0] : f32 from vector<1xf32>
      %parallel_loop3A_806 = vector.broadcast %parallel_loop3A_805 : f32 to vector<16xf32>
      %parallel_loop3A_807 = vector.extract_strided_slice %parallel_loop3A_318 {offsets = [11], sizes = [1], strides = [1]} : vector<16xf32> to vector<1xf32>
      %parallel_loop3A_808 = vector.extract %parallel_loop3A_807[0] : f32 from vector<1xf32>
      %parallel_loop3A_809 = vector.broadcast %parallel_loop3A_808 : f32 to vector<16xf32>
      %parallel_loop3A_810 = vector.extract_strided_slice %parallel_loop3A_327 {offsets = [11], sizes = [1], strides = [1]} : vector<16xf32> to vector<1xf32>
      %parallel_loop3A_811 = vector.extract %parallel_loop3A_810[0] : f32 from vector<1xf32>
      %parallel_loop3A_812 = vector.broadcast %parallel_loop3A_811 : f32 to vector<16xf32>
      %parallel_loop3A_813 = vector.extract_strided_slice %parallel_loop3A_336 {offsets = [11], sizes = [1], strides = [1]} : vector<16xf32> to vector<1xf32>
      %parallel_loop3A_814 = vector.extract %parallel_loop3A_813[0] : f32 from vector<1xf32>
      %parallel_loop3A_815 = vector.broadcast %parallel_loop3A_814 : f32 to vector<16xf32>
      %parallel_loop3A_816 = arith.mulf %parallel_loop3A_800, %parallel_loop3A_342 : vector<16xf32>
      %parallel_loop3A_817 = arith.constant 5.000000e-01 : f32
      %parallel_loop3A_818 = vector.broadcast %parallel_loop3A_817 : f32 to vector<16xf32>
      %parallel_loop3A_819 = arith.addf %parallel_loop3A_818, %parallel_loop3A_816 : vector<16xf32>
      %parallel_loop3A_820 = arith.mulf %parallel_loop3A_803, %parallel_loop3A_344 : vector<16xf32>
      %parallel_loop3A_821 = arith.addf %parallel_loop3A_819, %parallel_loop3A_820 : vector<16xf32>
      %parallel_loop3A_822 = arith.mulf %parallel_loop3A_821, %parallel_loop3A_821 : vector<16xf32>
      %parallel_loop3A_823 = arith.mulf %parallel_loop3A_822, %parallel_loop3A_822 : vector<16xf32>
      %parallel_loop3A_824 = arith.mulf %parallel_loop3A_823, %parallel_loop3A_823 : vector<16xf32>
      %parallel_loop3A_825 = arith.mulf %parallel_loop3A_824, %parallel_loop3A_824 : vector<16xf32>
      %parallel_loop3A_826 = arith.mulf %parallel_loop3A_825, %parallel_loop3A_825 : vector<16xf32>
      %parallel_loop3A_827 = arith.select %parallel_loop3A_340, %parallel_loop3A_806, %parallel_loop3A_809 : vector<16xi1>, vector<16xf32>
      %parallel_loop3A_828 = arith.select %parallel_loop3A_340, %parallel_loop3A_812, %parallel_loop3A_815 : vector<16xi1>, vector<16xf32>
      %parallel_loop3A_829 = arith.mulf %parallel_loop3A_826, %parallel_loop3A_827 : vector<16xf32>
      %parallel_loop3A_830 = arith.index_cast %parallel_loop3A_797 : i32 to index
      %parallel_loop3A_831 = tpu.vector_load %arg17[%parallel_loop3A_830] {strides = array<i32>} : memref<1920xf32, #tpu.memory_space<vmem>>, vector<16xf32>,
      tpu.vector_store %arg17[%parallel_loop3A_830], %parallel_loop3A_829 {add = true, strides = array<i32>} : memref<1920xf32, #tpu.memory_space<vmem>>, vector<16xf32>,
      %parallel_loop3A_832 = arith.constant 16 : i32
      %parallel_loop3A_833 = arith.addi %parallel_loop3A_797, %parallel_loop3A_832 : i32
      %parallel_loop3A_834 = arith.mulf %parallel_loop3A_826, %parallel_loop3A_828 : vector<16xf32>
      %parallel_loop3A_835 = arith.index_cast %parallel_loop3A_833 : i32 to index
      %parallel_loop3A_836 = tpu.vector_load %arg17[%parallel_loop3A_835] {strides = array<i32>} : memref<1920xf32, #tpu.memory_space<vmem>>, vector<16xf32>,
      tpu.vector_store %arg17[%parallel_loop3A_835], %parallel_loop3A_834 {add = true, strides = array<i32>} : memref<1920xf32, #tpu.memory_space<vmem>>, vector<16xf32>,
      %parallel_loop3A_837 = vector.extract_strided_slice %parallel_loop3A_300 {offsets = [12], sizes = [1], strides = [1]} : vector<16xi32> to vector<1xi32>
      %parallel_loop3A_838 = vector.extract %parallel_loop3A_837[0] : i32 from vector<1xi32>
      %parallel_loop3A_839 = vector.extract_strided_slice %parallel_loop3A_291 {offsets = [12], sizes = [1], strides = [1]} : vector<16xf32> to vector<1xf32>
      %parallel_loop3A_840 = vector.extract %parallel_loop3A_839[0] : f32 from vector<1xf32>
      %parallel_loop3A_841 = vector.broadcast %parallel_loop3A_840 : f32 to vector<16xf32>
      %parallel_loop3A_842 = vector.extract_strided_slice %parallel_loop3A_251 {offsets = [12], sizes = [1], strides = [1]} : vector<16xf32> to vector<1xf32>
      %parallel_loop3A_843 = vector.extract %parallel_loop3A_842[0] : f32 from vector<1xf32>
      %parallel_loop3A_844 = vector.broadcast %parallel_loop3A_843 : f32 to vector<16xf32>
      %parallel_loop3A_845 = vector.extract_strided_slice %parallel_loop3A_309 {offsets = [12], sizes = [1], strides = [1]} : vector<16xf32> to vector<1xf32>
      %parallel_loop3A_846 = vector.extract %parallel_loop3A_845[0] : f32 from vector<1xf32>
      %parallel_loop3A_847 = vector.broadcast %parallel_loop3A_846 : f32 to vector<16xf32>
      %parallel_loop3A_848 = vector.extract_strided_slice %parallel_loop3A_318 {offsets = [12], sizes = [1], strides = [1]} : vector<16xf32> to vector<1xf32>
      %parallel_loop3A_849 = vector.extract %parallel_loop3A_848[0] : f32 from vector<1xf32>
      %parallel_loop3A_850 = vector.broadcast %parallel_loop3A_849 : f32 to vector<16xf32>
      %parallel_loop3A_851 = vector.extract_strided_slice %parallel_loop3A_327 {offsets = [12], sizes = [1], strides = [1]} : vector<16xf32> to vector<1xf32>
      %parallel_loop3A_852 = vector.extract %parallel_loop3A_851[0] : f32 from vector<1xf32>
      %parallel_loop3A_853 = vector.broadcast %parallel_loop3A_852 : f32 to vector<16xf32>
      %parallel_loop3A_854 = vector.extract_strided_slice %parallel_loop3A_336 {offsets = [12], sizes = [1], strides = [1]} : vector<16xf32> to vector<1xf32>
      %parallel_loop3A_855 = vector.extract %parallel_loop3A_854[0] : f32 from vector<1xf32>
      %parallel_loop3A_856 = vector.broadcast %parallel_loop3A_855 : f32 to vector<16xf32>
      %parallel_loop3A_857 = arith.mulf %parallel_loop3A_841, %parallel_loop3A_342 : vector<16xf32>
      %parallel_loop3A_858 = arith.constant 5.000000e-01 : f32
      %parallel_loop3A_859 = vector.broadcast %parallel_loop3A_858 : f32 to vector<16xf32>
      %parallel_loop3A_860 = arith.addf %parallel_loop3A_859, %parallel_loop3A_857 : vector<16xf32>
      %parallel_loop3A_861 = arith.mulf %parallel_loop3A_844, %parallel_loop3A_344 : vector<16xf32>
      %parallel_loop3A_862 = arith.addf %parallel_loop3A_860, %parallel_loop3A_861 : vector<16xf32>
      %parallel_loop3A_863 = arith.mulf %parallel_loop3A_862, %parallel_loop3A_862 : vector<16xf32>
      %parallel_loop3A_864 = arith.mulf %parallel_loop3A_863, %parallel_loop3A_863 : vector<16xf32>
      %parallel_loop3A_865 = arith.mulf %parallel_loop3A_864, %parallel_loop3A_864 : vector<16xf32>
      %parallel_loop3A_866 = arith.mulf %parallel_loop3A_865, %parallel_loop3A_865 : vector<16xf32>
      %parallel_loop3A_867 = arith.mulf %parallel_loop3A_866, %parallel_loop3A_866 : vector<16xf32>
      %parallel_loop3A_868 = arith.select %parallel_loop3A_340, %parallel_loop3A_847, %parallel_loop3A_850 : vector<16xi1>, vector<16xf32>
      %parallel_loop3A_869 = arith.select %parallel_loop3A_340, %parallel_loop3A_853, %parallel_loop3A_856 : vector<16xi1>, vector<16xf32>
      %parallel_loop3A_870 = arith.mulf %parallel_loop3A_867, %parallel_loop3A_868 : vector<16xf32>
      %parallel_loop3A_871 = arith.index_cast %parallel_loop3A_838 : i32 to index
      %parallel_loop3A_872 = tpu.vector_load %arg16[%parallel_loop3A_871] {strides = array<i32>} : memref<1920xf32, #tpu.memory_space<vmem>>, vector<16xf32>,
      tpu.vector_store %arg16[%parallel_loop3A_871], %parallel_loop3A_870 {add = true, strides = array<i32>} : memref<1920xf32, #tpu.memory_space<vmem>>, vector<16xf32>,
      %parallel_loop3A_873 = arith.constant 16 : i32
      %parallel_loop3A_874 = arith.addi %parallel_loop3A_838, %parallel_loop3A_873 : i32
      %parallel_loop3A_875 = arith.mulf %parallel_loop3A_867, %parallel_loop3A_869 : vector<16xf32>
      %parallel_loop3A_876 = arith.index_cast %parallel_loop3A_874 : i32 to index
      %parallel_loop3A_877 = tpu.vector_load %arg16[%parallel_loop3A_876] {strides = array<i32>} : memref<1920xf32, #tpu.memory_space<vmem>>, vector<16xf32>,
      tpu.vector_store %arg16[%parallel_loop3A_876], %parallel_loop3A_875 {add = true, strides = array<i32>} : memref<1920xf32, #tpu.memory_space<vmem>>, vector<16xf32>,
      %parallel_loop3A_878 = vector.extract_strided_slice %parallel_loop3A_300 {offsets = [13], sizes = [1], strides = [1]} : vector<16xi32> to vector<1xi32>
      %parallel_loop3A_879 = vector.extract %parallel_loop3A_878[0] : i32 from vector<1xi32>
      %parallel_loop3A_880 = vector.extract_strided_slice %parallel_loop3A_291 {offsets = [13], sizes = [1], strides = [1]} : vector<16xf32> to vector<1xf32>
      %parallel_loop3A_881 = vector.extract %parallel_loop3A_880[0] : f32 from vector<1xf32>
      %parallel_loop3A_882 = vector.broadcast %parallel_loop3A_881 : f32 to vector<16xf32>
      %parallel_loop3A_883 = vector.extract_strided_slice %parallel_loop3A_251 {offsets = [13], sizes = [1], strides = [1]} : vector<16xf32> to vector<1xf32>
      %parallel_loop3A_884 = vector.extract %parallel_loop3A_883[0] : f32 from vector<1xf32>
      %parallel_loop3A_885 = vector.broadcast %parallel_loop3A_884 : f32 to vector<16xf32>
      %parallel_loop3A_886 = vector.extract_strided_slice %parallel_loop3A_309 {offsets = [13], sizes = [1], strides = [1]} : vector<16xf32> to vector<1xf32>
      %parallel_loop3A_887 = vector.extract %parallel_loop3A_886[0] : f32 from vector<1xf32>
      %parallel_loop3A_888 = vector.broadcast %parallel_loop3A_887 : f32 to vector<16xf32>
      %parallel_loop3A_889 = vector.extract_strided_slice %parallel_loop3A_318 {offsets = [13], sizes = [1], strides = [1]} : vector<16xf32> to vector<1xf32>
      %parallel_loop3A_890 = vector.extract %parallel_loop3A_889[0] : f32 from vector<1xf32>
      %parallel_loop3A_891 = vector.broadcast %parallel_loop3A_890 : f32 to vector<16xf32>
      %parallel_loop3A_892 = vector.extract_strided_slice %parallel_loop3A_327 {offsets = [13], sizes = [1], strides = [1]} : vector<16xf32> to vector<1xf32>
      %parallel_loop3A_893 = vector.extract %parallel_loop3A_892[0] : f32 from vector<1xf32>
      %parallel_loop3A_894 = vector.broadcast %parallel_loop3A_893 : f32 to vector<16xf32>
      %parallel_loop3A_895 = vector.extract_strided_slice %parallel_loop3A_336 {offsets = [13], sizes = [1], strides = [1]} : vector<16xf32> to vector<1xf32>
      %parallel_loop3A_896 = vector.extract %parallel_loop3A_895[0] : f32 from vector<1xf32>
      %parallel_loop3A_897 = vector.broadcast %parallel_loop3A_896 : f32 to vector<16xf32>
      %parallel_loop3A_898 = arith.mulf %parallel_loop3A_882, %parallel_loop3A_342 : vector<16xf32>
      %parallel_loop3A_899 = arith.constant 5.000000e-01 : f32
      %parallel_loop3A_900 = vector.broadcast %parallel_loop3A_899 : f32 to vector<16xf32>
      %parallel_loop3A_901 = arith.addf %parallel_loop3A_900, %parallel_loop3A_898 : vector<16xf32>
      %parallel_loop3A_902 = arith.mulf %parallel_loop3A_885, %parallel_loop3A_344 : vector<16xf32>
      %parallel_loop3A_903 = arith.addf %parallel_loop3A_901, %parallel_loop3A_902 : vector<16xf32>
      %parallel_loop3A_904 = arith.mulf %parallel_loop3A_903, %parallel_loop3A_903 : vector<16xf32>
      %parallel_loop3A_905 = arith.mulf %parallel_loop3A_904, %parallel_loop3A_904 : vector<16xf32>
      %parallel_loop3A_906 = arith.mulf %parallel_loop3A_905, %parallel_loop3A_905 : vector<16xf32>
      %parallel_loop3A_907 = arith.mulf %parallel_loop3A_906, %parallel_loop3A_906 : vector<16xf32>
      %parallel_loop3A_908 = arith.mulf %parallel_loop3A_907, %parallel_loop3A_907 : vector<16xf32>
      %parallel_loop3A_909 = arith.select %parallel_loop3A_340, %parallel_loop3A_888, %parallel_loop3A_891 : vector<16xi1>, vector<16xf32>
      %parallel_loop3A_910 = arith.select %parallel_loop3A_340, %parallel_loop3A_894, %parallel_loop3A_897 : vector<16xi1>, vector<16xf32>
      %parallel_loop3A_911 = arith.mulf %parallel_loop3A_908, %parallel_loop3A_909 : vector<16xf32>
      %parallel_loop3A_912 = arith.index_cast %parallel_loop3A_879 : i32 to index
      %parallel_loop3A_913 = tpu.vector_load %arg17[%parallel_loop3A_912] {strides = array<i32>} : memref<1920xf32, #tpu.memory_space<vmem>>, vector<16xf32>,
      tpu.vector_store %arg17[%parallel_loop3A_912], %parallel_loop3A_911 {add = true, strides = array<i32>} : memref<1920xf32, #tpu.memory_space<vmem>>, vector<16xf32>,
      %parallel_loop3A_914 = arith.constant 16 : i32
      %parallel_loop3A_915 = arith.addi %parallel_loop3A_879, %parallel_loop3A_914 : i32
      %parallel_loop3A_916 = arith.mulf %parallel_loop3A_908, %parallel_loop3A_910 : vector<16xf32>
      %parallel_loop3A_917 = arith.index_cast %parallel_loop3A_915 : i32 to index
      %parallel_loop3A_918 = tpu.vector_load %arg17[%parallel_loop3A_917] {strides = array<i32>} : memref<1920xf32, #tpu.memory_space<vmem>>, vector<16xf32>,
      tpu.vector_store %arg17[%parallel_loop3A_917], %parallel_loop3A_916 {add = true, strides = array<i32>} : memref<1920xf32, #tpu.memory_space<vmem>>, vector<16xf32>,
      %parallel_loop3A_919 = vector.extract_strided_slice %parallel_loop3A_300 {offsets = [14], sizes = [1], strides = [1]} : vector<16xi32> to vector<1xi32>
      %parallel_loop3A_920 = vector.extract %parallel_loop3A_919[0] : i32 from vector<1xi32>
      %parallel_loop3A_921 = vector.extract_strided_slice %parallel_loop3A_291 {offsets = [14], sizes = [1], strides = [1]} : vector<16xf32> to vector<1xf32>
      %parallel_loop3A_922 = vector.extract %parallel_loop3A_921[0] : f32 from vector<1xf32>
      %parallel_loop3A_923 = vector.broadcast %parallel_loop3A_922 : f32 to vector<16xf32>
      %parallel_loop3A_924 = vector.extract_strided_slice %parallel_loop3A_251 {offsets = [14], sizes = [1], strides = [1]} : vector<16xf32> to vector<1xf32>
      %parallel_loop3A_925 = vector.extract %parallel_loop3A_924[0] : f32 from vector<1xf32>
      %parallel_loop3A_926 = vector.broadcast %parallel_loop3A_925 : f32 to vector<16xf32>
      %parallel_loop3A_927 = vector.extract_strided_slice %parallel_loop3A_309 {offsets = [14], sizes = [1], strides = [1]} : vector<16xf32> to vector<1xf32>
      %parallel_loop3A_928 = vector.extract %parallel_loop3A_927[0] : f32 from vector<1xf32>
      %parallel_loop3A_929 = vector.broadcast %parallel_loop3A_928 : f32 to vector<16xf32>
      %parallel_loop3A_930 = vector.extract_strided_slice %parallel_loop3A_318 {offsets = [14], sizes = [1], strides = [1]} : vector<16xf32> to vector<1xf32>
      %parallel_loop3A_931 = vector.extract %parallel_loop3A_930[0] : f32 from vector<1xf32>
      %parallel_loop3A_932 = vector.broadcast %parallel_loop3A_931 : f32 to vector<16xf32>
      %parallel_loop3A_933 = vector.extract_strided_slice %parallel_loop3A_327 {offsets = [14], sizes = [1], strides = [1]} : vector<16xf32> to vector<1xf32>
      %parallel_loop3A_934 = vector.extract %parallel_loop3A_933[0] : f32 from vector<1xf32>
      %parallel_loop3A_935 = vector.broadcast %parallel_loop3A_934 : f32 to vector<16xf32>
      %parallel_loop3A_936 = vector.extract_strided_slice %parallel_loop3A_336 {offsets = [14], sizes = [1], strides = [1]} : vector<16xf32> to vector<1xf32>
      %parallel_loop3A_937 = vector.extract %parallel_loop3A_936[0] : f32 from vector<1xf32>
      %parallel_loop3A_938 = vector.broadcast %parallel_loop3A_937 : f32 to vector<16xf32>
      %parallel_loop3A_939 = arith.mulf %parallel_loop3A_923, %parallel_loop3A_342 : vector<16xf32>
      %parallel_loop3A_940 = arith.constant 5.000000e-01 : f32
      %parallel_loop3A_941 = vector.broadcast %parallel_loop3A_940 : f32 to vector<16xf32>
      %parallel_loop3A_942 = arith.addf %parallel_loop3A_941, %parallel_loop3A_939 : vector<16xf32>
      %parallel_loop3A_943 = arith.mulf %parallel_loop3A_926, %parallel_loop3A_344 : vector<16xf32>
      %parallel_loop3A_944 = arith.addf %parallel_loop3A_942, %parallel_loop3A_943 : vector<16xf32>
      %parallel_loop3A_945 = arith.mulf %parallel_loop3A_944, %parallel_loop3A_944 : vector<16xf32>
      %parallel_loop3A_946 = arith.mulf %parallel_loop3A_945, %parallel_loop3A_945 : vector<16xf32>
      %parallel_loop3A_947 = arith.mulf %parallel_loop3A_946, %parallel_loop3A_946 : vector<16xf32>
      %parallel_loop3A_948 = arith.mulf %parallel_loop3A_947, %parallel_loop3A_947 : vector<16xf32>
      %parallel_loop3A_949 = arith.mulf %parallel_loop3A_948, %parallel_loop3A_948 : vector<16xf32>
      %parallel_loop3A_950 = arith.select %parallel_loop3A_340, %parallel_loop3A_929, %parallel_loop3A_932 : vector<16xi1>, vector<16xf32>
      %parallel_loop3A_951 = arith.select %parallel_loop3A_340, %parallel_loop3A_935, %parallel_loop3A_938 : vector<16xi1>, vector<16xf32>
      %parallel_loop3A_952 = arith.mulf %parallel_loop3A_949, %parallel_loop3A_950 : vector<16xf32>
      %parallel_loop3A_953 = arith.index_cast %parallel_loop3A_920 : i32 to index
      %parallel_loop3A_954 = tpu.vector_load %arg16[%parallel_loop3A_953] {strides = array<i32>} : memref<1920xf32, #tpu.memory_space<vmem>>, vector<16xf32>,
      tpu.vector_store %arg16[%parallel_loop3A_953], %parallel_loop3A_952 {add = true, strides = array<i32>} : memref<1920xf32, #tpu.memory_space<vmem>>, vector<16xf32>,
      %parallel_loop3A_955 = arith.constant 16 : i32
      %parallel_loop3A_956 = arith.addi %parallel_loop3A_920, %parallel_loop3A_955 : i32
      %parallel_loop3A_957 = arith.mulf %parallel_loop3A_949, %parallel_loop3A_951 : vector<16xf32>
      %parallel_loop3A_958 = arith.index_cast %parallel_loop3A_956 : i32 to index
      %parallel_loop3A_959 = tpu.vector_load %arg16[%parallel_loop3A_958] {strides = array<i32>} : memref<1920xf32, #tpu.memory_space<vmem>>, vector<16xf32>,
      tpu.vector_store %arg16[%parallel_loop3A_958], %parallel_loop3A_957 {add = true, strides = array<i32>} : memref<1920xf32, #tpu.memory_space<vmem>>, vector<16xf32>,
      %parallel_loop3A_960 = vector.extract_strided_slice %parallel_loop3A_300 {offsets = [15], sizes = [1], strides = [1]} : vector<16xi32> to vector<1xi32>
      %parallel_loop3A_961 = vector.extract %parallel_loop3A_960[0] : i32 from vector<1xi32>
      %parallel_loop3A_962 = vector.extract_strided_slice %parallel_loop3A_291 {offsets = [15], sizes = [1], strides = [1]} : vector<16xf32> to vector<1xf32>
      %parallel_loop3A_963 = vector.extract %parallel_loop3A_962[0] : f32 from vector<1xf32>
      %parallel_loop3A_964 = vector.broadcast %parallel_loop3A_963 : f32 to vector<16xf32>
      %parallel_loop3A_965 = vector.extract_strided_slice %parallel_loop3A_251 {offsets = [15], sizes = [1], strides = [1]} : vector<16xf32> to vector<1xf32>
      %parallel_loop3A_966 = vector.extract %parallel_loop3A_965[0] : f32 from vector<1xf32>
      %parallel_loop3A_967 = vector.broadcast %parallel_loop3A_966 : f32 to vector<16xf32>
      %parallel_loop3A_968 = vector.extract_strided_slice %parallel_loop3A_309 {offsets = [15], sizes = [1], strides = [1]} : vector<16xf32> to vector<1xf32>
      %parallel_loop3A_969 = vector.extract %parallel_loop3A_968[0] : f32 from vector<1xf32>
      %parallel_loop3A_970 = vector.broadcast %parallel_loop3A_969 : f32 to vector<16xf32>
      %parallel_loop3A_971 = vector.extract_strided_slice %parallel_loop3A_318 {offsets = [15], sizes = [1], strides = [1]} : vector<16xf32> to vector<1xf32>
      %parallel_loop3A_972 = vector.extract %parallel_loop3A_971[0] : f32 from vector<1xf32>
      %parallel_loop3A_973 = vector.broadcast %parallel_loop3A_972 : f32 to vector<16xf32>
      %parallel_loop3A_974 = vector.extract_strided_slice %parallel_loop3A_327 {offsets = [15], sizes = [1], strides = [1]} : vector<16xf32> to vector<1xf32>
      %parallel_loop3A_975 = vector.extract %parallel_loop3A_974[0] : f32 from vector<1xf32>
      %parallel_loop3A_976 = vector.broadcast %parallel_loop3A_975 : f32 to vector<16xf32>
      %parallel_loop3A_977 = vector.extract_strided_slice %parallel_loop3A_336 {offsets = [15], sizes = [1], strides = [1]} : vector<16xf32> to vector<1xf32>
      %parallel_loop3A_978 = vector.extract %parallel_loop3A_977[0] : f32 from vector<1xf32>
      %parallel_loop3A_979 = vector.broadcast %parallel_loop3A_978 : f32 to vector<16xf32>
      %parallel_loop3A_980 = arith.mulf %parallel_loop3A_964, %parallel_loop3A_342 : vector<16xf32>
      %parallel_loop3A_981 = arith.constant 5.000000e-01 : f32
      %parallel_loop3A_982 = vector.broadcast %parallel_loop3A_981 : f32 to vector<16xf32>
      %parallel_loop3A_983 = arith.addf %parallel_loop3A_982, %parallel_loop3A_980 : vector<16xf32>
      %parallel_loop3A_984 = arith.mulf %parallel_loop3A_967, %parallel_loop3A_344 : vector<16xf32>
      %parallel_loop3A_985 = arith.addf %parallel_loop3A_983, %parallel_loop3A_984 : vector<16xf32>
      %parallel_loop3A_986 = arith.mulf %parallel_loop3A_985, %parallel_loop3A_985 : vector<16xf32>
      %parallel_loop3A_987 = arith.mulf %parallel_loop3A_986, %parallel_loop3A_986 : vector<16xf32>
      %parallel_loop3A_988 = arith.mulf %parallel_loop3A_987, %parallel_loop3A_987 : vector<16xf32>
      %parallel_loop3A_989 = arith.mulf %parallel_loop3A_988, %parallel_loop3A_988 : vector<16xf32>
      %parallel_loop3A_990 = arith.mulf %parallel_loop3A_989, %parallel_loop3A_989 : vector<16xf32>
      %parallel_loop3A_991 = arith.select %parallel_loop3A_340, %parallel_loop3A_970, %parallel_loop3A_973 : vector<16xi1>, vector<16xf32>
      %parallel_loop3A_992 = arith.select %parallel_loop3A_340, %parallel_loop3A_976, %parallel_loop3A_979 : vector<16xi1>, vector<16xf32>
      %parallel_loop3A_993 = arith.mulf %parallel_loop3A_990, %parallel_loop3A_991 : vector<16xf32>
      %parallel_loop3A_994 = arith.index_cast %parallel_loop3A_961 : i32 to index
      %parallel_loop3A_995 = tpu.vector_load %arg17[%parallel_loop3A_994] {strides = array<i32>} : memref<1920xf32, #tpu.memory_space<vmem>>, vector<16xf32>,
      tpu.vector_store %arg17[%parallel_loop3A_994], %parallel_loop3A_993 {add = true, strides = array<i32>} : memref<1920xf32, #tpu.memory_space<vmem>>, vector<16xf32>,
      %parallel_loop3A_996 = arith.constant 16 : i32
      %parallel_loop3A_997 = arith.addi %parallel_loop3A_961, %parallel_loop3A_996 : i32
      %parallel_loop3A_998 = arith.mulf %parallel_loop3A_990, %parallel_loop3A_992 : vector<16xf32>
      %parallel_loop3A_999 = arith.index_cast %parallel_loop3A_997 : i32 to index
      %parallel_loop3A_1000 = tpu.vector_load %arg17[%parallel_loop3A_999] {strides = array<i32>} : memref<1920xf32, #tpu.memory_space<vmem>>, vector<16xf32>,
      tpu.vector_store %arg17[%parallel_loop3A_999], %parallel_loop3A_998 {add = true, strides = array<i32>} : memref<1920xf32, #tpu.memory_space<vmem>>, vector<16xf32>,
    } {sc.loop_unroll_factor = 1 : i64, sc.parallel_access}
    %parallel_loop3A_83 = arith.constant 0 : i32
    %parallel_loop3A_84 = arith.constant 120 : i32
    %parallel_loop3A_85 = arith.constant 1 : i32
    scf.for %parallel_loop3A_88 = %parallel_loop3A_83 to %parallel_loop3A_84 step %parallel_loop3A_85  : i32 {
      %parallel_loop3A_89 = arith.constant 16 : i32
      %parallel_loop3A_90 = arith.muli %parallel_loop3A_88, %parallel_loop3A_89 : i32
      %parallel_loop3A_91 = arith.index_cast %parallel_loop3A_90 : i32 to index
      %parallel_loop3A_92 = tpu.vector_load %arg16[%parallel_loop3A_91] {strides = array<i32>} : memref<1920xf32, #tpu.memory_space<vmem>>, vector<16xf32>,
      %parallel_loop3A_93 = arith.index_cast %parallel_loop3A_90 : i32 to index
      %parallel_loop3A_94 = tpu.vector_load %arg17[%parallel_loop3A_93] {strides = array<i32>} : memref<1920xf32, #tpu.memory_space<vmem>>, vector<16xf32>,
      %parallel_loop3A_95 = arith.addf %parallel_loop3A_92, %parallel_loop3A_94 : vector<16xf32>
      %parallel_loop3A_96 = arith.index_cast %parallel_loop3A_90 : i32 to index
      %parallel_loop3A_97 = tpu.vector_load %arg16[%parallel_loop3A_96] {strides = array<i32>} : memref<1920xf32, #tpu.memory_space<vmem>>, vector<16xf32>,
      tpu.vector_store %arg16[%parallel_loop3A_96], %parallel_loop3A_95 {strides = array<i32>} : memref<1920xf32, #tpu.memory_space<vmem>>, vector<16xf32>,
    } {sc.loop_unroll_factor = 8 : i64, sc.parallel_access}
    %mul3A_86 = arith.constant 1920 : i32
    %mul3A_87 = arith.muli %add3A, %mul3A_86 : i32
    "tpu.region"() ({
      %run_scoped3A = tpu.sem_alloc : memref<!tpu.dma_semaphore, #tpu.memory_space<semaphore_mem>>
      %dma_start3A_88 = tpu.memref_slice %arg7[%mul3A_87] : memref<61440xf32, #tpu.memory_space<hbm>> -> memref<1920xf32, #tpu.memory_space<hbm>>
      %dma_start3A_89 = tpu.memref_slice %arg7[%mul3A_87] : memref<61440xf32, #tpu.memory_space<hbm>> -> memref<1920xf32, #tpu.memory_space<hbm>>
      tpu.enqueue_dma source(%arg16 : memref<1920xf32, #tpu.memory_space<vmem>>) target(%dma_start3A_89 : memref<1920xf32, #tpu.memory_space<hbm>>) target_semaphore(%run_scoped3A : memref<!tpu.dma_semaphore, #tpu.memory_space<semaphore_mem>>)
      %dma_wait3A_90 = tpu.memref_slice %arg7[%mul3A_87] : memref<61440xf32, #tpu.memory_space<hbm>> -> memref<1920xf32, #tpu.memory_space<hbm>>
      %dma_wait3A_91 = tpu.memref_slice %arg7[%mul3A_87] : memref<61440xf32, #tpu.memory_space<hbm>> -> memref<1920xf32, #tpu.memory_space<hbm>>
      tpu.wait_dma2 semaphore(%run_scoped3A : memref<!tpu.dma_semaphore, #tpu.memory_space<semaphore_mem>>) src(%arg16 : memref<1920xf32, #tpu.memory_space<vmem>>) dst(%dma_wait3A_91 : memref<1920xf32, #tpu.memory_space<hbm>>)
      tpu.yield
    }) : () -> ()
    return
  }
}

</mosaic_0001>

<sc_bundles>
// kernel: kernel.3.cloned.1.call-start
scs
__scs_entry_jumppad:
0x0: {  	(pc) =	sbr.rel $0x88, $3  }
0x1: {  	(tag) =	ssettag $0x0;
	lr =	simm.s32 $0x1  }
0x2: {  	[smem:$0x3F9F] =	sst lr;
	_ =	strace $0xD0000000  }
0x3: {  	_ = 	snop  }
0x4: {  	_ = 	snop  }
0x5: {  	_ = 	snop  }
0x6: {  	_ = 	snop  }
0x7: {  	_ = 	snop  }
__scs_overlays_trampoline_lowered:
0x8: {  	[smem:$0x3FAE] =	sst s0  }
0x9: {  	[smem:$0x3FAF] =	sst s1  }
0xa: {  	[smem:$0x3FB0] =	sst s2  }
0xb: {  	[smem:$0x3FB1] =	sst s3  }
0xc: {  	[smem:$0x3FB2] =	sst s4  }
0xd: {  	[smem:$0x3FB3] =	sst s5  }
0xe: {  	[smem:$0x3FB4] =	sst s6  }
0xf: {  	[smem:$0x3FB5] =	sst s7  }
0x10: {  	[smem:$0x3FB6] =	sst s8  }
0x11: {  	[smem:$0x3FB7] =	sst s9;
	s0 =	simm.s32 @!p0 $0x0  }
0x12: {  	s1 =	sld [smem:$0x3F9D];
	s0 =	simm.s32 @p0 $0x1  }
0x13: {  	[smem:$0x3FB8] =	sst s0;
	s0 =	simm.s32 @!p1 $0x0  }
0x14: {  	s2 =	sld [smem:$0x3F9C];
	s0 =	simm.s32 @p1 $0x1  }
0x15: {  	[smem:$0x3FB9] =	sst s0;
	s0 =	simm.s32 @!p2 $0x0  }
0x16: {  	s3 =	sld [smem:$0x3FDB];
	s0 =	simm.s32 @p2 $0x1  }
0x17: {  	s4 =	simm.s32 $0x1BF5;
	[smem:$0x3FBB] =	sst s0  }
0x18: {  	s0 =	sld [smem:$0x3F9E];
	_ =	swait.ge [sflag:s4], $0x0  }
0x19: {  	s7 =	sld [smem:$0x3F9F]  }
0x1a: {  	s8 =	sadd.s32 $0xFFFFE003, lr  }
0x1b: {  	s9 =	sadd.s32 $0xFFFFFEF7, lr;
	s5 =	simm.s32 $0xFFFFFFFF;
	p2 =	slt.u32 s8, $0xFFFFF086  }
0x1c: {  	p1 =	slt.u32 s9, $0xF7A;
	s5 =	simm.s32 @!p2 $0x0  }
0x1d: {  	s5 =	simm.s32 @p1 $0x1;
	p0 =	seq.s32 s7, s2  }
0x1e: {  	s7 =	smul.u32 @!p0 $0xF7A, s2;
	p2 =	seq.s32 @!p0 s5, $0x0  }
0x1f: {  	s9 =	smul.u32 $0xF7A, s1;
	s8 =	simm.s32 @!p0 $0x1BF5;
	p2 =	por !p2, p0  }
0x20: {  	[sflag:s8] =	ssyncset.s32 @!p0 $0xFFFFF086;
	s6 =	sadd.s32 @!p0 s3, s7;
	s7 =	simm.s32 @!p0 $0x108  }
0x21: {  	s3 =	sadd.s32 s3, s9;
	s6 =	sadd.s32 @!p0 $0x88, s6;
	s7 =	simm.s32 @p2 $0x1082  }
0x22: {  	[simem:s7], [sflag:s8] =	dma.local @!p0 [hbm:s6], $0xF7A  }
0x23: {  	s9 =	sor.u32 $0xD0000000, s2;
	s6 =	simm.s32 $0x108;
	_ =	swait.ge @!p0 [sflag:s8], $0x0  }
0x24: {  	s3 =	sadd.s32 $0x88, s3;
	s6 =	simm.s32 @!p1 $0x1082;
	[sflag:s4] =	ssyncset.s32 $0xFFFFF086  }
0x25: {  	[simem:s6], [sflag:s4] =	dma.local [hbm:s3], $0xF7A  }
0x26: {  	[smem:$0x3F9F] =	sst s1;
	(tag) =	ssettag s2;
	_ =	strace s9  }
0x27: {  	s1 =	sld [smem:$0x3FAF]  }
0x28: {  	s2 =	sld [smem:$0x3FB0]  }
0x29: {  	s4 =	sld [smem:$0x3FB2]  }
0x2a: {  	p0 =	seq.s32 s5, $0x0;
	s5 =	sld [smem:$0x3FB3]  }
0x2b: {  	s6 =	sld [smem:$0x3FB4]  }
0x2c: {  	s7 =	sld [smem:$0x3FB5]  }
0x2d: {  	s3 =	simm.s32 $0x108;
	s8 =	sld [smem:$0x3FB6]  }
0x2e: {  	s3 =	simm.s32 @!p0 $0x1082;
	s9 =	sld [smem:$0x3FB7]  }
0x2f: {  	lr =	sadd.s32 s0, s3;
	s0 =	sld [smem:$0x3FAE]  }
0x30: {  	s3 =	sld [smem:$0x3FB1]  }
0x31: {  	[smem:$0x3FBA] =	sst s10  }
0x32: {  	s10 =	sld [smem:$0x3FB8];
	_ =	sdelay $0x3  }
0x33: {  	p0 =	seq.s32 s10, $0x1;
	s10 =	sld [smem:$0x3FBA];
	_ =	sdelay $0x3  }
0x34: {  	[smem:$0x3FBA] =	sst s10  }
0x35: {  	s10 =	sld [smem:$0x3FB9];
	_ =	sdelay $0x3  }
0x36: {  	p1 =	seq.s32 s10, $0x1;
	s10 =	sld [smem:$0x3FBA];
	_ =	sdelay $0x3  }
0x37: {  	[smem:$0x3FBA] =	sst s10  }
0x38: {  	s10 =	sld [smem:$0x3FBB]  }
0x39: {  	_ = 	snop;
	(pc) =	sbr.ind lr, $3  }
0x3a: {  	_ = 	snop  }
0x3b: {  	_ = 	snop  }
0x3c: {  	p2 =	seq.s32 s10, $0x1;
	s10 =	sld [smem:$0x3FBA]  }
0x3d: {  	_ =	shalt  }
0x3e: {  	_ =	shalt  }
0x3f: {  	_ =	shalt  }
0x40: {  	_ =	shalt  }
0x41: {  	_ =	shalt  }
0x42: {  	_ =	shalt  }
0x43: {  	_ =	shalt  }
0x44: {  	_ =	shalt  }
0x45: {  	_ =	shalt  }
0x46: {  	_ =	shalt  }
0x47: {  	_ =	shalt  }
0x48: {  	_ =	shalt  }
0x49: {  	_ =	shalt  }
0x4a: {  	_ =	shalt  }
0x4b: {  	_ =	shalt  }
0x4c: {  	_ =	shalt  }
0x4d: {  	_ =	shalt  }
0x4e: {  	_ =	shalt  }
0x4f: {  	_ =	shalt  }
0x50: {  	_ =	shalt  }
0x51: {  	_ =	shalt  }
0x52: {  	_ =	shalt  }
0x53: {  	_ =	shalt  }
0x54: {  	_ =	shalt  }
0x55: {  	_ =	shalt  }
0x56: {  	_ =	shalt  }
0x57: {  	_ =	shalt  }
0x58: {  	_ =	shalt  }
0x59: {  	_ =	shalt  }
0x5a: {  	_ =	shalt  }
0x5b: {  	_ =	shalt  }
0x5c: {  	_ =	shalt  }
0x5d: {  	_ =	shalt  }
0x5e: {  	_ =	shalt  }
0x5f: {  	_ =	shalt  }
0x60: {  	_ =	shalt  }
0x61: {  	_ =	shalt  }
0x62: {  	_ =	shalt  }
0x63: {  	_ =	shalt  }
0x64: {  	_ =	shalt  }
0x65: {  	_ =	shalt  }
0x66: {  	_ =	shalt  }
0x67: {  	_ =	shalt  }
0x68: {  	_ =	shalt  }
0x69: {  	_ =	shalt  }
0x6a: {  	_ =	shalt  }
0x6b: {  	_ =	shalt  }
0x6c: {  	_ =	shalt  }
0x6d: {  	_ =	shalt  }
0x6e: {  	_ =	shalt  }
0x6f: {  	_ =	shalt  }
0x70: {  	_ =	shalt  }
0x71: {  	_ =	shalt  }
0x72: {  	_ =	shalt  }
0x73: {  	_ =	shalt  }
0x74: {  	_ =	shalt  }
0x75: {  	_ =	shalt  }
0x76: {  	_ =	shalt  }
0x77: {  	_ =	shalt  }
0x78: {  	_ =	shalt  }
0x79: {  	_ =	shalt  }
0x7a: {  	_ =	shalt  }
0x7b: {  	_ =	shalt  }
0x7c: {  	_ =	shalt  }
0x7d: {  	_ =	shalt  }
0x7e: {  	_ =	shalt  }
0x7f: {  	_ =	shalt  }
0x80: {  	_ =	shalt  }
0x81: {  	_ =	shalt  }
0x82: {  	_ =	shalt  }
0x83: {  	_ =	shalt  }
0x84: {  	_ =	shalt  }
0x85: {  	_ =	shalt  }
0x86: {  	_ =	shalt  }
0x87: {  	_ =	shalt  }
.Lfunc_end0:
.L_simem_size_0:
called_computation_lowered:
.L_overlay_start_0:
0x88: {  	s2 =	sld [smem:$0x3FD9]  }
0x89: {  	s3 =	sld [smem:$0x3FFE];
	_ =	sdelay $0x1  }
0x8a: {  	s1 =	srdreg.scid  }
0x8b: {  	s0 =	sand.u32 $0x1, s1  }
0x8c: {  	s17 =	sshll.u32 s0, $0xA;
	s2 =	sadd.s32 s3, s2  }
0x8d: {  	s2 =	sadd.s32 s2, s17  }
0x8e: {  	[smem:$0x3FC6] =	sst s2  }
0x8f: {  	_ = 	snop  }
0x90: {  	s2 =	sld [smem:$0x3FD0];
	(tm) =	ssettm $0x1  }
0x91: {  	s18 =	sld [smem:$0x3FFB];
	_ =	sdelay $0x3  }
0x92: {  	_ =	strace s18  }
0x93: {  	s3 =	sld [smem:$0x3FFC];
	_ =	sdelay $0x3  }
0x94: {  	_ =	strace s3  }
0x95: {  	s3 =	sld [smem:$0x3FFD];
	_ =	sdelay $0x3  }
0x96: {  	_ =	strace s3  }
0x97: {  	_ =	strace $0x8FFFFFFF  }
0x98: {  	s19 =	sld [smem:$0x3FDB];
	_ =	sdelay $0x1  }
0x99: {  	s4 =	simm.s32 $_scs_section_size  }
0x9a: {  	s5 =	simm.s32 $_size__tile_overlayer_lowered;
	s6 =	simm.s32 $_tile_overlayer_lowered  }
0x9b: {  	s22 =	simm.s32 $0x1BFF;
	s21 =	sshll.u32 s6, $0x1;
	s3 =	sadd.s32 s4, s19  }
0x9c: {  	s7 =	simm.s32 $0x0;
	s20 =	sshll.u32 s5, $0x1;
	s5 =	sadd.s32 s21, s3  }
0x9d: {  	[timem:s7], [sflag:s22] =	dma.local [hbm:s5], s20  }
0x9e: {  	_ =	swait.ge [sflag:s22], s20  }
0x9f: {  	s4 =	ssub.s32 $0x0, s20;
	[sflag:s22] =	ssyncset.done $0x0  }
0xa0: {  	[sflag:s22] =	ssyncadd.s32 s4;
	_ =	sdelay $0x1  }
0xa1: {  	s23 =	simm.s32 $0x1B8B  }
0xa2: {  	_ =	swait.ge [sflag:s23], $0x1  }
0xa3: {  	[sflag:s23] =	ssyncset.done $0x0  }
0xa4: {  	s25 =	simm.s32 $0x1B8E;
	s24 =	sld [smem:$0x3FFE];
	[sflag:s23] =	ssyncadd.s32 $0xFFFFFFFF  }
0xa5: {  	s26 =	simm.s32 $execute0_lowered;
	[smem:$0x3FD2] =	sst s25  }
0xa6: {  	s5 =	sshll.u32 s26, $0x1;
	_ =	strace $0x80000046;
	[dreg:$0x1] =	wrdreg $0xFFFFFFFF  }
0xa7: {  	s28 =	simm.s32 $_size_execute0_lowered;
	s3 =	sadd.s32 s3, s5;
	[dreg:$0x0] =	wrdreg $0x0  }
0xa8: {  	s5 =	sshll.u32 s28, $0x1;
	[dreg:$0x2] =	wrdreg s3  }
0xa9: {  	[dreg:$0x3] =	wrdreg s5  }
0xaa: {  	[dreg:$0x4] =	wrdreg $0xC0  }
0xab: {  	_ =	task [dreg:s7], $0x5FFFF  }
0xac: {  	[dreg:$0x1] =	wrdreg $0xFFFFFFFF  }
0xad: {  	[dreg:$0x0] =	wrdreg $0x60  }
0xae: {  	[dreg:$0x2] =	wrdreg s2  }
0xaf: {  	[dreg:$0x3] =	wrdreg s24  }
0xb0: {  	[dreg:$0x4] =	wrdreg $0x9  }
0xb1: {  	_ =	task.clear_ibuf [dreg:s7], $0x5FFFF;
	_ =	strace $0x90000046  }
0xb2: {  	s29 =	simm.s32 $0x9;
	_ =	strace $0x80000048  }
0xb3: {  	_ =	swait.ge [sflag:s29], $0x1  }
0xb4: {  	[sflag:s29] =	ssyncadd.s32 $0xFFFFFFFF  }
0xb5: {  	_ =	strace $0x90000048  }
0xb6: {  	_ =	sfence  }
0xb7: {  	s30 =	sld [smem:$0x0];
	_ =	sdelay $0x2  }
0xb8: {  	s31 =	sshll.u32 s1, $0xD;
	s1 =	sshrl.u32 s1, $0x2  }
0xb9: {  	s3 =	sand.u32 $0x4000, s31;
	s1 =	sadd.s32 s1, s30  }
0xba: {  	s0 =	sor.u32 s3, s0;
	s1 =	sshll.u32 s1, $0x11  }
0xbb: {  	s0 =	sor.u32 s1, s0  }
0xbc: {  	s0 =	sadd.s32 $0x8F2B, s0  }
0xbd: {  	[sflag:s0] =	ssyncadd.remote.s32 $0x1  }
0xbe: {  	_ =	sfence.sel $0xFFFF  }
0xbf: {  	[dreg:$0x0] =	wrdreg $0xFFFFFFFF;
	(pc) =	sbr.abs _section_cstart, $3  }
0xc0: {  	[dreg:$0x1] =	wrdreg $0xFFFFFFFF  }
0xc1: {  	_ =	task.clear_ibuf [dreg:s7], $0x2FFFF;
	_ =	strace $0x9FFFFFFF  }
0xc2: {  	(tm) =	ssettm $0x7FFFFFFF  }
0xc3: {  	_ =	shalt  }
tec
execute0_lowered:
.L_overlay_start_1:
0x0: {  	(tag) =	ssettag $0x1  }
0x1: {  	s0 =	rddreg [dreg:$0x0]  }
0x2: {  	s1 =	rddreg [dreg:$0x1];
	s2 =	simm.s32 $0x0;
	s3 =	srdreg.scid  }
0x3: {  	s10 =	stileid.u32;
	s16 =	simm.s32 $0x1;
	s17 =	simm.s32 $0xA80  }
0x4: {  	s18 =	simm.s32 $0x4900;
	s19 =	simm.s32 $0x2;
	s20 =	simm.s32 $0x0  }
0x5: {  	[smem:$0x7FF] =	sst s2;
	s29 =	sshll.u32 s10, $0x1;
	s10 =	sshrl.u32 s10, $0x2  }
0x6: {  	v14 =	vlaneseq.u32;
	s7 =	sand.u32 $0x1, s3;
	s3 =	sadd.s32 $0xA00, s1;
	s11 =	smul.u32 $0x120, s10  }
0x7: {  	v15 =	vor.u32 $0x10, v14;
	s8 =	sor.u32 s7, s29;
	s30 =	ssub.s32 $0x2, s7;
	s7 =	smul.u32 $0x30, s10  }
0x8: {  	v16 =	vor.u32 $0x20, v14;
	_ =	strace $0x80000047;
	[tilespmem:$0x1FFB0] =	vst v15;
	s9 =	smul.u32 $0xF0, s8;
	s8 =	sand.u32 $0x7, s8  }
0x9: {  	s4 =	sadd.s32 $0x1000, s1;
	[tilespmem:$0x1FFC0] =	vst v16;
	s8 =	smul.u32 $0x6, s8;
	s31 =	sadd.s32 $0x980, s7;
	v28 =	vmov s7  }
0xa: {  	s5 =	sadd.s32 $0xE00, s1;
	s6 =	sadd.s32 $0xC00, s1;
	s12 =	sshrl.u32 s30, $0x1;
	v17 =	vmov s31;
	[tilespmem:$0x1FFF0] =	vst v28  }
0xb: {  	s12 =	ssub.s32 s30, s12;
	s1 =	sadd.s32 s9, s1;
	s9 =	sadd.s32 s0, s11;
	v13 =	vmov s8;
	[tilespmem:$0x1FFD0] =	vst v17  }
0xc: {  	v3 =	vimm.f32 $0.0e+00;
	v12 =	vimm.s32 $0x0;
	vm0 =	vmmov $0xff;
	s11 =	smax.u32 s12, $0x1;
	s12 =	simm.s32 $0x980;
	s10 =	sadd.s32 $0x1200, s1;
	[tilespmem:$0x1FFE0] =	vst v13  }
.LBB2_1:
0xd: {  	[tilespmem:s2], [sflag:$0x1] =	stream.linear.gather [hbm4b:s9+s2], $0x900, $0x38;
	[tilespmem:$0x5800] =	vst v63  }
0xe: {  	_ = 	snop  }
0xf: {  	[tilespmem:s12], [sflag:$0x1] =	stream.linear.gather [hbm4b:s3+s2], $0xC0, $0x38;
	[tilespmem:$0x5800] =	vst v63  }
0x10: {  	s0 =	simm.s32 $0xC80  }
0x11: {  	[tilespmem:s0], [sflag:$0x1] =	stream.linear.gather [hbm4b:s4+s2], $0x480, $0x38;
	[tilespmem:$0x5800] =	vst v63  }
0x12: {  	s30 =	simm.s32 $0x1100  }
0x13: {  	[tilespmem:s30], [sflag:$0x1] =	stream.linear.gather [hbm4b:s5+s2], $0x480, $0x38;
	[tilespmem:$0x5800] =	vst v63  }
0x14: {  	s31 =	simm.s32 $0x4880;
	s0 =	simm.s32 $0x4940  }
0x15: {  	[tilespmem:s31], [sflag:$0x1] =	stream.linear.gather [hbm4b:s6+s2], $0x80, $0x38;
	[tilespmem:$0x5800] =	vst v63  }
0x16: {  	[tilespmem:s0+$0x30] =	vst v3  }
0x17: {  	[tilespmem:s0+$0xFFFFFFF0] =	vst v3  }
0x18: {  	[tilespmem:s0+$0xFFFFFFC0] =	vst v3  }
0x19: {  	[tilespmem:s0+$0xFFFFFFE0] =	vst v3  }
0x1a: {  	[tilespmem:s0+$0x10] =	vst v3  }
0x1b: {  	[tilespmem:s0+$0x20] =	vst v3  }
0x1c: {  	[tilespmem:s0+$0x0] =	vst v3  }
0x1d: {  	s1 =	simm.s32 $0x50C0;
	[tilespmem:s0+$0xFFFFFFD0] =	vst v3  }
0x1e: {  	[tilespmem:s1+$0xFFFFFFC0] =	vst v3  }
0x1f: {  	[tilespmem:s1+$0x30] =	vst v3  }
0x20: {  	[tilespmem:s1+$0x20] =	vst v3  }
0x21: {  	[tilespmem:s1+$0x10] =	vst v3  }
0x22: {  	[tilespmem:s1+$0xFFFFFFE0] =	vst v3  }
0x23: {  	[tilespmem:s1+$0x0] =	vst v3  }
0x24: {  	s13 =	simm.s32 $0x0;
	[tilespmem:s1+$0xFFFFFFF0] =	vst v3  }
.LBB2_2:
0x25: {  	s13 =	sadd.s32 $0x8, s13;
	[tilespmem:s1+$0xFFFFFFD0] =	vst v3;
	s0 =	sadd.s32 $0x80, s0;
	s1 =	sadd.s32 $0x80, s1  }
0x26: {  	[tilespmem:s0+$0x30] =	vst v3;
	p0 =	slt.u32 s13, $0x70  }
0x27: {  	[tilespmem:s0+$0xFFFFFFF0] =	vst v3  }
0x28: {  	[tilespmem:s0+$0xFFFFFFC0] =	vst v3  }
0x29: {  	[tilespmem:s1+$0xFFFFFFC0] =	vst v3  }
0x2a: {  	[tilespmem:s1+$0x30] =	vst v3  }
0x2b: {  	[tilespmem:s0+$0xFFFFFFE0] =	vst v3  }
0x2c: {  	[tilespmem:s0+$0x10] =	vst v3  }
0x2d: {  	[tilespmem:s0+$0x20] =	vst v3  }
0x2e: {  	[tilespmem:s1+$0x20] =	vst v3  }
0x2f: {  	[tilespmem:s1+$0x10] =	vst v3  }
.Ltmp0:
0x30: {  	[tilespmem:s1+$0xFFFFFFE0] =	vst v3;
	(pc) =	sbr.rel @p0 .LBB2_2-.Ltmp0, $4  }
0x31: {  	[tilespmem:s0+$0x0] =	vst v3  }
0x32: {  	[tilespmem:s1+$0x0] =	vst v3  }
0x33: {  	[tilespmem:s1+$0xFFFFFFF0] =	vst v3  }
0x34: {  	[tilespmem:s0+$0xFFFFFFD0] =	vst v3  }
0x35: {  	[tilespmem:s1+$0xFFFFFFD0] =	vst v3  }
0x36: {  	[tilespmem:$0xA80] =	vst v12  }
0x37: {  	[tilespmem:$0xA90] =	vst v12  }
0x38: {  	[tilespmem:$0xAA0] =	vst v12  }
0x39: {  	[tilespmem:$0xAB0] =	vst v12  }
0x3a: {  	_ =	swait.ge [sflag:s16], $0x900  }
0x3b: {  	[sflag:s16] =	ssyncset.done $0x0  }
0x3c: {  	[sflag:s16] =	ssyncadd.s32 $0xFFFFF700  }
0x3d: {  	_ =	swait.ge [sflag:s16], $0xC0  }
0x3e: {  	[sflag:s16] =	ssyncset.done $0x0  }
0x3f: {  	[sflag:s16] =	ssyncadd.s32 $0xFFFFFF40  }
0x40: {  	_ =	swait.ge [sflag:s16], $0x480  }
0x41: {  	[sflag:s16] =	ssyncset.done $0x0  }
0x42: {  	[sflag:s16] =	ssyncadd.s32 $0xFFFFFB80  }
0x43: {  	_ =	swait.ge [sflag:s16], $0x480  }
.Ltmp1:
0x44: {  	[sflag:s16] =	ssyncset.done $0x0;
	(pc) =	sbr.rel .LBB2_4-.Ltmp1, $4  }
0x45: {  	[sflag:s16] =	ssyncadd.s32 $0xFFFFFB80  }
0x46: {  	_ =	swait.ge [sflag:s16], $0x80  }
0x47: {  	[sflag:s16] =	ssyncset.done $0x0  }
0x48: {  	s23 =	simm.s32 $0x0;
	s21 =	simm.s32 $0x0;
	[sflag:s16] =	ssyncadd.s32 $0xFFFFFF80  }
.LBB2_7:
0x49: {  	[tilespmem:s26+$0x0] =	vst v1  }
.LBB2_8:
0x4a: {  	s21 =	sadd.s32 $0x1, s21  }
0x4b: {  	p0 =	sne.s32 s21, $0x6  }
.Ltmp2:
0x4c: {  	_ = 	snop;
	(pc) =	sbr.rel @!p0 .LBB2_9-.Ltmp2, $2  }
0x4d: {  	_ =	sdelay $0x2  }
0x4e: {  	s23 =	sadd.s32 s23, s0  }
.LBB2_4:
0x4f: {  	_ =	sdelay $0x2  }
0x50: {  	s0 =	sadd.s32 s8, s21  }
0x51: {  	v0 =	vld.idx.msk [tilespmem:v17+s0+$0x0 ss:$0x1], $0xffff;
	s1 =	smul.u32 $0xC0, s0;
	_ =	sdelay $0x1  }
0x52: {  	s13 =	sshra.s32 s1, $0x2  }
0x53: {  	v1 =	vld [tilespmem:s13+$0x0]  }
0x54: {  	v2 =	vld [tilespmem:s7+$0x980]  }
0x55: {  	vm1 =	vgt.s32 v0, $0x0  }
0x56: {  	v0 =	vsel vm1, $0x1, v12  }
0x57: {  	v4 =	vmov s0;
	v0 =	vbroadcast v0, $0x0  }
0x58: {  	vm2 =	vne.s32 v4, v14;
	vm1 =	vlt.f32 v1, $3.500000000e+00  }
0x59: {  	vm1 =	vmand vm2, vm1;
	vm2 =	vgt.s32 v2, $0x0;
	v0 =	vand.u32 $0x1, v0  }
0x5a: {  	vm2 =	vmand vm1, vm2;
	vm1 =	veq.s32 v0, $0x1  }
0x5b: {  	vm2 =	vmand vm1, vm2  }
0x5c: {  	v0 =	vsel vm2, $0x1, v12  }
0x5d: {  	(xrf0) =	vadd.scan.msk.s32 $0xffff, v0;
	_ =	sdelay $0x5  }
0x5e: {  	s1 =	sshll.u32 s21, $0x6;
	v0, _, _ =	vpop (xrf0)  }
0x5f: {  	v1 =	vadd.s32 s1, v0  }
0x60: {  	v1 =	vadd.s32 $0xFFFFFFFF, v1;
	_ =	sdelay $0x4  }
0x61: {  	(v2sf) =	vpush v0, $0xF;
	[tilespmem:v1+s17+$0x0] =	vst.idx.msk vm2, v14  }
0x62: {  	v0 =	vld [tilespmem:s13+$0x10]  }
0x63: {  	v1 =	vld [tilespmem:s7+$0x990];
	_ =	sdelay $0x3  }
0x64: {  	vm3 =	vne.s32 v4, v15;
	vm2 =	vlt.f32 v0, $3.500000000e+00  }
0x65: {  	vm2 =	vmand vm3, vm2;
	vm3 =	vgt.s32 v1, $0x0  }
0x66: {  	vm2 =	vmand vm2, vm3  }
0x67: {  	vm2 =	vmand vm1, vm2  }
0x68: {  	v0 =	vsel vm2, $0x1, v12  }
0x69: {  	(xrf0) =	vadd.scan.msk.s32 $0xffff, v0;
	_ =	sdelay $0x3  }
0x6a: {  	s15 =	spop (v2sf)  }
0x6b: {  	s22 =	sadd.s32 s1, s15  }
0x6c: {  	s22 =	sadd.s32 $0xFFFFFFFF, s22;
	v0, _, _ =	vpop (xrf0)  }
0x6d: {  	v1 =	vadd.s32 s22, v0;
	_ =	sdelay $0x4  }
0x6e: {  	[tilespmem:v1+s17+$0x0] =	vst.idx.msk vm2, v15  }
0x6f: {  	v1 =	vld [tilespmem:s13+$0x20]  }
0x70: {  	v2 =	vld [tilespmem:s7+$0x9A0];
	_ =	sdelay $0x3  }
0x71: {  	vm3 =	vne.s32 v4, v16;
	vm2 =	vlt.f32 v1, $3.500000000e+00  }
0x72: {  	vm2 =	vmand vm3, vm2;
	vm3 =	vgt.s32 v2, $0x0  }
0x73: {  	vm2 =	vmand vm2, vm3  }
0x74: {  	vm1 =	vmand vm1, vm2  }
0x75: {  	v1 =	vsel vm1, $0x1, v12  }
0x76: {  	(xrf0) =	vadd.scan.msk.s32 $0xffff, v1;
	_ =	sdelay $0x5  }
0x77: {  	(v2sf) =	vpush v0, $0xF;
	v0, _, _ =	vpop (xrf0)  }
0x78: {  	(v2sf) =	vpush v0, $0xF;
	_ =	sdelay $0xd  }
0x79: {  	s24 =	spop (v2sf)  }
0x7a: {  	s0 =	sadd.s32 s15, s24;
	s25 =	spop (v2sf)  }
0x7b: {  	s13 =	sadd.s32 s0, s25  }
0x7c: {  	s29 =	sadd.s32 $0xFFFFFFFF, s13  }
0x7d: {  	s30 =	smul.u32 s13, s29;
	_ =	sdelay $0x1  }
0x7e: {  	s26 =	sadd.s32 s1, s0;
	s0 =	sshrl.u32 s30, $0x1  }
0x7f: {  	s28 =	sadd.s32 $0xFFFFFFFF, s26;
	s31 =	sadd.s32 $0xF, s0  }
0x80: {  	v0 =	vadd.s32 s28, v0;
	s24 =	sshrl.u32 s31, $0x4  }
0x81: {  	p0 =	seq.s32 s24, $0x0  }
.Ltmp3:
0x82: {  	_ = 	snop;
	(pc) =	sbr.rel @p0 .LBB2_8-.Ltmp3, $3  }
0x83: {  	_ =	sdelay $0x1  }
0x84: {  	[tilespmem:v0+s17+$0x0] =	vst.idx.msk vm1, v16;
	s13 =	sadd.s32 s13, s1  }
0x85: {  	[tilespmem:s13+$0xA80] =	vst v12  }
0x86: {  	s13 =	simm.s32 $0xC80  }
0x87: {  	v1 =	vld [tilespmem:s13+$0x0];
	_ =	sdelay $0x2  }
0x88: {  	s22 =	sshll.u32 s23, $0x2  }
0x89: {  	v0 =	vmov s1;
	s25 =	sshra.s32 s22, $0x2  }
0x8a: {  	s1 =	sadd.s32 $0x1580, s25;
	v1 =	vadd.s32 v0, v1  }
0x8b: {  	s22 =	simm.s32 $0x1100;
	[tilespmem:s1+$0x0] =	vst v1  }
0x8c: {  	p0 =	sne.s32 s24, $0x1;
	v1 =	vld [tilespmem:s22+$0x0]  }
.Ltmp4:
0x8d: {  	_ = 	snop;
	(pc) =	sbr.rel @!p0 .LBB2_7-.Ltmp4, $3  }
0x8e: {  	_ =	sdelay $0x1  }
0x8f: {  	s26 =	sadd.s32 $0x2F00, s25  }
0x90: {  	s24 =	sadd.s32 $0xFFFFFFFF, s24;
	s25 =	sadd.s32 $0x10, s26;
	v1 =	vadd.s32 v0, v1  }
.LBB2_6:
0x91: {  	[tilespmem:s26+$0x0] =	vst v1;
	s13 =	sadd.s32 $0x10, s13;
	s22 =	sadd.s32 $0x10, s22;
	s1 =	sadd.s32 $0x10, s1  }
0x92: {  	p0 =	sne.s32 s24, $0x1;
	s24 =	sadd.s32 $0xFFFFFFFF, s24;
	s26 =	smov.u32 s25;
	v1 =	vld [tilespmem:s13+$0x0]  }
0x93: {  	_ =	sdelay $0x3  }
0x94: {  	v1 =	vadd.s32 v0, v1  }
0x95: {  	[tilespmem:s1+$0x0] =	vst v1  }
0x96: {  	v1 =	vld [tilespmem:s22+$0x0]  }
.Ltmp5:
0x97: {  	(pc) =	sbr.rel @p0 .LBB2_6-.Ltmp5, $2  }
0x98: {  	_ =	sdelay $0x2  }
0x99: {  	s25 =	sadd.s32 $0x10, s25;
	v1 =	vadd.s32 v0, v1  }
.Ltmp6:
0x9a: {  	_ = 	snop;
	(pc) =	sbr.rel .LBB2_7-.Ltmp6, $1  }
0x9b: {  	_ =	sdelay $0x3  }
.LBB2_9:
0x9c: {  	s0 =	sadd.s32 $0xF, s23  }
0x9d: {  	s24 =	sshrl.u32 s0, $0x4  }
0x9e: {  	p0 =	sne.s32 s24, $0x0  }
.Ltmp7:
0x9f: {  	_ = 	snop;
	(pc) =	sbr.rel @!p0 .LBB2_10-.Ltmp7, $3  }
0xa0: {  	_ =	sdelay $0x1  }
0xa1: {  	[tilespmem:s23+$0x1580] =	vst v12  }
0xa2: {  	[tilespmem:s23+$0x2F00] =	vst v12  }
0xa3: {  	s21 =	simm.s32 $0x2F00  }
0xa4: {  	s22 =	simm.s32 $0x1580;
	v0 =	vld [tilespmem:s21+$0x0]  }
0xa5: {  	v2 =	vld [tilespmem:s22+$0x0];
	_ =	sdelay $0x6  }
0xa6: {  	v0 =	vld.idx.msk [tilespmem:v0+s17+$0x0], $0xffff  }
0xa7: {  	v12 =	vshrl.u32 v2, $0x6;
	v1 =	vld.idx.msk [tilespmem:v2+s17+$0x0], $0xffff  }
0xa8: {  	v2 =	vadd.s32 v13, v12  }
0xa9: {  	v2 =	vmul.u32 $0x30, v2;
	_ =	sdelay $0x1  }
0xaa: {  	v4 =	vadd.s32 v0, v2  }
0xab: {  	v2 =	vadd.s32 v1, v2;
	_ =	sdelay $0x3  }
0xac: {  	v4 =	vld.idx.msk [tilespmem:v4+s2+$0x0], $0xffff  }
0xad: {  	v5 =	vmul.u32 $0x30, v1;
	v2 =	vld.idx.msk [tilespmem:v2+s2+$0x0], $0xffff;
	_ =	sdelay $0x1  }
0xae: {  	v5 =	vadd.s32 v0, v5;
	_ =	sdelay $0x2  }
0xaf: {  	v11 =	vmov s23;
	v6 =	vmul.f32 $8.975979080e-01, v4;
	v7 =	vadd.f32 v4, v2  }
0xb0: {  	s23 =	simm.s32 $0x0;
	v8 =	vmul.f32 $8.975979080e-01, v2;
	v9 =	vmul.f32 v2, v2;
	v2 =	vadd.f32 v2, v2  }
0xb1: {  	v10 =	vor.u32 s23, v14;
	v5 =	vld.idx.msk [tilespmem:v5+s2+$0x0], $0xffff;
	v6 =	vmul.f32 v6, v6;
	v7 =	vmul.f32 $5.000000000e-01, v7  }
0xb2: {  	vm1 =	vlt.s32 v10, v11;
	v8 =	vmul.f32 v8, v8;
	v2 =	vmul.f32 v4, v2  }
0xb3: {  	[tilespmem:$0x1FEE0] =	vst v11;
	v4 =	vmul.f32 v4, v4;
	v10 =	vmul.f32 $1.724375200e-09, v6;
	v7 =	vnsel vm1, $0x3F800000, v7  }
0xb4: {  	v11 =	vmul.f32 $1.724375200e-09, v8;
	v2 =	vmax.f32 v2, $1.000000010e-10;
	v13 =	vadd.f32 $-8.999999760e-01, v7  }
0xb5: {  	v14 =	vadd.f32 $-1.549999950e+00, v7;
	v15 =	vadd.f32 $-2.200000050e+00, v7;
	(erf) = vrcp.f32 v2  }
0xb6: {  	v5 =	vmul.f32 v5, v5;
	v7 =	vadd.f32 $-2.849999900e+00, v7;
	v2 =	vadd.f32 $-2.707544980e-07, v10  }
0xb7: {  	v10 =	vadd.f32 $-2.707544980e-07, v11;
	v11 =	vmul.f32 v13, v13;
	v13 =	vmul.f32 v14, v14  }
0xb8: {  	v14 =	vmul.f32 v15, v15;
	v7 =	vmul.f32 v7, v7  }
0xb9: {  	v10 =	vmul.f32 v10, v8;
	v2 =	vmul.f32 v2, v6  }
0xba: {  	v11 =	vmul.f32 $-8.000000000e+00, v11;
	v13 =	vmul.f32 $-8.000000000e+00, v13  }
0xbb: {  	v4 =	vadd.f32 v4, v9;
	v9 =	vmul.f32 $-8.000000000e+00, v14;
	v7 =	vmul.f32 $-8.000000000e+00, v7  }
0xbc: {  	v10 =	vadd.f32 $2.476905320e-05, v10;
	v2 =	vadd.f32 $2.476905320e-05, v2;
	v11 =	vmul.f32 $1.442695020e+00, v11  }
0xbd: {  	v4 =	vsub.f32 v4, v5;
	v5 =	vmul.f32 $1.442695020e+00, v13;
	v9 =	vmul.f32 $1.442695020e+00, v9  }
0xbe: {  	v10 =	vmul.f32 v10, v8;
	v2 =	vmul.f32 v2, v6;
	v13 =	vpop (erf)  }
0xbf: {  	(erf) = vpow2.f32 v11;
	v4 =	vmul.f32 v13, v4  }
0xc0: {  	v7 =	vmul.f32 $1.442695020e+00, v7;
	v2 =	vadd.f32 $-1.388773210e-03, v2;
	(erf) = vpow2.f32 v5  }
0xc1: {  	v5 =	vadd.f32 $-1.388773210e-03, v10;
	(erf) = vpow2.f32 v9;
	v4 =	vmul.f32 $9.499999880e-01, v4  }
0xc2: {  	v2 =	vmul.f32 v2, v6;
	(erf) = vpow2.f32 v7  }
0xc3: {  	v5 =	vmul.f32 v5, v8;
	v7 =	vmul.f32 v4, v4;
	v4 =	vnsel vm1, $0x0, v4  }
0xc4: {  	v9 =	vbroadcast v4, $0x0;
	v10 =	vbroadcast v4, $0x1  }
0xc5: {  	v11 =	vbroadcast v4, $0x2;
	v13 =	vbroadcast v4, $0x3  }
0xc6: {  	v14 =	vbroadcast v4, $0x4;
	v15 =	vbroadcast v4, $0x5  }
0xc7: {  	v16 =	vbroadcast v4, $0x6;
	v17 =	vbroadcast v4, $0x7  }
0xc8: {  	v5 =	vadd.f32 $4.166646300e-02, v5;
	v19 =	vbroadcast v4, $0x8;
	v20 =	vbroadcast v4, $0x9  }
0xc9: {  	v21 =	vbroadcast v4, $0xA;
	v22 =	vbroadcast v4, $0xB  }
0xca: {  	v23 =	vbroadcast v4, $0xC;
	v5 =	vmul.f32 v5, v8  }
0xcb: {  	v2 =	vadd.f32 $4.166646300e-02, v2;
	v24 =	vbroadcast v4, $0xD;
	v25 =	vbroadcast v4, $0xE  }
0xcc: {  	v26 =	vbroadcast v4, $0xF;
	v4 =	vadd.f32 $-4.999998510e-01, v5;
	v5 =	vsub.f32 $1.000000000e+00, v7  }
0xcd: {  	v2 =	vmul.f32 v2, v6  }
0xce: {  	v7 =	vmul.f32 v4, v8;
	v57 =	vmax.f32 v5, $9.999999680e-21  }
0xcf: {  	v2 =	vadd.f32 $-4.999998510e-01, v2;
	v5 =	vshrl.u32 v57, $0x1;
	v4 =	vmul.f32 $5.000000000e-01, v57  }
0xd0: {  	v7 =	vadd.f32 $1.000000000e+00, v7;
	v5 =	vsub.s32 $0x5F3759DF, v5  }
0xd1: {  	v2 =	vmul.f32 v2, v6;
	v6 =	vmul.f32 v5, v4  }
0xd2: {  	v7 =	vmul.f32 $5.000000000e-01, v7  }
0xd3: {  	v2 =	vadd.f32 $1.000000000e+00, v2;
	v6 =	vmul.f32 v5, v6  }
0xd4: {  	v7 =	vadd.f32 $5.000000000e-01, v7  }
0xd5: {  	v18 =	vld [tilespmem:$0x4880];
	v2 =	vmul.f32 $5.000000000e-01, v2;
	v6 =	vsub.f32 $1.500000000e+00, v6  }
0xd6: {  	v8 =	vadd.f32 v7, v7  }
0xd7: {  	v2 =	vadd.f32 $5.000000000e-01, v2;
	_ =	sdelay $0x1  }
0xd8: {  	v7 =	vmul.f32 v5, v6;
	v2 =	vmul.f32 v2, v8;
	v6 =	vpop (erf)  }
0xd9: {  	v59 =	vmul.f32 v9, v18;
	v8 =	vpop (erf)  }
0xda: {  	v53 =	vmul.f32 v11, v18;
	v9 =	vmul.f32 v26, v18;
	v2 =	vnsel vm1, $0x0, v2;
	v11 =	vpop (erf)  }
0xdb: {  	v56 =	vmul.f32 v10, v18;
	v26 =	vmul.f32 v2, v11  }
0xdc: {  	[tilespmem:$0x1FEF0] =	vst v9;
	v10 =	vmul.f32 v2, v6;
	v9 =	vmul.f32 v2, v8;
	v6 =	vpop (erf)  }
0xdd: {  	v11 =	vmul.f32 v2, v6;
	v2 =	vbroadcast v26, $0x4;
	_ =	sdelay $0x1  }
0xde: {  	[tilespmem:$0x1FF00] =	vst v2;
	v2 =	vbroadcast v10, $0x5  }
0xdf: {  	v54 =	vmul.f32 v13, v18  }
0xe0: {  	v55 =	vmul.f32 v14, v18;
	[tilespmem:$0x1FF10] =	vst v2;
	v2 =	vbroadcast v9, $0x5  }
0xe1: {  	v52 =	vmul.f32 v15, v18;
	v63 =	vmul.f32 v16, v18  }
0xe2: {  	v62 =	vmul.f32 v17, v18;
	[tilespmem:$0x1FF20] =	vst v2;
	v2 =	vbroadcast v26, $0x5  }
0xe3: {  	v61 =	vmul.f32 v19, v18;
	v60 =	vmul.f32 v20, v18  }
0xe4: {  	v58 =	vmul.f32 v21, v18;
	[tilespmem:$0x1FF30] =	vst v2;
	v2 =	vbroadcast v11, $0x5  }
0xe5: {  	v51 =	vmul.f32 v22, v18;
	v50 =	vmul.f32 v23, v18  }
0xe6: {  	v5 =	vmul.f32 v7, v4;
	[tilespmem:$0x1FF40] =	vst v2;
	v2 =	vbroadcast v10, $0x6  }
0xe7: {  	v46 =	vmul.f32 v24, v18;
	v38 =	vmul.f32 v25, v18  }
0xe8: {  	v1 =	vadd.s32 v28, v1;
	v5 =	vmul.f32 v5, v7;
	[tilespmem:$0x1FF50] =	vst v2;
	v2 =	vbroadcast v9, $0x6  }
0xe9: {  	v44 =	vbroadcast v10, $0x0;
	v47 =	vbroadcast v9, $0x0  }
0xea: {  	v40 =	vbroadcast v10, $0x1;
	[tilespmem:$0x1FF60] =	vst v2;
	v2 =	vbroadcast v26, $0x6  }
0xeb: {  	v42 =	vbroadcast v9, $0x1;
	v35 =	vbroadcast v10, $0x2  }
0xec: {  	v36 =	vbroadcast v9, $0x2;
	v31 =	vbroadcast v10, $0x3;
	[tilespmem:$0x1FF70] =	vst v2  }
0xed: {  	v0 =	vadd.s32 v28, v0;
	v33 =	vbroadcast v9, $0x3;
	v8 =	vld.idx.msk [tilespmem:v1+s12+$0x0], $0xffff;
	v1 =	vbroadcast v11, $0x6  }
0xee: {  	v27 =	vbroadcast v10, $0x4;
	v29 =	vbroadcast v9, $0x4  }
0xef: {  	p0 =	seq.s32 s24, $0x1;
	v43 =	vbroadcast v26, $0x0;
	[tilespmem:$0x1FF80] =	vst v1;
	v1 =	vbroadcast v10, $0x7  }
.Ltmp8:
0xf0: {  	v39 =	vbroadcast v26, $0x1;
	v34 =	vbroadcast v26, $0x2;
	(pc) =	sbr.rel @p0 .LBB2_16-.Ltmp8, $4  }
0xf1: {  	v30 =	vbroadcast v26, $0x3;
	v48 =	vbroadcast v26, $0x7;
	[tilespmem:$0x1FF90] =	vst v1  }
0xf2: {  	v45 =	vbroadcast v11, $0x0;
	v49 =	vld.idx.msk [tilespmem:v0+s12+$0x0], $0xffff;
	v0 =	vbroadcast v9, $0x7  }
0xf3: {  	v41 =	vbroadcast v11, $0x1;
	v37 =	vbroadcast v11, $0x2  }
0xf4: {  	s24 =	sadd.s32 $0xFFFFFFFF, s24;
	v32 =	vbroadcast v11, $0x3;
	v28 =	vbroadcast v11, $0x4;
	[tilespmem:$0x1FFA0] =	vst v0  }
.LBB2_15:
0xf5: {  	_ = 	snop  }
0xf6: {  	[tilespmem:$0x1FD60] =	vst v48;
	v48 =	vmul.u32 $0x140, v12;
	v12 =	vsub.f32 $1.500000000e+00, v5  }
0xf7: {  	v1 =	vbroadcast v11, $0x9  }
0xf8: {  	v0 =	vbroadcast v11, $0x7;
	v12 =	vmul.f32 v12, v7  }
0xf9: {  	[tilespmem:$0x1FDD0] =	vst v1;
	v1 =	vbroadcast v10, $0xA  }
0xfa: {  	[tilespmem:$0x1FD50] =	vst v0;
	v0 =	vbroadcast v10, $0x8;
	v4 =	vmul.f32 v12, v4  }
0xfb: {  	[tilespmem:$0x1FDE0] =	vst v1;
	v1 =	vbroadcast v9, $0xA  }
0xfc: {  	[tilespmem:$0x1FD70] =	vst v0;
	v0 =	vbroadcast v9, $0x8;
	v4 =	vmul.f32 v4, v12  }
0xfd: {  	[tilespmem:$0x1FDF0] =	vst v1;
	v1 =	vbroadcast v26, $0xA  }
0xfe: {  	[tilespmem:$0x1FD80] =	vst v0;
	v0 =	vbroadcast v26, $0x8;
	v4 =	vsub.f32 $1.500000000e+00, v4  }
0xff: {  	[tilespmem:$0x1FE00] =	vst v1;
	v1 =	vbroadcast v11, $0xA  }
0x100: {  	[tilespmem:$0x1FD90] =	vst v0;
	v0 =	vbroadcast v11, $0x8;
	v4 =	vmul.f32 v4, v12  }
0x101: {  	[tilespmem:$0x1FE10] =	vst v1;
	v1 =	vbroadcast v10, $0xB  }
0x102: {  	v53 =	vadd.f32 $5.000000000e-01, v53;
	[tilespmem:$0x1FDA0] =	vst v0;
	v0 =	vbroadcast v10, $0x9;
	v4 =	vmul.f32 v4, v57  }
0x103: {  	v54 =	vadd.f32 $5.000000000e-01, v54;
	v55 =	vadd.f32 $5.000000000e-01, v55;
	[tilespmem:$0x1FE20] =	vst v1;
	v1 =	vbroadcast v26, $0xB  }
0x104: {  	v61 =	vadd.f32 $5.000000000e-01, v61;
	[tilespmem:$0x1FDB0] =	vst v0;
	v0 =	vbroadcast v26, $0x9;
	v57 =	vbroadcast v4, $0x1  }
0x105: {  	v38 =	vadd.f32 $5.000000000e-01, v38;
	[tilespmem:$0x1FE30] =	vst v1;
	v1 =	vbroadcast v4, $0x3;
	v6 =	vbroadcast v4, $0x4  }
0x106: {  	v14 =	vld [tilespmem:$0x4890];
	vm2 =	vgt.s32 v8, v49;
	v15 =	vbroadcast v4, $0x5;
	v16 =	vbroadcast v4, $0x6  }
0x107: {  	[tilespmem:$0x1FDC0] =	vst v0;
	v0 =	vsel vm2, v8, v49;
	v17 =	vbroadcast v4, $0x7;
	v18 =	vbroadcast v4, $0x8  }
0x108: {  	v8 =	vsel vm2, v49, v8;
	v19 =	vbroadcast v4, $0x9;
	v20 =	vbroadcast v4, $0xA  }
0x109: {  	v25 =	vld [tilespmem:$0x1FEF0];
	v49 =	vadd.s32 $0xFFFFFFFF, v8;
	v21 =	vbroadcast v4, $0xB;
	v22 =	vbroadcast v4, $0xC  }
0x10a: {  	v23 =	vbroadcast v4, $0xD;
	v24 =	vbroadcast v4, $0xE;
	v2 =	vshll.u32 v49, $0x2  }
0x10b: {  	v2 =	vadd.s32 v2, v0;
	v0 =	vbroadcast v10, $0xC;
	v57 =	vmul.f32 v57, v14  }
0x10c: {  	v63 =	vadd.f32 $5.000000000e-01, v63;
	v1 =	vmul.f32 v1, v14;
	v6 =	vmul.f32 v6, v14  }
0x10d: {  	v46 =	vadd.f32 $5.000000000e-01, v46;
	v15 =	vmul.f32 v15, v14;
	[tilespmem:$0x1FE40] =	vst v0;
	v0 =	vbroadcast v9, $0xC  }
0x10e: {  	v25 =	vadd.f32 $5.000000000e-01, v25;
	v16 =	vmul.f32 v16, v14;
	v17 =	vmul.f32 v17, v14  }
0x10f: {  	v13 =	vadd.s32 $0xFFFFFFE, v8;
	v18 =	vmul.f32 v18, v14;
	[tilespmem:$0x1FE50] =	vst v0;
	v0 =	vbroadcast v26, $0xC  }
0x110: {  	v49 =	vmul.u32 v13, v49;
	v19 =	vmul.f32 v19, v14;
	v20 =	vmul.f32 v20, v14  }
0x111: {  	v12 =	vadd.f32 $5.000000000e-01, v59;
	v21 =	vmul.f32 v21, v14;
	[tilespmem:$0x1FE60] =	vst v0;
	v0 =	vbroadcast v11, $0xC  }
0x112: {  	v22 =	vmul.f32 v22, v14;
	v23 =	vmul.f32 v23, v14;
	v49 =	vshrl.u32 v49, $0x1  }
0x113: {  	v24 =	vmul.f32 v24, v14;
	v8 =	vadd.s32 v49, v8;
	[tilespmem:$0x1FE70] =	vst v0;
	v0 =	vbroadcast v10, $0xD  }
0x114: {  	v49 =	vadd.f32 $5.000000000e-01, v56;
	v56 =	vbroadcast v4, $0x0;
	v1 =	vadd.f32 v1, v54  }
0x115: {  	v6 =	vadd.f32 v6, v55;
	v2 =	vsub.s32 v2, v8;
	[tilespmem:$0x1FE80] =	vst v0;
	v0 =	vbroadcast v9, $0xD  }
0x116: {  	v16 =	vadd.f32 v16, v63;
	v18 =	vadd.f32 v18, v61;
	v2 =	vshll.u32 v2, $0x5  }
0x117: {  	v23 =	vadd.f32 v23, v46;
	v2 =	vadd.s32 v48, v2;
	[tilespmem:$0x1FE90] =	vst v0;
	v0 =	vbroadcast v26, $0xD  }
0x118: {  	v24 =	vadd.f32 v24, v38;
	v56 =	vmul.f32 v56, v14;
	v2 =	vnsel vm1, $0x0, v2  }
0x119: {  	v49 =	vadd.f32 v57, v49;
	(v2sf) =	vpush v2, $0x0;
	[tilespmem:$0x1FEA0] =	vst v0;
	v0 =	vbroadcast v10, $0xE  }
0x11a: {  	v1 =	vmul.f32 v1, v1;
	v6 =	vmul.f32 v6, v6;
	(v2sf) =	vpush v2, $0x1  }
0x11b: {  	v23 =	vmul.f32 v23, v23;
	(v2sf) =	vpush v2, $0x2;
	[tilespmem:$0x1FEB0] =	vst v0;
	v0 =	vbroadcast v26, $0xE  }
0x11c: {  	v24 =	vmul.f32 v24, v24;
	v12 =	vadd.f32 v56, v12;
	(v2sf) =	vpush v2, $0x3  }
0x11d: {  	v1 =	vmul.f32 v1, v1;
	(v2sf) =	vpush v2, $0x4;
	[tilespmem:$0x1FEC0] =	vst v0;
	v0 =	vbroadcast v11, $0xE  }
0x11e: {  	v23 =	vmul.f32 v23, v23;
	v12 =	vmul.f32 v12, v12;
	(v2sf) =	vpush v2, $0x5  }
0x11f: {  	v1 =	vmul.f32 v1, v1;
	(v2sf) =	vpush v2, $0x6;
	[tilespmem:$0x1FED0] =	vst v0;
	v0 =	vbroadcast v4, $0x2  }
0x120: {  	v12 =	vmul.f32 v12, v12;
	(v2sf) =	vpush v2, $0x7;
	v4 =	vbroadcast v4, $0xF  }
0x121: {  	v63 =	vmul.f32 v23, v23;
	(v2sf) =	vpush v2, $0x8;
	v0 =	vmul.f32 v0, v14  }
0x122: {  	s21 =	sadd.s32 $0x10, s21;
	v12 =	vmul.f32 v12, v12;
	(v2sf) =	vpush v2, $0x9;
	v4 =	vmul.f32 v4, v14  }
0x123: {  	s22 =	sadd.s32 $0x10, s22;
	v61 =	vld [tilespmem:s21+$0x0];
	(v2sf) =	vpush v2, $0xA;
	v14 =	vmul.f32 v49, v49;
	v0 =	vadd.f32 v0, v53  }
0x124: {  	(v2sf) =	vpush v2, $0xB;
	v4 =	vadd.f32 v4, v25;
	v25 =	vmul.f32 v24, v24;
	v24 =	vld [tilespmem:s22+$0x0]  }
0x125: {  	(v2sf) =	vpush v2, $0xC;
	v14 =	vmul.f32 v14, v14;
	v0 =	vmul.f32 v0, v0  }
0x126: {  	v12 =	vmul.f32 v12, v12;
	(v2sf) =	vpush v2, $0xD;
	v4 =	vmul.f32 v4, v4  }
0x127: {  	(v2sf) =	vpush v2, $0xE;
	v14 =	vmul.f32 v14, v14;
	v0 =	vmul.f32 v0, v0  }
0x128: {  	v12 =	vmul.f32 v12, v12;
	s0 =	spop (v2sf);
	(v2sf) =	vpush v2, $0xF;
	v4 =	vmul.f32 v4, v4  }
0x129: {  	v2 =	vsel vm0, v44, v47;
	v14 =	vmul.f32 v14, v14;
	v0 =	vmul.f32 v0, v0  }
0x12a: {  	v2 =	vmul.f32 v12, v2;
	v23 =	vmul.f32 v4, v4  }
0x12b: {  	v48 =	vld.idx.msk [tilespmem:v61+s17+$0x0], $0xffff;
	v4 =	vsel vm0, v43, v45;
	v14 =	vmul.f32 v14, v14;
	v0 =	vmul.f32 v0, v0  }
0x12c: {  	v1 =	vmul.f32 v1, v1;
	v4 =	vmul.f32 v12, v4;
	v12 =	vsel vm0, v40, v42;
	v49 =	vld.idx.msk [tilespmem:v24+s17+$0x0], $0xffff  }
0x12d: {  	[tilespmem:s0+$0x4900] =	vst.add.f32.msk $0xffff, v2;
	v2 =	vsel vm0, v39, v41;
	v12 =	vmul.f32 v14, v12;
	v0 =	vmul.f32 v0, v0  }
0x12e: {  	v6 =	vmul.f32 v6, v6;
	s1 =	spop (v2sf);
	[tilespmem:s0+$0x4910] =	vst.add.f32.msk $0xffff, v4;
	v2 =	vmul.f32 v14, v2;
	v4 =	vsel vm0, v35, v36  }
0x12f: {  	v1 =	vmul.f32 v1, v1;
	[tilespmem:s1+$0x5080] =	vst.add.f32.msk $0xffff, v12;
	v12 =	vsel vm0, v34, v37;
	v4 =	vmul.f32 v0, v4  }
0x130: {  	v6 =	vmul.f32 v6, v6;
	s25 =	spop (v2sf);
	[tilespmem:s1+$0x5090] =	vst.add.f32.msk $0xffff, v2;
	v2 =	vsel vm0, v31, v33;
	v0 =	vmul.f32 v0, v12  }
0x131: {  	v2 =	vmul.f32 v1, v2;
	[tilespmem:s25+$0x4900] =	vst.add.f32.msk $0xffff, v4  }
0x132: {  	v6 =	vmul.f32 v6, v6;
	s26 =	spop (v2sf);
	[tilespmem:s25+$0x4910] =	vst.add.f32.msk $0xffff, v0  }
0x133: {  	v52 =	vadd.f32 $5.000000000e-01, v52;
	[tilespmem:s26+$0x5080] =	vst.add.f32.msk $0xffff, v2  }
0x134: {  	v6 =	vmul.f32 v6, v6;
	v4 =	vsel vm0, v30, v32;
	v2 =	vld [tilespmem:$0x1FF00]  }
0x135: {  	v15 =	vadd.f32 v15, v52;
	v0 =	vmul.f32 v1, v4;
	v1 =	vsel vm0, v27, v29  }
0x136: {  	v14 =	vld [tilespmem:$0x1FF40];
	v1 =	vmul.f32 v6, v1  }
0x137: {  	v15 =	vmul.f32 v15, v15;
	s28 =	spop (v2sf);
	[tilespmem:s26+$0x5090] =	vst.add.f32.msk $0xffff, v0  }
0x138: {  	[tilespmem:s28+$0x4900] =	vst.add.f32.msk $0xffff, v1  }
0x139: {  	v15 =	vmul.f32 v15, v15;
	v1 =	vld [tilespmem:$0x1FF30];
	v2 =	vsel vm0, v2, v28  }
0x13a: {  	v0 =	vmul.f32 v6, v2;
	v2 =	vld [tilespmem:$0x1FF10]  }
0x13b: {  	v15 =	vmul.f32 v15, v15;
	v6 =	vld [tilespmem:$0x1FF20];
	_ =	sdelay $0x1  }
0x13c: {  	v12 =	vmul.f32 v15, v15;
	_ =	sdelay $0x1  }
0x13d: {  	v12 =	vmul.f32 v12, v12;
	[tilespmem:s28+$0x4910] =	vst.add.f32.msk $0xffff, v0  }
0x13e: {  	v16 =	vmul.f32 v16, v16;
	v1 =	vsel vm0, v1, v14;
	v14 =	vld [tilespmem:$0x1FF80];
	v2 =	vsel vm0, v2, v6  }
0x13f: {  	v0 =	vmul.f32 v12, v1;
	v1 =	vld [tilespmem:$0x1FF50];
	v2 =	vmul.f32 v12, v2  }
0x140: {  	v16 =	vmul.f32 v16, v16;
	s14 =	spop (v2sf);
	v12 =	vld [tilespmem:$0x1FF60]  }
0x141: {  	[tilespmem:s14+$0x5080] =	vst.add.f32.msk $0xffff, v2  }
0x142: {  	v16 =	vmul.f32 v16, v16;
	v2 =	vld [tilespmem:$0x1FF70]  }
0x143: {  	v62 =	vadd.f32 $5.000000000e-01, v62  }
0x144: {  	v4 =	vmul.f32 v16, v16  }
0x145: {  	v17 =	vadd.f32 v17, v62  }
0x146: {  	v4 =	vmul.f32 v4, v4;
	[tilespmem:s14+$0x5090] =	vst.add.f32.msk $0xffff, v0  }
0x147: {  	v17 =	vmul.f32 v17, v17;
	v1 =	vsel vm0, v1, v12;
	v2 =	vsel vm0, v2, v14;
	v14 =	vld [tilespmem:$0x1FD60]  }
0x148: {  	v1 =	vmul.f32 v4, v1;
	v0 =	vmul.f32 v4, v2;
	v2 =	vld [tilespmem:$0x1FF90]  }
0x149: {  	v17 =	vmul.f32 v17, v17;
	s15 =	spop (v2sf);
	v4 =	vld [tilespmem:$0x1FFA0]  }
0x14a: {  	[tilespmem:s15+$0x4900] =	vst.add.f32.msk $0xffff, v1  }
0x14b: {  	v17 =	vmul.f32 v17, v17;
	v1 =	vld [tilespmem:$0x1FD50];
	_ =	sdelay $0x1  }
0x14c: {  	v6 =	vmul.f32 v17, v17  }
0x14d: {  	v18 =	vmul.f32 v18, v18  }
0x14e: {  	v6 =	vmul.f32 v6, v6;
	[tilespmem:s15+$0x4910] =	vst.add.f32.msk $0xffff, v0  }
0x14f: {  	v18 =	vmul.f32 v18, v18;
	v2 =	vsel vm0, v2, v4;
	v1 =	vsel vm0, v14, v1;
	v14 =	vld [tilespmem:$0x1FDA0]  }
0x150: {  	v2 =	vmul.f32 v6, v2;
	v0 =	vmul.f32 v6, v1;
	v1 =	vld [tilespmem:$0x1FD70]  }
0x151: {  	s13 =	spop (v2sf);
	v6 =	vld [tilespmem:$0x1FD80]  }
0x152: {  	v18 =	vmul.f32 v18, v18;
	[tilespmem:s13+$0x5080] =	vst.add.f32.msk $0xffff, v2  }
0x153: {  	v2 =	vld [tilespmem:$0x1FD90]  }
0x154: {  	v60 =	vadd.f32 $5.000000000e-01, v60;
	v12 =	vmul.f32 v18, v18;
	_ =	sdelay $0x1  }
0x155: {  	v19 =	vadd.f32 v19, v60;
	v12 =	vmul.f32 v12, v12  }
0x156: {  	v1 =	vsel vm0, v1, v6  }
0x157: {  	v19 =	vmul.f32 v19, v19;
	[tilespmem:s13+$0x5090] =	vst.add.f32.msk $0xffff, v0;
	v1 =	vmul.f32 v12, v1;
	v2 =	vsel vm0, v2, v14  }
0x158: {  	s1 =	spop (v2sf);
	v0 =	vmul.f32 v12, v2;
	v2 =	vld [tilespmem:$0x1FDB0]  }
0x159: {  	v19 =	vmul.f32 v19, v19;
	[tilespmem:s1+$0x4900] =	vst.add.f32.msk $0xffff, v1  }
0x15a: {  	v58 =	vadd.f32 $5.000000000e-01, v58;
	v1 =	vld [tilespmem:$0x1FDC0]  }
0x15b: {  	v19 =	vmul.f32 v19, v19;
	v12 =	vld [tilespmem:$0x1FDD0]  }
0x15c: {  	v20 =	vadd.f32 v20, v58  }
0x15d: {  	v4 =	vmul.f32 v19, v19  }
0x15e: {  	v5 =	vbroadcast v9, $0x9;
	v20 =	vmul.f32 v20, v20  }
0x15f: {  	v4 =	vmul.f32 v4, v4;
	[tilespmem:s1+$0x4910] =	vst.add.f32.msk $0xffff, v0  }
0x160: {  	v20 =	vmul.f32 v20, v20;
	v2 =	vsel vm0, v2, v5;
	v1 =	vsel vm0, v1, v12;
	v12 =	vld [tilespmem:$0x1FE10]  }
0x161: {  	v2 =	vmul.f32 v4, v2;
	v0 =	vmul.f32 v4, v1;
	v1 =	vld [tilespmem:$0x1FDE0]  }
0x162: {  	s0 =	spop (v2sf);
	v4 =	vld [tilespmem:$0x1FDF0]  }
0x163: {  	v20 =	vmul.f32 v20, v20;
	[tilespmem:s0+$0x5080] =	vst.add.f32.msk $0xffff, v2  }
0x164: {  	v51 =	vadd.f32 $5.000000000e-01, v51;
	v2 =	vld [tilespmem:$0x1FE00]  }
0x165: {  	v6 =	vmul.f32 v20, v20  }
0x166: {  	v21 =	vadd.f32 v21, v51  }
0x167: {  	v6 =	vmul.f32 v6, v6  }
0x168: {  	v21 =	vmul.f32 v21, v21;
	v1 =	vsel vm0, v1, v4  }
0x169: {  	[tilespmem:s0+$0x5090] =	vst.add.f32.msk $0xffff, v0;
	v1 =	vmul.f32 v6, v1;
	v2 =	vsel vm0, v2, v12  }
0x16a: {  	v21 =	vmul.f32 v21, v21;
	s31 =	spop (v2sf);
	v0 =	vmul.f32 v6, v2;
	v2 =	vld [tilespmem:$0x1FE20]  }
0x16b: {  	[tilespmem:s31+$0x4900] =	vst.add.f32.msk $0xffff, v1  }
0x16c: {  	v21 =	vmul.f32 v21, v21;
	v1 =	vld [tilespmem:$0x1FE30]  }
0x16d: {  	v50 =	vadd.f32 $5.000000000e-01, v50  }
0x16e: {  	v5 =	vmul.f32 v21, v21  }
0x16f: {  	v7 =	vbroadcast v9, $0xB;
	v13 =	vbroadcast v11, $0xB;
	v22 =	vadd.f32 v22, v50  }
0x170: {  	v5 =	vmul.f32 v5, v5;
	[tilespmem:s31+$0x4910] =	vst.add.f32.msk $0xffff, v0  }
0x171: {  	v22 =	vmul.f32 v22, v22;
	v2 =	vsel vm0, v2, v7;
	v1 =	vsel vm0, v1, v13;
	v7 =	vld [tilespmem:$0x1FE70]  }
0x172: {  	v2 =	vmul.f32 v5, v2;
	v0 =	vmul.f32 v5, v1;
	v1 =	vld [tilespmem:$0x1FE40]  }
0x173: {  	v22 =	vmul.f32 v22, v22;
	s30 =	spop (v2sf);
	v5 =	vld [tilespmem:$0x1FE50]  }
0x174: {  	[tilespmem:s30+$0x5080] =	vst.add.f32.msk $0xffff, v2  }
0x175: {  	v62 =	vmul.f32 v22, v22;
	v2 =	vld [tilespmem:$0x1FE60];
	_ =	sdelay $0x1  }
0x176: {  	v4 =	vmul.f32 v62, v62;
	_ =	sdelay $0x1  }
0x177: {  	v4 =	vmul.f32 v4, v4  }
0x178: {  	[tilespmem:s30+$0x5090] =	vst.add.f32.msk $0xffff, v0;
	v1 =	vsel vm0, v1, v5;
	v2 =	vsel vm0, v2, v7  }
0x179: {  	v1 =	vmul.f32 v4, v1;
	v0 =	vmul.f32 v4, v2;
	v2 =	vld [tilespmem:$0x1FE80]  }
0x17a: {  	s29 =	spop (v2sf);
	v4 =	vld [tilespmem:$0x1FE90]  }
0x17b: {  	[tilespmem:s29+$0x4900] =	vst.add.f32.msk $0xffff, v1  }
0x17c: {  	v1 =	vld [tilespmem:$0x1FEA0]  }
0x17d: {  	v6 =	vmul.f32 v63, v63;
	_ =	sdelay $0x1  }
0x17e: {  	v8 =	vbroadcast v11, $0xD;
	v6 =	vmul.f32 v6, v6  }
0x17f: {  	v7 =	vld [tilespmem:$0x1FED0];
	v2 =	vsel vm0, v2, v4  }
0x180: {  	[tilespmem:s29+$0x4910] =	vst.add.f32.msk $0xffff, v0;
	v1 =	vsel vm0, v1, v8;
	v2 =	vmul.f32 v6, v2  }
0x181: {  	s26 =	spop (v2sf);
	v0 =	vmul.f32 v6, v1;
	v1 =	vld [tilespmem:$0x1FEB0]  }
0x182: {  	[tilespmem:s26+$0x5080] =	vst.add.f32.msk $0xffff, v2  }
0x183: {  	v22 =	vmul.f32 v25, v25;
	v2 =	vld [tilespmem:$0x1FEC0];
	_ =	sdelay $0x1  }
0x184: {  	v5 =	vmul.f32 v22, v22  }
0x185: {  	v59 =	vbroadcast v9, $0xE  }
0x186: {  	v5 =	vmul.f32 v5, v5  }
0x187: {  	[tilespmem:s26+$0x5090] =	vst.add.f32.msk $0xffff, v0;
	v1 =	vsel vm0, v1, v59;
	v2 =	vsel vm0, v2, v7  }
0x188: {  	v1 =	vmul.f32 v5, v1;
	v0 =	vmul.f32 v5, v2;
	v5 =	vld [tilespmem:$0x1FFE0];
	_ =	sdelay $0x1  }
0x189: {  	v4 =	vmul.f32 v23, v23  }
0x18a: {  	v26 =	vbroadcast v26, $0xF;
	v6 =	vbroadcast v11, $0xF  }
0x18b: {  	v12 =	vshrl.u32 v24, $0x6;
	v4 =	vmul.f32 v4, v4  }
0x18c: {  	s25 =	spop (v2sf);
	v2 =	vsel vm0, v26, v6;
	v5 =	vadd.s32 v5, v12  }
0x18d: {  	[tilespmem:s25+$0x4900] =	vst.add.f32.msk $0xffff, v1;
	v2 =	vmul.f32 v4, v2;
	v5 =	vmul.u32 $0x30, v5  }
0x18e: {  	s14 =	spop (v2sf);
	v1 =	vbroadcast v10, $0xF;
	[tilespmem:s25+$0x4910] =	vst.add.f32.msk $0xffff, v0;
	v0 =	vbroadcast v9, $0xF  }
0x18f: {  	[tilespmem:s14+$0x5090] =	vst.add.f32.msk $0xffff, v2;
	v2 =	vadd.s32 v48, v5  }
0x190: {  	v0 =	vsel vm0, v1, v0;
	v1 =	vadd.s32 v49, v5  }
0x191: {  	v0 =	vmul.f32 v4, v0;
	_ =	sdelay $0x1  }
0x192: {  	[tilespmem:s14+$0x5080] =	vst.add.f32.msk $0xffff, v0  }
0x193: {  	v0 =	vld.idx.msk [tilespmem:v2+s2+$0x0], $0xffff  }
0x194: {  	v1 =	vld.idx.msk [tilespmem:v1+s2+$0x0], $0xffff;
	_ =	sdelay $0x4  }
0x195: {  	v2 =	vmul.u32 $0x30, v49;
	v4 =	vmul.f32 $8.975979080e-01, v0;
	v5 =	vadd.f32 v0, v1;
	_ =	sdelay $0x1  }
0x196: {  	v2 =	vadd.s32 v48, v2;
	v9 =	vmul.f32 v4, v4;
	v4 =	vmul.f32 $5.000000000e-01, v5;
	v5 =	vld [tilespmem:$0x1FEE0]  }
0x197: {  	v6 =	vmul.f32 $8.975979080e-01, v1;
	v7 =	vmul.f32 v1, v1;
	v1 =	vadd.f32 v1, v1;
	_ =	sdelay $0x1  }
0x198: {  	s23 =	sadd.s32 $0x10, s23;
	v8 =	vlaneseq.u32;
	v1 =	vmul.f32 v0, v1  }
0x199: {  	v8 =	vor.u32 s23, v8  }
0x19a: {  	v1 =	vmax.f32 v1, $1.000000010e-10;
	vm1 =	vlt.s32 v8, v5;
	v5 =	vmul.f32 v6, v6  }
0x19b: {  	v2 =	vld.idx.msk [tilespmem:v2+s2+$0x0], $0xffff;
	(erf) = vrcp.f32 v1  }
0x19c: {  	v6 =	vmul.f32 $1.724375200e-09, v9;
	v4 =	vnsel vm1, $0x3F800000, v4;
	v8 =	vmul.f32 $1.724375200e-09, v5  }
0x19d: {  	v10 =	vadd.f32 $-8.999999760e-01, v4;
	v11 =	vadd.f32 $-1.549999950e+00, v4  }
0x19e: {  	v0 =	vmul.f32 v0, v0;
	v1 =	vadd.f32 $-2.707544980e-07, v6;
	v6 =	vadd.f32 $-2.707544980e-07, v8  }
0x19f: {  	v8 =	vmul.f32 v10, v10;
	v10 =	vmul.f32 v11, v11  }
0x1a0: {  	v2 =	vmul.f32 v2, v2;
	v6 =	vmul.f32 v6, v5  }
0x1a1: {  	v0 =	vadd.f32 v0, v7;
	v8 =	vmul.f32 $-8.000000000e+00, v8;
	v10 =	vmul.f32 $-8.000000000e+00, v10  }
0x1a2: {  	v1 =	vmul.f32 v1, v9;
	v6 =	vadd.f32 $2.476905320e-05, v6  }
0x1a3: {  	v0 =	vsub.f32 v0, v2;
	v8 =	vmul.f32 $1.442695020e+00, v8  }
0x1a4: {  	v1 =	vadd.f32 $2.476905320e-05, v1;
	v2 =	vmul.f32 $1.442695020e+00, v10;
	v6 =	vmul.f32 v6, v5  }
0x1a5: {  	v13 =	vadd.f32 $-2.200000050e+00, v4;
	v10 =	vpop (erf);
	(erf) = vpow2.f32 v8  }
0x1a6: {  	v1 =	vmul.f32 v1, v9;
	(erf) = vpow2.f32 v2;
	v2 =	vadd.f32 $-1.388773210e-03, v6  }
0x1a7: {  	v4 =	vadd.f32 $-2.849999900e+00, v4  }
0x1a8: {  	v11 =	vmul.f32 v13, v13;
	v1 =	vadd.f32 $-1.388773210e-03, v1;
	v2 =	vmul.f32 v2, v5  }
0x1a9: {  	v4 =	vmul.f32 v4, v4  }
0x1aa: {  	v7 =	vmul.f32 $-8.000000000e+00, v11;
	v1 =	vmul.f32 v1, v9;
	v2 =	vadd.f32 $4.166646300e-02, v2  }
0x1ab: {  	v4 =	vmul.f32 $-8.000000000e+00, v4;
	v0 =	vmul.f32 v10, v0  }
0x1ac: {  	v7 =	vmul.f32 $1.442695020e+00, v7;
	v1 =	vadd.f32 $4.166646300e-02, v1;
	v2 =	vmul.f32 v2, v5  }
0x1ad: {  	v4 =	vmul.f32 $1.442695020e+00, v4;
	v0 =	vmul.f32 $9.499999880e-01, v0  }
0x1ae: {  	(erf) = vpow2.f32 v7;
	v1 =	vmul.f32 v1, v9;
	v2 =	vadd.f32 $-4.999998510e-01, v2  }
0x1af: {  	(erf) = vpow2.f32 v4;
	v4 =	vmul.f32 v0, v0  }
0x1b0: {  	v0 =	vnsel vm1, $0x0, v0;
	v1 =	vadd.f32 $-4.999998510e-01, v1;
	v2 =	vmul.f32 v2, v5  }
0x1b1: {  	v6 =	vbroadcast v0, $0x0  }
0x1b2: {  	v7 =	vbroadcast v0, $0x1;
	v1 =	vmul.f32 v1, v9;
	v2 =	vadd.f32 $1.000000000e+00, v2  }
0x1b3: {  	v8 =	vbroadcast v0, $0x2;
	v10 =	vbroadcast v0, $0x3  }
0x1b4: {  	v11 =	vbroadcast v0, $0x4;
	v1 =	vadd.f32 $1.000000000e+00, v1;
	v2 =	vmul.f32 $5.000000000e-01, v2  }
0x1b5: {  	v13 =	vbroadcast v0, $0x5;
	v14 =	vbroadcast v0, $0x6  }
0x1b6: {  	v35 =	vld [tilespmem:$0x4880];
	v15 =	vbroadcast v0, $0x7;
	v1 =	vmul.f32 $5.000000000e-01, v1;
	v2 =	vadd.f32 $5.000000000e-01, v2  }
0x1b7: {  	v38 =	vbroadcast v0, $0x8;
	v39 =	vbroadcast v0, $0x9  }
0x1b8: {  	v41 =	vbroadcast v0, $0xA;
	v1 =	vadd.f32 $5.000000000e-01, v1;
	v2 =	vadd.f32 v2, v2  }
0x1b9: {  	v42 =	vbroadcast v0, $0xB;
	v47 =	vbroadcast v0, $0xC  }
0x1ba: {  	v26 =	vbroadcast v0, $0xE;
	v40 =	vpop (erf);
	v1 =	vmul.f32 v1, v2  }
0x1bb: {  	v54 =	vmul.f32 v10, v35;
	v55 =	vmul.f32 v11, v35;
	v43 =	vpop (erf)  }
0x1bc: {  	v61 =	vmul.f32 v38, v35;
	v38 =	vmul.f32 v26, v35;
	v25 =	vpop (erf);
	v1 =	vnsel vm1, $0x0, v1  }
0x1bd: {  	v4 =	vsub.f32 $1.000000000e+00, v4;
	v27 =	vpop (erf);
	v10 =	vmul.f32 v1, v40;
	v9 =	vmul.f32 v1, v43  }
0x1be: {  	v26 =	vmul.f32 v1, v25;
	v11 =	vmul.f32 v1, v27;
	v1 =	vld [tilespmem:$0x1FFF0]  }
0x1bf: {  	v24 =	vbroadcast v0, $0xD;
	v0 =	vbroadcast v0, $0xF;
	v57 =	vmax.f32 v4, $9.999999680e-21  }
0x1c0: {  	v4 =	vmul.f32 $5.000000000e-01, v57;
	v5 =	vshrl.u32 v57, $0x1  }
0x1c1: {  	v0 =	vmul.f32 v0, v35;
	v5 =	vsub.s32 $0x5F3759DF, v5  }
0x1c2: {  	v59 =	vmul.f32 v6, v35;
	v6 =	vmul.f32 v5, v4  }
0x1c3: {  	[tilespmem:$0x1FEF0] =	vst v0;
	v0 =	vadd.s32 v1, v49  }
0x1c4: {  	v6 =	vmul.f32 v5, v6  }
0x1c5: {  	v56 =	vmul.f32 v7, v35;
	v53 =	vmul.f32 v8, v35  }
0x1c6: {  	v52 =	vmul.f32 v13, v35;
	v63 =	vmul.f32 v14, v35;
	v6 =	vsub.f32 $1.500000000e+00, v6  }
0x1c7: {  	v62 =	vmul.f32 v15, v35;
	v60 =	vmul.f32 v39, v35  }
0x1c8: {  	v7 =	vmul.f32 v5, v6;
	v8 =	vld.idx.msk [tilespmem:v0+s12+$0x0], $0xffff;
	v0 =	vbroadcast v9, $0x5  }
0x1c9: {  	v58 =	vmul.f32 v41, v35;
	v51 =	vmul.f32 v42, v35  }
0x1ca: {  	v2 =	vmul.f32 v7, v4;
	[tilespmem:$0x1FF20] =	vst v0;
	v0 =	vbroadcast v26, $0x5  }
0x1cb: {  	v50 =	vmul.f32 v47, v35;
	v46 =	vmul.f32 v24, v35  }
0x1cc: {  	v5 =	vmul.f32 v2, v7;
	[tilespmem:$0x1FF30] =	vst v0;
	v0 =	vbroadcast v11, $0x5  }
0x1cd: {  	v44 =	vbroadcast v10, $0x0;
	v47 =	vbroadcast v9, $0x0  }
0x1ce: {  	v43 =	vbroadcast v26, $0x0;
	[tilespmem:$0x1FF40] =	vst v0;
	v0 =	vbroadcast v10, $0x6  }
0x1cf: {  	v45 =	vbroadcast v11, $0x0;
	v40 =	vbroadcast v10, $0x1  }
0x1d0: {  	v42 =	vbroadcast v9, $0x1;
	[tilespmem:$0x1FF50] =	vst v0;
	v0 =	vbroadcast v9, $0x6  }
0x1d1: {  	v39 =	vbroadcast v26, $0x1;
	v41 =	vbroadcast v11, $0x1  }
0x1d2: {  	v35 =	vbroadcast v10, $0x2;
	[tilespmem:$0x1FF60] =	vst v0;
	v0 =	vbroadcast v26, $0x6  }
0x1d3: {  	v36 =	vbroadcast v9, $0x2;
	v34 =	vbroadcast v26, $0x2  }
0x1d4: {  	v37 =	vbroadcast v11, $0x2;
	[tilespmem:$0x1FF70] =	vst v0;
	v0 =	vbroadcast v11, $0x6  }
0x1d5: {  	p0 =	seq.s32 s24, $0x1;
	v31 =	vbroadcast v10, $0x3;
	v2 =	vbroadcast v26, $0x4;
	v1 =	vadd.s32 v1, v48  }
.Ltmp9:
0x1d6: {  	v33 =	vbroadcast v9, $0x3;
	[tilespmem:$0x1FF80] =	vst v0;
	v0 =	vbroadcast v10, $0x7;
	(pc) =	sbr.rel @!p0 .LBB2_15-.Ltmp9, $4  }
0x1d7: {  	v30 =	vbroadcast v26, $0x3;
	[tilespmem:$0x1FF00] =	vst v2;
	v2 =	vbroadcast v10, $0x5  }
0x1d8: {  	v32 =	vbroadcast v11, $0x3;
	[tilespmem:$0x1FF90] =	vst v0;
	v0 =	vbroadcast v9, $0x7  }
0x1d9: {  	v27 =	vbroadcast v10, $0x4;
	v29 =	vbroadcast v9, $0x4;
	[tilespmem:$0x1FF10] =	vst v2  }
0x1da: {  	s24 =	sadd.s32 $0xFFFFFFFF, s24;
	v28 =	vbroadcast v11, $0x4;
	v48 =	vbroadcast v26, $0x7;
	v49 =	vld.idx.msk [tilespmem:v1+s12+$0x0], $0xffff;
	[tilespmem:$0x1FFA0] =	vst v0  }
.LBB2_16:
0x1db: {  	v0 =	vsub.f32 $1.500000000e+00, v5;
	_ =	sdelay $0x1  }
0x1dc: {  	v0 =	vmul.f32 v0, v7;
	_ =	sdelay $0x1  }
0x1dd: {  	v1 =	vmul.f32 v0, v4;
	_ =	sdelay $0x1  }
0x1de: {  	v1 =	vmul.f32 v1, v0  }
0x1df: {  	v18 =	vadd.f32 $5.000000000e-01, v59  }
0x1e0: {  	v23 =	vadd.f32 $5.000000000e-01, v56;
	v1 =	vsub.f32 $1.500000000e+00, v1  }
0x1e1: {  	v59 =	vadd.f32 $5.000000000e-01, v54;
	v54 =	vadd.f32 $5.000000000e-01, v63  }
0x1e2: {  	v56 =	vsel vm0, v43, v45;
	v62 =	vadd.f32 $5.000000000e-01, v62;
	v0 =	vmul.f32 v1, v0  }
0x1e3: {  	v31 =	vsel vm0, v31, v33;
	v33 =	vbroadcast v9, $0x8;
	vm2 =	vgt.s32 v8, v49  }
0x1e4: {  	v27 =	vsel vm0, v27, v29;
	v1 =	vsel vm2, v49, v8;
	v0 =	vmul.f32 v0, v57  }
0x1e5: {  	v29 =	vbroadcast v11, $0x8;
	v4 =	vadd.s32 $0xFFFFFFFF, v1;
	v5 =	vadd.s32 $0xFFFFFFE, v1  }
0x1e6: {  	v24 =	vshll.u32 v4, $0x2;
	v25 =	vbroadcast v0, $0x0;
	v13 =	vbroadcast v0, $0x1  }
0x1e7: {  	v6 =	vld [tilespmem:$0x4890];
	v4 =	vmul.u32 v5, v4;
	v5 =	vbroadcast v0, $0x2;
	v14 =	vbroadcast v0, $0x3  }
0x1e8: {  	v2 =	vsel vm2, v8, v49;
	v49 =	vbroadcast v0, $0x4;
	v15 =	vbroadcast v0, $0x5  }
0x1e9: {  	v63 =	vadd.f32 $5.000000000e-01, v61;
	v16 =	vbroadcast v0, $0x6;
	v17 =	vbroadcast v0, $0x7  }
0x1ea: {  	v2 =	vadd.s32 v24, v2;
	v57 =	vbroadcast v0, $0x8;
	v19 =	vbroadcast v0, $0x9  }
0x1eb: {  	v4 =	vshrl.u32 v4, $0x1;
	v20 =	vbroadcast v0, $0xA;
	v21 =	vbroadcast v0, $0xC  }
0x1ec: {  	v22 =	vbroadcast v0, $0xE;
	v1 =	vadd.s32 v4, v1;
	v4 =	vmul.f32 v25, v6  }
0x1ed: {  	v2 =	vsub.s32 v2, v1;
	v1 =	vbroadcast v0, $0xB;
	v13 =	vmul.f32 v13, v6  }
0x1ee: {  	v43 =	vadd.f32 $5.000000000e-01, v58;
	v5 =	vmul.f32 v5, v6;
	v14 =	vmul.f32 v14, v6  }
0x1ef: {  	v45 =	vadd.f32 $5.000000000e-01, v50;
	v7 =	vmul.f32 v49, v6;
	v15 =	vmul.f32 v15, v6  }
0x1f0: {  	v24 =	vadd.f32 $5.000000000e-01, v53;
	v16 =	vmul.f32 v16, v6;
	v17 =	vmul.f32 v17, v6  }
0x1f1: {  	v8 =	vmul.f32 v57, v6;
	v49 =	vadd.f32 $5.000000000e-01, v55;
	v19 =	vmul.f32 v19, v6  }
0x1f2: {  	v20 =	vmul.f32 v20, v6;
	v21 =	vmul.f32 v21, v6;
	v55 =	vsel vm0, v44, v47  }
0x1f3: {  	v57 =	vsel vm0, v40, v42;
	v42 =	vadd.f32 $5.000000000e-01, v60;
	v44 =	vadd.f32 $5.000000000e-01, v51  }
0x1f4: {  	v60 =	vbroadcast v9, $0xA;
	v4 =	vadd.f32 v4, v18;
	v18 =	vbroadcast v0, $0xD  }
0x1f5: {  	v0 =	vbroadcast v0, $0xF;
	v13 =	vadd.f32 v13, v23;
	v5 =	vadd.f32 v5, v24  }
0x1f6: {  	v14 =	vadd.f32 v14, v59;
	v53 =	vmul.f32 v1, v6;
	v7 =	vadd.f32 v7, v49  }
0x1f7: {  	v59 =	vsel vm0, v39, v41;
	v8 =	vadd.f32 v8, v63;
	v41 =	vsel vm0, v34, v37  }
0x1f8: {  	v34 =	vbroadcast v10, $0x8;
	v21 =	vadd.f32 v21, v45;
	v63 =	vbroadcast v26, $0xA  }
0x1f9: {  	v45 =	vadd.f32 $5.000000000e-01, v46;
	v46 =	vbroadcast v26, $0xB;
	v4 =	vmul.f32 v4, v4  }
0x1fa: {  	v17 =	vadd.f32 v17, v62;
	v1 =	vmul.f32 v13, v13;
	v18 =	vmul.f32 v18, v6  }
0x1fb: {  	v47 =	vld [tilespmem:$0x1FF00];
	v19 =	vadd.f32 v19, v42;
	v5 =	vmul.f32 v5, v5;
	v0 =	vmul.f32 v0, v6  }
0x1fc: {  	v20 =	vadd.f32 v20, v43;
	v14 =	vmul.f32 v14, v14;
	v7 =	vmul.f32 v7, v7  }
0x1fd: {  	v23 =	vadd.f32 v53, v44;
	v53 =	vbroadcast v9, $0x9;
	v17 =	vmul.f32 v17, v17  }
0x1fe: {  	v12 =	vmul.u32 $0x140, v12;
	v8 =	vmul.f32 v8, v8;
	v19 =	vmul.f32 v19, v19  }
0x1ff: {  	v2 =	vshll.u32 v2, $0x5;
	v44 =	vbroadcast v11, $0xA;
	v20 =	vmul.f32 v20, v20  }
0x200: {  	v21 =	vmul.f32 v21, v21;
	v28 =	vsel vm0, v47, v28;
	v47 =	vbroadcast v11, $0xB  }
0x201: {  	v13 =	vadd.f32 $5.000000000e-01, v52;
	v4 =	vmul.f32 v4, v4;
	v25 =	vmul.f32 v1, v1  }
0x202: {  	v50 =	vld [tilespmem:$0x1FF20];
	v2 =	vadd.s32 v12, v2;
	v1 =	vmul.f32 v22, v6;
	v5 =	vmul.f32 v5, v5  }
0x203: {  	v49 =	vld [tilespmem:$0x1FF10];
	v13 =	vadd.f32 v15, v13;
	v14 =	vmul.f32 v14, v14;
	v7 =	vmul.f32 v7, v7  }
0x204: {  	v15 =	vadd.f32 v16, v54;
	v54 =	vbroadcast v26, $0x9;
	v12 =	vmul.f32 v17, v17  }
0x205: {  	v17 =	vbroadcast v11, $0x9;
	v8 =	vmul.f32 v8, v8  }
0x206: {  	v19 =	vmul.f32 v19, v19;
	v20 =	vmul.f32 v20, v20  }
0x207: {  	v30 =	vsel vm0, v30, v32;
	v23 =	vmul.f32 v23, v23;
	v21 =	vmul.f32 v21, v21  }
0x208: {  	v32 =	vsel vm0, v49, v50;
	v50 =	vbroadcast v9, $0xC;
	v4 =	vmul.f32 v4, v4  }
0x209: {  	v51 =	vld [tilespmem:$0x1FF30];
	v16 =	vmul.f32 v25, v25;
	v5 =	vmul.f32 v5, v5  }
0x20a: {  	v52 =	vld [tilespmem:$0x1FF40];
	v14 =	vmul.f32 v14, v14;
	v25 =	vbroadcast v11, $0x7  }
0x20b: {  	v13 =	vmul.f32 v13, v13;
	v7 =	vmul.f32 v7, v7  }
0x20c: {  	v15 =	vmul.f32 v15, v15;
	v12 =	vmul.f32 v12, v12  }
0x20d: {  	v40 =	vsel vm0, v35, v36;
	v8 =	vmul.f32 v8, v8;
	v19 =	vmul.f32 v19, v19  }
0x20e: {  	v17 =	vsel vm0, v54, v17;
	v20 =	vmul.f32 v20, v20;
	v21 =	vmul.f32 v21, v21  }
0x20f: {  	v54 =	vbroadcast v9, $0xD;
	v35 =	vsel vm0, v51, v52;
	v51 =	vbroadcast v26, $0xC  }
0x210: {  	v4 =	vmul.f32 v4, v4;
	v16 =	vmul.f32 v16, v16  }
0x211: {  	v5 =	vmul.f32 v5, v5;
	v14 =	vmul.f32 v14, v14  }
0x212: {  	v13 =	vmul.f32 v13, v13;
	v7 =	vmul.f32 v7, v7  }
0x213: {  	v2 =	vnsel vm1, $0x0, v2;
	v15 =	vmul.f32 v15, v15;
	v12 =	vmul.f32 v12, v12  }
0x214: {  	(v2sf) =	vpush v2, $0x0;
	v8 =	vmul.f32 v8, v8;
	v19 =	vmul.f32 v19, v19  }
0x215: {  	v21 =	vmul.f32 v21, v21;
	v4 =	vmul.f32 v4, v4  }
0x216: {  	(v2sf) =	vpush v2, $0x1;
	v16 =	vmul.f32 v16, v16;
	v5 =	vmul.f32 v5, v5  }
0x217: {  	v14 =	vmul.f32 v14, v14;
	v13 =	vmul.f32 v13, v13  }
0x218: {  	(v2sf) =	vpush v2, $0x2;
	v7 =	vmul.f32 v7, v7;
	v15 =	vmul.f32 v15, v15  }
0x219: {  	v12 =	vmul.f32 v12, v12;
	v8 =	vmul.f32 v8, v8  }
0x21a: {  	(v2sf) =	vpush v2, $0x3;
	v19 =	vmul.f32 v19, v19;
	v6 =	vmul.f32 v4, v55  }
0x21b: {  	v33 =	vsel vm0, v34, v33;
	v4 =	vmul.f32 v4, v56;
	v22 =	vmul.f32 v16, v57  }
0x21c: {  	(v2sf) =	vpush v2, $0x4;
	v16 =	vmul.f32 v16, v59;
	v24 =	vmul.f32 v5, v40  }
0x21d: {  	(v2sf) =	vpush v2, $0x5;
	v5 =	vmul.f32 v5, v41;
	v31 =	vmul.f32 v14, v31  }
0x21e: {  	v61 =	vld [tilespmem:$0x1FF90];
	v25 =	vsel vm0, v48, v25;
	v14 =	vmul.f32 v14, v30;
	v30 =	vbroadcast v26, $0x8  }
0x21f: {  	v62 =	vld [tilespmem:$0x1FFA0];
	v48 =	vadd.f32 $5.000000000e-01, v38;
	v13 =	vmul.f32 v13, v13;
	v27 =	vmul.f32 v7, v27  }
0x220: {  	v58 =	vld [tilespmem:$0x1FF70];
	(v2sf) =	vpush v2, $0x6;
	v7 =	vmul.f32 v7, v28;
	v28 =	vbroadcast v10, $0x9  }
0x221: {  	v1 =	vadd.f32 v1, v48;
	v15 =	vmul.f32 v15, v15;
	v55 =	vld [tilespmem:$0x1FF50];
	v57 =	vbroadcast v10, $0xA  }
0x222: {  	v56 =	vld [tilespmem:$0x1FF60];
	v33 =	vmul.f32 v8, v33;
	v49 =	vmul.f32 v19, v17  }
0x223: {  	(v2sf) =	vpush v2, $0x7;
	v59 =	vld [tilespmem:$0x1FF80];
	v17 =	vbroadcast v10, $0xC;
	v1 =	vmul.f32 v1, v1;
	s0 =	spop (v2sf)  }
0x224: {  	v41 =	vsel vm0, v61, v62;
	v61 =	vbroadcast v11, $0xF;
	v62 =	vbroadcast v10, $0xF;
	[tilespmem:s0+$0x4900] =	vst.add.f32.msk $0xffff, v6  }
0x225: {  	v41 =	vmul.f32 v12, v41;
	v12 =	vmul.f32 v12, v25;
	(v2sf) =	vpush v2, $0x8;
	[tilespmem:s0+$0x4910] =	vst.add.f32.msk $0xffff, v4;
	s31 =	spop (v2sf)  }
0x226: {  	v13 =	vmul.f32 v13, v13;
	v15 =	vmul.f32 v15, v15;
	[tilespmem:s31+$0x5080] =	vst.add.f32.msk $0xffff, v22  }
0x227: {  	v29 =	vsel vm0, v30, v29;
	v30 =	vbroadcast v10, $0xB;
	(v2sf) =	vpush v2, $0x9;
	[tilespmem:s31+$0x5090] =	vst.add.f32.msk $0xffff, v16;
	s1 =	spop (v2sf)  }
0x228: {  	v28 =	vsel vm0, v28, v53;
	v53 =	vbroadcast v10, $0xD;
	v1 =	vmul.f32 v1, v1;
	[tilespmem:s1+$0x4900] =	vst.add.f32.msk $0xffff, v24  }
0x229: {  	v8 =	vmul.f32 v8, v29;
	v29 =	vbroadcast v9, $0xB;
	(v2sf) =	vpush v2, $0xA;
	[tilespmem:s1+$0x4910] =	vst.add.f32.msk $0xffff, v5;
	s13 =	spop (v2sf)  }
0x22a: {  	v18 =	vadd.f32 v18, v45;
	v28 =	vmul.f32 v19, v28;
	v19 =	vmul.f32 v20, v20;
	[tilespmem:s13+$0x5080] =	vst.add.f32.msk $0xffff, v31  }
0x22b: {  	v32 =	vmul.f32 v13, v32;
	v13 =	vmul.f32 v13, v35;
	(v2sf) =	vpush v2, $0xB;
	[tilespmem:s13+$0x5090] =	vst.add.f32.msk $0xffff, v14;
	s14 =	spop (v2sf)  }
0x22c: {  	v1 =	vmul.f32 v1, v1;
	v37 =	vsel vm0, v55, v56;
	v19 =	vmul.f32 v19, v19;
	[tilespmem:s14+$0x4900] =	vst.add.f32.msk $0xffff, v27  }
0x22d: {  	v55 =	vmul.f32 v18, v18;
	v18 =	vbroadcast v26, $0xD;
	(v2sf) =	vpush v2, $0xC;
	[tilespmem:s14+$0x4910] =	vst.add.f32.msk $0xffff, v7  }
0x22e: {  	v40 =	vsel vm0, v58, v59;
	v56 =	vbroadcast v9, $0xE;
	v59 =	vbroadcast v11, $0xE;
	s15 =	spop (v2sf);
	v7 =	vld [tilespmem:$0x1FEF0]  }
0x22f: {  	v37 =	vmul.f32 v15, v37;
	v4 =	vmul.f32 v23, v23;
	(v2sf) =	vpush v2, $0xD;
	[tilespmem:s15+$0x5080] =	vst.add.f32.msk $0xffff, v32  }
0x230: {  	v15 =	vmul.f32 v15, v40;
	v1 =	vmul.f32 v1, v1;
	v16 =	vsel vm0, v57, v60;
	[tilespmem:s15+$0x5090] =	vst.add.f32.msk $0xffff, v13;
	s21 =	spop (v2sf)  }
0x231: {  	v60 =	vbroadcast v26, $0xF;
	v4 =	vmul.f32 v4, v4;
	(v2sf) =	vpush v2, $0xE;
	[tilespmem:s21+$0x4900] =	vst.add.f32.msk $0xffff, v37  }
0x232: {  	v5 =	vsel vm0, v63, v44;
	v16 =	vmul.f32 v19, v16;
	v1 =	vmul.f32 v1, v1;
	[tilespmem:s21+$0x4910] =	vst.add.f32.msk $0xffff, v15;
	s22 =	spop (v2sf)  }
0x233: {  	v5 =	vmul.f32 v19, v5;
	(v2sf) =	vpush v2, $0xF;
	[tilespmem:s22+$0x5080] =	vst.add.f32.msk $0xffff, v41;
	v7 =	vadd.f32 $5.000000000e-01, v7  }
0x234: {  	v17 =	vsel vm0, v17, v50;
	v4 =	vmul.f32 v4, v4;
	v13 =	vmul.f32 v21, v21;
	[tilespmem:s22+$0x5090] =	vst.add.f32.msk $0xffff, v12;
	s23 =	spop (v2sf)  }
0x235: {  	v19 =	vbroadcast v11, $0xC;
	v0 =	vadd.f32 v0, v7;
	v7 =	vmul.f32 v55, v55;
	[tilespmem:s23+$0x4900] =	vst.add.f32.msk $0xffff, v33  }
0x236: {  	v14 =	vsel vm0, v30, v29;
	v4 =	vmul.f32 v4, v4;
	v17 =	vmul.f32 v13, v17;
	[tilespmem:s23+$0x4910] =	vst.add.f32.msk $0xffff, v8;
	s24 =	spop (v2sf)  }
0x237: {  	v15 =	vsel vm0, v51, v19;
	v7 =	vmul.f32 v7, v7;
	v0 =	vmul.f32 v0, v0;
	[tilespmem:s24+$0x5080] =	vst.add.f32.msk $0xffff, v28  }
0x238: {  	v2 =	vmul.f32 v13, v15;
	v14 =	vmul.f32 v4, v14;
	[tilespmem:s24+$0x5090] =	vst.add.f32.msk $0xffff, v49;
	s25 =	spop (v2sf)  }
0x239: {  	v52 =	vsel vm0, v46, v47;
	v7 =	vmul.f32 v7, v7;
	v0 =	vmul.f32 v0, v0;
	[tilespmem:s25+$0x4900] =	vst.add.f32.msk $0xffff, v16  }
0x23a: {  	v13 =	vbroadcast v11, $0xD;
	v4 =	vmul.f32 v4, v52;
	[tilespmem:s25+$0x4910] =	vst.add.f32.msk $0xffff, v5;
	s26 =	spop (v2sf)  }
0x23b: {  	v57 =	vmul.f32 v7, v7;
	v0 =	vmul.f32 v0, v0;
	[tilespmem:s26+$0x5080] =	vst.add.f32.msk $0xffff, v14  }
0x23c: {  	v58 =	vsel vm0, v53, v54;
	v12 =	vbroadcast v10, $0xE;
	v15 =	vbroadcast v26, $0xE;
	[tilespmem:s26+$0x5090] =	vst.add.f32.msk $0xffff, v4;
	s28 =	spop (v2sf)  }
0x23d: {  	v5 =	vsel vm0, v18, v13;
	[tilespmem:s28+$0x4900] =	vst.add.f32.msk $0xffff, v17;
	v7 =	vmul.f32 v57, v58;
	v0 =	vmul.f32 v0, v0  }
0x23e: {  	v63 =	vbroadcast v9, $0xF;
	v4 =	vsel vm0, v12, v56;
	[tilespmem:s28+$0x4910] =	vst.add.f32.msk $0xffff, v2;
	s29 =	spop (v2sf);
	v5 =	vmul.f32 v57, v5  }
0x23f: {  	v2 =	vmul.f32 v1, v4;
	v4 =	vsel vm0, v15, v59;
	v0 =	vmul.f32 v0, v0;
	[tilespmem:s29+$0x5080] =	vst.add.f32.msk $0xffff, v7  }
0x240: {  	v1 =	vmul.f32 v1, v4;
	v4 =	vsel vm0, v60, v61;
	s30 =	spop (v2sf);
	[tilespmem:s29+$0x5090] =	vst.add.f32.msk $0xffff, v5  }
0x241: {  	[tilespmem:s30+$0x4900] =	vst.add.f32.msk $0xffff, v2;
	v2 =	vsel vm0, v62, v63;
	v4 =	vmul.f32 v0, v4  }
0x242: {  	s31 =	spop (v2sf);
	[tilespmem:s30+$0x4910] =	vst.add.f32.msk $0xffff, v1;
	v0 =	vmul.f32 v0, v2  }
0x243: {  	[tilespmem:s31+$0x5090] =	vst.add.f32.msk $0xffff, v4  }
0x244: {  	[tilespmem:s31+$0x5080] =	vst.add.f32.msk $0xffff, v0  }
0x245: {  	v13 =	vld [tilespmem:$0x1FFE0]  }
0x246: {  	v28 =	vld [tilespmem:$0x1FFF0]  }
0x247: {  	v15 =	vld [tilespmem:$0x1FFB0]  }
0x248: {  	v16 =	vld [tilespmem:$0x1FFC0]  }
0x249: {  	v14 =	vlaneseq.u32;
	v12 =	vimm.s32 $0x0;
	v17 =	vld [tilespmem:$0x1FFD0]  }
.LBB2_10:
0x24a: {  	s21 =	simm.s32 $0x4940  }
0x24b: {  	s22 =	simm.s32 $0x50C0;
	v1 =	vld [tilespmem:s21+$0x30]  }
0x24c: {  	v2 =	vld [tilespmem:s22+$0x30]  }
0x24d: {  	v0 =	vld [tilespmem:s22+$0xFFFFFFC0]  }
0x24e: {  	v4 =	vld [tilespmem:s21+$0xFFFFFFD0]  }
0x24f: {  	v5 =	vld [tilespmem:s22+$0xFFFFFFD0]  }
0x250: {  	v6 =	vld [tilespmem:s21+$0xFFFFFFE0]  }
0x251: {  	v7 =	vld [tilespmem:s22+$0xFFFFFFE0]  }
0x252: {  	v8 =	vld [tilespmem:s21+$0xFFFFFFF0]  }
0x253: {  	v9 =	vld [tilespmem:s22+$0xFFFFFFF0]  }
0x254: {  	v10 =	vld [tilespmem:s21+$0x0]  }
0x255: {  	v11 =	vld [tilespmem:s22+$0x0];
	v2 =	vadd.f32 v2, v1  }
0x256: {  	v5 =	vadd.f32 v5, v4;
	v1 =	vld [tilespmem:s21+$0x10]  }
0x257: {  	v6 =	vadd.f32 v7, v6;
	v4 =	vld [tilespmem:s22+$0x10];
	[tilespmem:s21+$0x30] =	vst v2  }
0x258: {  	v7 =	vadd.f32 v9, v8;
	[tilespmem:s21+$0xFFFFFFD0] =	vst v5;
	v2 =	vld [tilespmem:s21+$0x20]  }
0x259: {  	[tilespmem:s21+$0xFFFFFFE0] =	vst v6;
	v6 =	vld [tilespmem:s22+$0x20]  }
0x25a: {  	s0 =	simm.s32 $0x0;
	s1 =	simm.s32 $0x49C0;
	v5 =	vld [tilespmem:s21+$0xFFFFFFC0];
	[tilespmem:s21+$0xFFFFFFF0] =	vst v7;
	v7 =	vadd.f32 v11, v10  }
.LBB2_11:
0x25b: {  	v8 =	vld [tilespmem:s1+$0x30];
	s22 =	sadd.s32 $0x80, s22  }
0x25c: {  	s0 =	sadd.s32 $0x8, s0;
	v9 =	vld [tilespmem:s22+$0x30];
	[tilespmem:s21+$0x0] =	vst v7;
	v1 =	vadd.f32 v4, v1  }
0x25d: {  	p0 =	slt.u32 s0, $0x70;
	v4 =	vld [tilespmem:s22+$0xFFFFFFC0]  }
0x25e: {  	v7 =	vld [tilespmem:s1+$0xFFFFFFD0];
	[tilespmem:s21+$0x10] =	vst v1;
	v1 =	vadd.f32 v6, v2  }
0x25f: {  	v2 =	vld [tilespmem:s22+$0xFFFFFFD0];
	v10 =	vadd.f32 v0, v5  }
0x260: {  	v5 =	vld [tilespmem:s1+$0xFFFFFFE0];
	[tilespmem:s21+$0x20] =	vst v1  }
0x261: {  	v1 =	vld [tilespmem:s22+$0xFFFFFFE0];
	v6 =	vadd.f32 v9, v8;
	[tilespmem:s21+$0xFFFFFFC0] =	vst v10;
	s21 =	smov.u32 s1  }
0x262: {  	v8 =	vld [tilespmem:s1+$0xFFFFFFF0];
	v0 =	vmov v4  }
0x263: {  	v9 =	vld [tilespmem:s22+$0xFFFFFFF0];
	[tilespmem:s1+$0x30] =	vst v6  }
0x264: {  	v2 =	vadd.f32 v2, v7;
	v7 =	vld [tilespmem:s1+$0x0]  }
0x265: {  	v10 =	vld [tilespmem:s22+$0x0]  }
.Ltmp10:
0x266: {  	[tilespmem:s1+$0xFFFFFFD0] =	vst v2;
	v2 =	vadd.f32 v1, v5;
	v1 =	vld [tilespmem:s1+$0x10];
	(pc) =	sbr.rel @p0 .LBB2_11-.Ltmp10, $4  }
0x267: {  	v4 =	vld [tilespmem:s22+$0x10]  }
0x268: {  	[tilespmem:s1+$0xFFFFFFE0] =	vst v2;
	v8 =	vadd.f32 v9, v8;
	v2 =	vld [tilespmem:s1+$0x20]  }
0x269: {  	v6 =	vld [tilespmem:s22+$0x20]  }
0x26a: {  	s1 =	sadd.s32 $0x80, s1;
	v5 =	vld [tilespmem:s21+$0xFFFFFFC0];
	[tilespmem:s21+$0xFFFFFFF0] =	vst v8;
	v7 =	vadd.f32 v10, v7  }
0x26b: {  	_ =	sdelay $0x1  }
0x26c: {  	v1 =	vadd.f32 v4, v1  }
0x26d: {  	[tilespmem:s21+$0x0] =	vst v7;
	v2 =	vadd.f32 v6, v2  }
0x26e: {  	s20 =	sadd.s32 $0x1, s20;
	[tilespmem:s21+$0x10] =	vst v1;
	v0 =	vadd.f32 v0, v5  }
0x26f: {  	p0 =	sne.s32 s20, s11;
	[tilespmem:s21+$0x20] =	vst v2  }
.Ltmp11:
0x270: {  	[tilespmem:s21+$0xFFFFFFC0] =	vst v0;
	(pc) =	sbr.rel @p0 .LBB2_1-.Ltmp11, $4  }
0x271: {  	[hbm4b:s10+s2] =	stream.linear.scatter [tilespmem:s18], [sflag:$0x2], $0x780, $0x38;
	[tilespmem:$0x5800] =	vst v63  }
0x272: {  	_ =	swait.ge [sflag:s19], $0x780  }
0x273: {  	[sflag:s19] =	ssyncset.done $0x0  }
0x274: {  	[sflag:s19] =	ssyncadd.s32 $0xFFFFF880  }
0x275: {  	_ =	sfence.sel $0x180000  }
0x276: {  	[bflag:$0x0] =	sbarrier.arrive $0xFFFF  }
0x277: {  	_ =	strace $0x90000047  }
0x278: {  	s0 =	stileid.u32;
	[bflag:$0x2] =	sbarrier.arrive $0xFFFF  }
0x279: {  	p0 =	sne.s32 s0, $0x0;
	s0 =	rddreg [dreg:$0x2]  }
0x27a: {  	s0 =	sadd.s32 @!p0 $0x100000, s0  }
0x27b: {  	[sflag:s0] =	ssyncadd.tile.s32 @!p0 $0x1;
	_ =	shalt  }
.Lfunc_end2:
_tile_overlayer_lowered:
.L_overlay_start_2:
0x27c: {  	(tag) =	ssettag $0x2  }
0x27d: {  	s0 =	rddreg [dreg:$0x0];
	s2 =	stileid.u32  }
0x27e: {  	s1 =	rddreg [dreg:$0x1];
	p0 =	sne.s32 s2, $0x0  }
0x27f: {  	s3 =	rddreg [dreg:$0x2];
	[bflag:$0x3] =	sbarrier.arrive $0xFFFF;
	s2 =	simm.s32 @!p0 $0x1C02  }
0x280: {  	[timem:s3], [sflag:s2] =	dma.local @!p0 [hbm:s0], s1  }
0x281: {  	s0 =	simm.s32 @!p0 $0x2  }
0x282: {  	_ =	swait.ge @!p0 [sflag:s0], s1  }
0x283: {  	s1 =	ssub.s32 @!p0 $0x0, s1;
	[sflag:s0] =	ssyncset.done @!p0 $0x0  }
0x284: {  	[sflag:s0] =	ssyncadd.s32 @!p0 s1  }
0x285: {  	[bflag:$0x3] =	sbarrier.arrive $0xFFFF  }
0x286: {  	_ =	shalt  }

</sc_bundles>
